<compile_context>
chip_gen: v7x
topology: tpu7x:2x2x1
jax: 0.10.2.dev20260603
libtpu: 0.0.44.dev20260713+nightly
codegen_flags: <defaults>
</compile_context>

<pallas_src>
import functools

import jax
import jax.numpy as jnp
from jax import lax
from jax.experimental import pallas as pl
from jax.experimental.pallas import tpu as pltpu
from jax.experimental.pallas import tpu_sc as plsc

_BATCH, _HIST, _DIM = 16384, 50, 32
_VOCAB = 1000000

_info = plsc.get_sparse_core_info()
_NC, _NS = _info.num_cores, _info.num_subcores
_NW = _NC * _NS
_BPW = _BATCH // _NW
_NJ = _BPW // 128
_SK = 129
_NBB = _BATCH // 128
_HSLAB = (_DIM // 8) * _NBB

_mesh = plsc.VectorSubcoreMesh(core_axis_name="c", subcore_axis_name="s")


@functools.partial(
    pl.kernel,
    mesh=_mesh,
    out_type=jax.ShapeDtypeStruct((_HIST * _HSLAB, 8, 128), jnp.float32),
    scratch_types=[
        pltpu.VMEM((_HIST, _BPW), jnp.int32),
        pltpu.VMEM((2 * _NJ, 128, _DIM), jnp.float32),
        pltpu.VMEM((2, _NJ, _DIM, _SK), jnp.float32),
        pltpu.SemaphoreType.DMA,
        pltpu.SemaphoreType.DMA,
    ],
    compiler_params=pltpu.CompilerParams(
        use_tc_tiling_on_sc=False, needs_layout_passes=False
    ),
)
def _emb_gather(xt_hbm, table_hbm, out_hbm, idx_v, gbuf, tbuf, gsem, osem):
    wid = lax.axis_index("s") * _NC + lax.axis_index("c")
    b0 = wid * _BPW
    pltpu.sync_copy(xt_hbm.at[:, pl.ds(b0, _BPW)], idx_v)

    iota16 = lax.iota(jnp.int32, 16)
    c_lo = iota16
    c_hi = iota16 + 16

    def step(h, carry):
        b2 = (h - 1) % 2

        @pl.when(h < _HIST)
        def _fire_gathers():
            for j in range(_NJ):
                pltpu.async_copy(
                    table_hbm.at[idx_v.at[h, pl.ds(j * 128, 128)]],
                    gbuf.at[(h % 2) * _NJ + j],
                    gsem,
                )

        @pl.when(h >= 1)
        def _transpose_and_writeout():
            hh = h - 1
            for j in range(_NJ):
                pltpu.make_async_copy(
                    table_hbm.at[pl.ds(0, 128)],
                    gbuf.at[b2 * _NJ + j],
                    gsem,
                ).wait()

            @pl.when(h >= 3)
            def _wait_writeout():
                for rr in range(_DIM // 8):
                    for j in range(_NJ):
                        pltpu.make_async_copy(
                            tbuf.at[b2, j, pl.ds(rr * 8, 8), pl.ds(0, 128)],
                            out_hbm.at[0],
                            osem,
                        ).wait()

            def tbody(j, c2):
                blk = gbuf.at[b2 * _NJ + j]
                dst = tbuf.at[b2, j]

                def bbody(bb, c3):
                    bsplat = c3 + bb * 16
                    for t in range(16):
                        boff = bb * 16 + t
                        lo = blk.at[boff, pl.ds(0, 16)][...]
                        hi = blk.at[boff, pl.ds(16, 16)][...]
                        bt = bsplat + t
                        plsc.store_scatter(dst, [c_lo, bt], lo)
                        plsc.store_scatter(dst, [c_hi, bt], hi)
                    return c3

                lax.fori_loop(0, 8, bbody, jnp.zeros((16,), jnp.int32))
                return c2

            lax.fori_loop(0, _NJ, tbody, 0)

            for rr in range(_DIM // 8):
                def jbody(j, c4):
                    row = hh * _HSLAB + rr * _NBB + wid * _NJ + j
                    pltpu.async_copy(
                        tbuf.at[b2, j, pl.ds(rr * 8, 8), pl.ds(0, 128)],
                        out_hbm.at[row],
                        osem,
                    )
                    return c4
                lax.fori_loop(0, _NJ, jbody, 0)

        return carry

    lax.fori_loop(0, _HIST + 1, step, 0)
    for b2 in (0, 1):
        for rr in range(_DIM // 8):
            for j in range(_NJ):
                pltpu.make_async_copy(
                    tbuf.at[b2, j, pl.ds(rr * 8, 8), pl.ds(0, 128)],
                    out_hbm.at[0],
                    osem,
                ).wait()


def kernel(x, embedding):
    table = jnp.pad(embedding, ((0, 0), (0, 128 - _DIM))).reshape(
        4 * _VOCAB, _DIM
    )
    out = _emb_gather((x * 4).T, table)
    out = out.reshape(_HIST, _DIM // 8, _BATCH // 128, 8, 128)
    return out.transpose(2, 4, 0, 1, 3).reshape(_BATCH, _HIST, _DIM)

# --- scband reference (transcript-rebuilt; emitter-appended) ---
"""Pipeline reference for scband-embedding-55241869361367 (READ-ONLY COPY).

The authoritative reference and input builder live on the scoring server;
editing this copy changes nothing except your own understanding.
"""

import jax, jax.numpy as jnp
import numpy as np

VOCAB = 1000000
EMB_DIM = 32
BATCH = 16384
HIST = 50

def setup_inputs(seed: int = 0) -> dict:
    key = jax.random.key(seed)
    k_idx, k_emb = jax.random.split(key)
    x = jax.random.randint(k_idx, (BATCH, HIST), 0, VOCAB, dtype=jnp.int64 if jax.config.jax_enable_x64 else jnp.int32)
    init_width = 0.5 / EMB_DIM
    embedding = jax.random.uniform(k_emb, (VOCAB, EMB_DIM), dtype=jnp.float32, minval=-init_width, maxval=init_width)
    return {"x": x, "embedding": embedding}

def reference(x, embedding):
    # tf.nn.embedding_lookup(self.embedding, x)
    return jnp.take(embedding, x, axis=0)

if __name__ == "__main__":
    import jax
    _d = setup_inputs()
    print(jax.jit(kernel)(*tuple(_d.values())))

</pallas_src>

<mosaic_0001>
#map = affine_map<(d0, d1) -> (0, 0)>
#map1 = affine_map<(d0, d1) -> (0, 0, 0)>
module attributes {stable_mosaic.version = 14 : i64} {
  func.func @_emb_gather(%arg0: i32, %arg1: i32, %arg2: memref<50x16384xi32, #tpu.memory_space<hbm>>, %arg3: memref<4000000x32xf32, #tpu.memory_space<hbm>>, %arg4: memref<25600x8x128xf32, #tpu.memory_space<hbm>>, %arg5: memref<50x512xi32, #tpu.memory_space<vmem>>, %arg6: memref<8x128x32xf32, #tpu.memory_space<vmem>>, %arg7: memref<2x4x32x129xf32, #tpu.memory_space<vmem>>, %arg8: memref<!tpu.dma_semaphore, #tpu.memory_space<semaphore_mem>>, %arg9: memref<!tpu.dma_semaphore, #tpu.memory_space<semaphore_mem>>) attributes {dimension_semantics = [#tpu.dimension_semantics<core_parallel>, #tpu.dimension_semantics<subcore_parallel>], iteration_bounds = array<i64: 2, 16>, scalar_prefetch = 0 : i64, scratch_operands = 5 : i64, tpu.core_type = #tpu.core_type<sc_vector_subcore>, window_params = [{transform_indices = #map}, {transform_indices = #map}, {transform_indices = #map1}]} {
    %mul3A = arith.constant 2 : i32
    %mul3A_0 = arith.muli %arg1, %mul3A : i32
    %add3A = arith.addi %mul3A_0, %arg0 : i32
    %mul3A_1 = arith.constant 512 : i32
    %mul3A_2 = arith.muli %add3A, %mul3A_1 : i32
    "tpu.region"() ({
      %run_scoped3A = tpu.sem_alloc : memref<!tpu.dma_semaphore, #tpu.memory_space<semaphore_mem>>
      %dma_start3A = arith.constant 0 : i32
      %dma_start3A_618 = tpu.memref_slice %arg2[%dma_start3A, %mul3A_2] : memref<50x16384xi32, #tpu.memory_space<hbm>> -> memref<50x512xi32, #tpu.memory_space<hbm>>
      %dma_start3A_619 = arith.constant 0 : i32
      %dma_start3A_620 = tpu.memref_slice %arg2[%dma_start3A_619, %mul3A_2] : memref<50x16384xi32, #tpu.memory_space<hbm>> -> memref<50x512xi32, #tpu.memory_space<hbm>>
      tpu.enqueue_dma source(%dma_start3A_620 : memref<50x512xi32, #tpu.memory_space<hbm>>) target(%arg5 : memref<50x512xi32, #tpu.memory_space<vmem>>) target_semaphore(%run_scoped3A : memref<!tpu.dma_semaphore, #tpu.memory_space<semaphore_mem>>)
      %dma_wait3A_621 = arith.constant 0 : i32
      %dma_wait3A_622 = tpu.memref_slice %arg2[%dma_wait3A_621, %mul3A_2] : memref<50x16384xi32, #tpu.memory_space<hbm>> -> memref<50x512xi32, #tpu.memory_space<hbm>>
      %dma_wait3A_623 = arith.constant 0 : i32
      %dma_wait3A_624 = tpu.memref_slice %arg2[%dma_wait3A_623, %mul3A_2] : memref<50x16384xi32, #tpu.memory_space<hbm>> -> memref<50x512xi32, #tpu.memory_space<hbm>>
      tpu.wait_dma2 semaphore(%run_scoped3A : memref<!tpu.dma_semaphore, #tpu.memory_space<semaphore_mem>>) src(%dma_wait3A_624 : memref<50x512xi32, #tpu.memory_space<hbm>>) dst(%arg5 : memref<50x512xi32, #tpu.memory_space<vmem>>)
      tpu.yield
    }) : () -> ()
    %iota3A = tpu.iota {dimensions = array<i32: 0>} : vector<16xi32>
    %add3A_3 = arith.constant 16 : i32
    %add3A_4 = vector.broadcast %add3A_3 : i32 to vector<16xi32>
    %add3A_5 = arith.addi %iota3A, %add3A_4 : vector<16xi32>
    %scan3A = arith.constant 0 : i32
    %scan3A_6 = arith.constant 0 : i32
    %scan3A_7 = arith.constant 51 : i32
    %scan3A_8 = arith.addi %scan3A_6, %scan3A_7 : i32
    %scan3A_9 = arith.constant 1 : i32
    scf.for %scan3A_618 = %scan3A_6 to %scan3A_8 step %scan3A_9  : i32 {
      %sub3A = arith.constant 1 : i32
      %sub3A_619 = arith.subi %scan3A_618, %sub3A : i32
      %jit3A = arith.constant 2 : i32
      %eq3A = arith.constant 0 : i32
      %eq3A_620 = arith.cmpi eq, %jit3A, %eq3A : i32
      %jit3A_621 = arith.constant 1 : i32
      %select_n3A = arith.select %eq3A_620, %jit3A_621, %jit3A : i32
      %rem3A = arith.remsi %sub3A_619, %select_n3A : i32
      %ne3A = arith.constant 0 : i32
      %ne3A_622 = arith.cmpi ne, %rem3A, %ne3A : i32
      %lt3A = arith.constant 0 : i32
      %lt3A_623 = arith.cmpi slt, %rem3A, %lt3A : i32
      %lt3A_624 = arith.constant 0 : i32
      %lt3A_625 = arith.cmpi slt, %select_n3A, %lt3A_624 : i32
      %ne3A_626 = arith.xori %lt3A_623, %lt3A_625 : i1
      %and3A = arith.andi %ne3A_626, %ne3A_622 : i1
      %add3A_627 = arith.addi %rem3A, %select_n3A : i32
      %select_n3A_628 = arith.select %and3A, %add3A_627, %rem3A : i32
      %lt3A_629 = arith.constant 50 : i32
      %lt3A_630 = arith.cmpi slt, %scan3A_618, %lt3A_629 : i32
      %convert_element_type3A = arith.extui %lt3A_630 : i1 to i32
      %cond3A = arith.constant 0 : i32
      %cond3A_631 = arith.cmpi ne, %convert_element_type3A, %cond3A : i32
      scf.if %cond3A_631 {
        %jit3A_636 = arith.constant 2 : i32
        %eq3A_637 = arith.constant 0 : i32
        %eq3A_638 = arith.cmpi eq, %jit3A_636, %eq3A_637 : i32
        %jit3A_639 = arith.constant 1 : i32
        %select_n3A_640 = arith.select %eq3A_638, %jit3A_639, %jit3A_636 : i32
        %rem3A_641 = arith.remsi %scan3A_618, %select_n3A_640 : i32
        %ne3A_642 = arith.constant 0 : i32
        %ne3A_643 = arith.cmpi ne, %rem3A_641, %ne3A_642 : i32
        %lt3A_644 = arith.constant 0 : i32
        %lt3A_645 = arith.cmpi slt, %rem3A_641, %lt3A_644 : i32
        %lt3A_646 = arith.constant 0 : i32
        %lt3A_647 = arith.cmpi slt, %select_n3A_640, %lt3A_646 : i32
        %ne3A_648 = arith.xori %lt3A_645, %lt3A_647 : i1
        %and3A_649 = arith.andi %ne3A_648, %ne3A_643 : i1
        %add3A_650 = arith.addi %rem3A_641, %select_n3A_640 : i32
        %select_n3A_651 = arith.select %and3A_649, %add3A_650, %rem3A_641 : i32
        %mul3A_652 = arith.constant 4 : i32
        %mul3A_653 = arith.muli %select_n3A_651, %mul3A_652 : i32
        %add3A_654 = arith.constant 0 : i32
        %add3A_655 = arith.addi %mul3A_653, %add3A_654 : i32
        %dma_start3A = arith.constant 0 : i32
        %dma_start3A_656 = arith.constant 0 : i32
        %dma_start3A_657 = tpu.memref_slice %arg6[%add3A_655, %dma_start3A, %dma_start3A_656] : memref<8x128x32xf32, #tpu.memory_space<vmem>> -> memref<1x128x32xf32, #tpu.memory_space<vmem>>
        %dma_start3A_658 = tpu.memref_squeeze %dma_start3A_657 : memref<1x128x32xf32, #tpu.memory_space<vmem>> -> memref<128x32xf32, #tpu.memory_space<vmem>>
        %dma_start3A_659 = arith.constant 0 : i32
        %dma_start3A_660 = tpu.memref_slice %arg5[%scan3A_618, %dma_start3A_659] : memref<50x512xi32, #tpu.memory_space<vmem>> -> memref<1x128xi32, #tpu.memory_space<vmem>>
        %dma_start3A_661 = tpu.memref_squeeze %dma_start3A_660 : memref<1x128xi32, #tpu.memory_space<vmem>> -> memref<128xi32, #tpu.memory_space<vmem>>
        %dma_start3A_662 = arith.constant 0 : i32
        %dma_start3A_663 = arith.constant 0 : i32
        %dma_start3A_664 = tpu.memref_slice %arg3[%dma_start3A_662, %dma_start3A_663] : memref<4000000x32xf32, #tpu.memory_space<hbm>> -> memref<4000000x32xf32, #tpu.memory_space<hbm>>
        tpu.enqueue_indirect_dma source(%dma_start3A_664 : memref<4000000x32xf32, #tpu.memory_space<hbm>>) target(%dma_start3A_658 : memref<128x32xf32, #tpu.memory_space<vmem>>) offsets(%dma_start3A_661 : memref<128xi32, #tpu.memory_space<vmem>>) semaphore(%arg8 : memref<!tpu.dma_semaphore, #tpu.memory_space<semaphore_mem>>)
        %jit3A_665 = arith.constant 2 : i32
        %eq3A_666 = arith.constant 0 : i32
        %eq3A_667 = arith.cmpi eq, %jit3A_665, %eq3A_666 : i32
        %jit3A_668 = arith.constant 1 : i32
        %select_n3A_669 = arith.select %eq3A_667, %jit3A_668, %jit3A_665 : i32
        %rem3A_670 = arith.remsi %scan3A_618, %select_n3A_669 : i32
        %ne3A_671 = arith.constant 0 : i32
        %ne3A_672 = arith.cmpi ne, %rem3A_670, %ne3A_671 : i32
        %lt3A_673 = arith.constant 0 : i32
        %lt3A_674 = arith.cmpi slt, %rem3A_670, %lt3A_673 : i32
        %lt3A_675 = arith.constant 0 : i32
        %lt3A_676 = arith.cmpi slt, %select_n3A_669, %lt3A_675 : i32
        %ne3A_677 = arith.xori %lt3A_674, %lt3A_676 : i1
        %and3A_678 = arith.andi %ne3A_677, %ne3A_672 : i1
        %add3A_679 = arith.addi %rem3A_670, %select_n3A_669 : i32
        %select_n3A_680 = arith.select %and3A_678, %add3A_679, %rem3A_670 : i32
        %mul3A_681 = arith.constant 4 : i32
        %mul3A_682 = arith.muli %select_n3A_680, %mul3A_681 : i32
        %add3A_683 = arith.constant 1 : i32
        %add3A_684 = arith.addi %mul3A_682, %add3A_683 : i32
        %dma_start3A_685 = arith.constant 0 : i32
        %dma_start3A_686 = arith.constant 0 : i32
        %dma_start3A_687 = tpu.memref_slice %arg6[%add3A_684, %dma_start3A_685, %dma_start3A_686] : memref<8x128x32xf32, #tpu.memory_space<vmem>> -> memref<1x128x32xf32, #tpu.memory_space<vmem>>
        %dma_start3A_688 = tpu.memref_squeeze %dma_start3A_687 : memref<1x128x32xf32, #tpu.memory_space<vmem>> -> memref<128x32xf32, #tpu.memory_space<vmem>>
        %dma_start3A_689 = arith.constant 128 : i32
        %dma_start3A_690 = tpu.memref_slice %arg5[%scan3A_618, %dma_start3A_689] : memref<50x512xi32, #tpu.memory_space<vmem>> -> memref<1x128xi32, #tpu.memory_space<vmem>>
        %dma_start3A_691 = tpu.memref_squeeze %dma_start3A_690 : memref<1x128xi32, #tpu.memory_space<vmem>> -> memref<128xi32, #tpu.memory_space<vmem>>
        %dma_start3A_692 = arith.constant 0 : i32
        %dma_start3A_693 = arith.constant 0 : i32
        %dma_start3A_694 = tpu.memref_slice %arg3[%dma_start3A_692, %dma_start3A_693] : memref<4000000x32xf32, #tpu.memory_space<hbm>> -> memref<4000000x32xf32, #tpu.memory_space<hbm>>
        tpu.enqueue_indirect_dma source(%dma_start3A_694 : memref<4000000x32xf32, #tpu.memory_space<hbm>>) target(%dma_start3A_688 : memref<128x32xf32, #tpu.memory_space<vmem>>) offsets(%dma_start3A_691 : memref<128xi32, #tpu.memory_space<vmem>>) semaphore(%arg8 : memref<!tpu.dma_semaphore, #tpu.memory_space<semaphore_mem>>)
        %jit3A_695 = arith.constant 2 : i32
        %eq3A_696 = arith.constant 0 : i32
        %eq3A_697 = arith.cmpi eq, %jit3A_695, %eq3A_696 : i32
        %jit3A_698 = arith.constant 1 : i32
        %select_n3A_699 = arith.select %eq3A_697, %jit3A_698, %jit3A_695 : i32
        %rem3A_700 = arith.remsi %scan3A_618, %select_n3A_699 : i32
        %ne3A_701 = arith.constant 0 : i32
        %ne3A_702 = arith.cmpi ne, %rem3A_700, %ne3A_701 : i32
        %lt3A_703 = arith.constant 0 : i32
        %lt3A_704 = arith.cmpi slt, %rem3A_700, %lt3A_703 : i32
        %lt3A_705 = arith.constant 0 : i32
        %lt3A_706 = arith.cmpi slt, %select_n3A_699, %lt3A_705 : i32
        %ne3A_707 = arith.xori %lt3A_704, %lt3A_706 : i1
        %and3A_708 = arith.andi %ne3A_707, %ne3A_702 : i1
        %add3A_709 = arith.addi %rem3A_700, %select_n3A_699 : i32
        %select_n3A_710 = arith.select %and3A_708, %add3A_709, %rem3A_700 : i32
        %mul3A_711 = arith.constant 4 : i32
        %mul3A_712 = arith.muli %select_n3A_710, %mul3A_711 : i32
        %add3A_713 = arith.constant 2 : i32
        %add3A_714 = arith.addi %mul3A_712, %add3A_713 : i32
        %dma_start3A_715 = arith.constant 0 : i32
        %dma_start3A_716 = arith.constant 0 : i32
        %dma_start3A_717 = tpu.memref_slice %arg6[%add3A_714, %dma_start3A_715, %dma_start3A_716] : memref<8x128x32xf32, #tpu.memory_space<vmem>> -> memref<1x128x32xf32, #tpu.memory_space<vmem>>
        %dma_start3A_718 = tpu.memref_squeeze %dma_start3A_717 : memref<1x128x32xf32, #tpu.memory_space<vmem>> -> memref<128x32xf32, #tpu.memory_space<vmem>>
        %dma_start3A_719 = arith.constant 256 : i32
        %dma_start3A_720 = tpu.memref_slice %arg5[%scan3A_618, %dma_start3A_719] : memref<50x512xi32, #tpu.memory_space<vmem>> -> memref<1x128xi32, #tpu.memory_space<vmem>>
        %dma_start3A_721 = tpu.memref_squeeze %dma_start3A_720 : memref<1x128xi32, #tpu.memory_space<vmem>> -> memref<128xi32, #tpu.memory_space<vmem>>
        %dma_start3A_722 = arith.constant 0 : i32
        %dma_start3A_723 = arith.constant 0 : i32
        %dma_start3A_724 = tpu.memref_slice %arg3[%dma_start3A_722, %dma_start3A_723] : memref<4000000x32xf32, #tpu.memory_space<hbm>> -> memref<4000000x32xf32, #tpu.memory_space<hbm>>
        tpu.enqueue_indirect_dma source(%dma_start3A_724 : memref<4000000x32xf32, #tpu.memory_space<hbm>>) target(%dma_start3A_718 : memref<128x32xf32, #tpu.memory_space<vmem>>) offsets(%dma_start3A_721 : memref<128xi32, #tpu.memory_space<vmem>>) semaphore(%arg8 : memref<!tpu.dma_semaphore, #tpu.memory_space<semaphore_mem>>)
        %jit3A_725 = arith.constant 2 : i32
        %eq3A_726 = arith.constant 0 : i32
        %eq3A_727 = arith.cmpi eq, %jit3A_725, %eq3A_726 : i32
        %jit3A_728 = arith.constant 1 : i32
        %select_n3A_729 = arith.select %eq3A_727, %jit3A_728, %jit3A_725 : i32
        %rem3A_730 = arith.remsi %scan3A_618, %select_n3A_729 : i32
        %ne3A_731 = arith.constant 0 : i32
        %ne3A_732 = arith.cmpi ne, %rem3A_730, %ne3A_731 : i32
        %lt3A_733 = arith.constant 0 : i32
        %lt3A_734 = arith.cmpi slt, %rem3A_730, %lt3A_733 : i32
        %lt3A_735 = arith.constant 0 : i32
        %lt3A_736 = arith.cmpi slt, %select_n3A_729, %lt3A_735 : i32
        %ne3A_737 = arith.xori %lt3A_734, %lt3A_736 : i1
        %and3A_738 = arith.andi %ne3A_737, %ne3A_732 : i1
        %add3A_739 = arith.addi %rem3A_730, %select_n3A_729 : i32
        %select_n3A_740 = arith.select %and3A_738, %add3A_739, %rem3A_730 : i32
        %mul3A_741 = arith.constant 4 : i32
        %mul3A_742 = arith.muli %select_n3A_740, %mul3A_741 : i32
        %add3A_743 = arith.constant 3 : i32
        %add3A_744 = arith.addi %mul3A_742, %add3A_743 : i32
        %dma_start3A_745 = arith.constant 0 : i32
        %dma_start3A_746 = arith.constant 0 : i32
        %dma_start3A_747 = tpu.memref_slice %arg6[%add3A_744, %dma_start3A_745, %dma_start3A_746] : memref<8x128x32xf32, #tpu.memory_space<vmem>> -> memref<1x128x32xf32, #tpu.memory_space<vmem>>
        %dma_start3A_748 = tpu.memref_squeeze %dma_start3A_747 : memref<1x128x32xf32, #tpu.memory_space<vmem>> -> memref<128x32xf32, #tpu.memory_space<vmem>>
        %dma_start3A_749 = arith.constant 384 : i32
        %dma_start3A_750 = tpu.memref_slice %arg5[%scan3A_618, %dma_start3A_749] : memref<50x512xi32, #tpu.memory_space<vmem>> -> memref<1x128xi32, #tpu.memory_space<vmem>>
        %dma_start3A_751 = tpu.memref_squeeze %dma_start3A_750 : memref<1x128xi32, #tpu.memory_space<vmem>> -> memref<128xi32, #tpu.memory_space<vmem>>
        %dma_start3A_752 = arith.constant 0 : i32
        %dma_start3A_753 = arith.constant 0 : i32
        %dma_start3A_754 = tpu.memref_slice %arg3[%dma_start3A_752, %dma_start3A_753] : memref<4000000x32xf32, #tpu.memory_space<hbm>> -> memref<4000000x32xf32, #tpu.memory_space<hbm>>
        tpu.enqueue_indirect_dma source(%dma_start3A_754 : memref<4000000x32xf32, #tpu.memory_space<hbm>>) target(%dma_start3A_748 : memref<128x32xf32, #tpu.memory_space<vmem>>) offsets(%dma_start3A_751 : memref<128xi32, #tpu.memory_space<vmem>>) semaphore(%arg8 : memref<!tpu.dma_semaphore, #tpu.memory_space<semaphore_mem>>)
      } else {
      }
      %ge3A = arith.constant 1 : i32
      %ge3A_632 = arith.cmpi sge, %scan3A_618, %ge3A : i32
      %convert_element_type3A_633 = arith.extui %ge3A_632 : i1 to i32
      %cond3A_634 = arith.constant 0 : i32
      %cond3A_635 = arith.cmpi ne, %convert_element_type3A_633, %cond3A_634 : i32
      scf.if %cond3A_635 {
        %sub3A_636 = arith.constant 1 : i32
        %sub3A_637 = arith.subi %scan3A_618, %sub3A_636 : i32
        %mul3A_638 = arith.constant 4 : i32
        %mul3A_639 = arith.muli %select_n3A_628, %mul3A_638 : i32
        %add3A_640 = arith.constant 0 : i32
        %add3A_641 = arith.addi %mul3A_639, %add3A_640 : i32
        %dma_wait3A_642 = arith.constant 0 : i32
        %dma_wait3A_643 = arith.constant 0 : i32
        %dma_wait3A_644 = tpu.memref_slice %arg6[%add3A_641, %dma_wait3A_642, %dma_wait3A_643] : memref<8x128x32xf32, #tpu.memory_space<vmem>> -> memref<1x128x32xf32, #tpu.memory_space<vmem>>
        %dma_wait3A_645 = tpu.memref_squeeze %dma_wait3A_644 : memref<1x128x32xf32, #tpu.memory_space<vmem>> -> memref<128x32xf32, #tpu.memory_space<vmem>>
        %dma_wait3A_646 = arith.constant 0 : i32
        %dma_wait3A_647 = arith.constant 0 : i32
        %dma_wait3A_648 = tpu.memref_slice %arg3[%dma_wait3A_646, %dma_wait3A_647] : memref<4000000x32xf32, #tpu.memory_space<hbm>> -> memref<128x32xf32, #tpu.memory_space<hbm>>
        %dma_wait3A_649 = arith.constant 0 : i32
        %dma_wait3A_650 = arith.constant 0 : i32
        %dma_wait3A_651 = tpu.memref_slice %arg6[%add3A_641, %dma_wait3A_649, %dma_wait3A_650] : memref<8x128x32xf32, #tpu.memory_space<vmem>> -> memref<1x128x32xf32, #tpu.memory_space<vmem>>
        %dma_wait3A_652 = tpu.memref_squeeze %dma_wait3A_651 : memref<1x128x32xf32, #tpu.memory_space<vmem>> -> memref<128x32xf32, #tpu.memory_space<vmem>>
        %dma_wait3A_653 = arith.constant 0 : i32
        %dma_wait3A_654 = arith.constant 0 : i32
        %dma_wait3A_655 = tpu.memref_slice %arg3[%dma_wait3A_653, %dma_wait3A_654] : memref<4000000x32xf32, #tpu.memory_space<hbm>> -> memref<128x32xf32, #tpu.memory_space<hbm>>
        tpu.wait_dma2 semaphore(%arg8 : memref<!tpu.dma_semaphore, #tpu.memory_space<semaphore_mem>>) src(%dma_wait3A_655 : memref<128x32xf32, #tpu.memory_space<hbm>>) dst(%dma_wait3A_652 : memref<128x32xf32, #tpu.memory_space<vmem>>)
        %mul3A_656 = arith.constant 4 : i32
        %mul3A_657 = arith.muli %select_n3A_628, %mul3A_656 : i32
        %add3A_658 = arith.constant 1 : i32
        %add3A_659 = arith.addi %mul3A_657, %add3A_658 : i32
        %dma_wait3A_660 = arith.constant 0 : i32
        %dma_wait3A_661 = arith.constant 0 : i32
        %dma_wait3A_662 = tpu.memref_slice %arg6[%add3A_659, %dma_wait3A_660, %dma_wait3A_661] : memref<8x128x32xf32, #tpu.memory_space<vmem>> -> memref<1x128x32xf32, #tpu.memory_space<vmem>>
        %dma_wait3A_663 = tpu.memref_squeeze %dma_wait3A_662 : memref<1x128x32xf32, #tpu.memory_space<vmem>> -> memref<128x32xf32, #tpu.memory_space<vmem>>
        %dma_wait3A_664 = arith.constant 0 : i32
        %dma_wait3A_665 = arith.constant 0 : i32
        %dma_wait3A_666 = tpu.memref_slice %arg3[%dma_wait3A_664, %dma_wait3A_665] : memref<4000000x32xf32, #tpu.memory_space<hbm>> -> memref<128x32xf32, #tpu.memory_space<hbm>>
        %dma_wait3A_667 = arith.constant 0 : i32
        %dma_wait3A_668 = arith.constant 0 : i32
        %dma_wait3A_669 = tpu.memref_slice %arg6[%add3A_659, %dma_wait3A_667, %dma_wait3A_668] : memref<8x128x32xf32, #tpu.memory_space<vmem>> -> memref<1x128x32xf32, #tpu.memory_space<vmem>>
        %dma_wait3A_670 = tpu.memref_squeeze %dma_wait3A_669 : memref<1x128x32xf32, #tpu.memory_space<vmem>> -> memref<128x32xf32, #tpu.memory_space<vmem>>
        %dma_wait3A_671 = arith.constant 0 : i32
        %dma_wait3A_672 = arith.constant 0 : i32
        %dma_wait3A_673 = tpu.memref_slice %arg3[%dma_wait3A_671, %dma_wait3A_672] : memref<4000000x32xf32, #tpu.memory_space<hbm>> -> memref<128x32xf32, #tpu.memory_space<hbm>>
        tpu.wait_dma2 semaphore(%arg8 : memref<!tpu.dma_semaphore, #tpu.memory_space<semaphore_mem>>) src(%dma_wait3A_673 : memref<128x32xf32, #tpu.memory_space<hbm>>) dst(%dma_wait3A_670 : memref<128x32xf32, #tpu.memory_space<vmem>>)
        %mul3A_674 = arith.constant 4 : i32
        %mul3A_675 = arith.muli %select_n3A_628, %mul3A_674 : i32
        %add3A_676 = arith.constant 2 : i32
        %add3A_677 = arith.addi %mul3A_675, %add3A_676 : i32
        %dma_wait3A_678 = arith.constant 0 : i32
        %dma_wait3A_679 = arith.constant 0 : i32
        %dma_wait3A_680 = tpu.memref_slice %arg6[%add3A_677, %dma_wait3A_678, %dma_wait3A_679] : memref<8x128x32xf32, #tpu.memory_space<vmem>> -> memref<1x128x32xf32, #tpu.memory_space<vmem>>
        %dma_wait3A_681 = tpu.memref_squeeze %dma_wait3A_680 : memref<1x128x32xf32, #tpu.memory_space<vmem>> -> memref<128x32xf32, #tpu.memory_space<vmem>>
        %dma_wait3A_682 = arith.constant 0 : i32
        %dma_wait3A_683 = arith.constant 0 : i32
        %dma_wait3A_684 = tpu.memref_slice %arg3[%dma_wait3A_682, %dma_wait3A_683] : memref<4000000x32xf32, #tpu.memory_space<hbm>> -> memref<128x32xf32, #tpu.memory_space<hbm>>
        %dma_wait3A_685 = arith.constant 0 : i32
        %dma_wait3A_686 = arith.constant 0 : i32
        %dma_wait3A_687 = tpu.memref_slice %arg6[%add3A_677, %dma_wait3A_685, %dma_wait3A_686] : memref<8x128x32xf32, #tpu.memory_space<vmem>> -> memref<1x128x32xf32, #tpu.memory_space<vmem>>
        %dma_wait3A_688 = tpu.memref_squeeze %dma_wait3A_687 : memref<1x128x32xf32, #tpu.memory_space<vmem>> -> memref<128x32xf32, #tpu.memory_space<vmem>>
        %dma_wait3A_689 = arith.constant 0 : i32
        %dma_wait3A_690 = arith.constant 0 : i32
        %dma_wait3A_691 = tpu.memref_slice %arg3[%dma_wait3A_689, %dma_wait3A_690] : memref<4000000x32xf32, #tpu.memory_space<hbm>> -> memref<128x32xf32, #tpu.memory_space<hbm>>
        tpu.wait_dma2 semaphore(%arg8 : memref<!tpu.dma_semaphore, #tpu.memory_space<semaphore_mem>>) src(%dma_wait3A_691 : memref<128x32xf32, #tpu.memory_space<hbm>>) dst(%dma_wait3A_688 : memref<128x32xf32, #tpu.memory_space<vmem>>)
        %mul3A_692 = arith.constant 4 : i32
        %mul3A_693 = arith.muli %select_n3A_628, %mul3A_692 : i32
        %add3A_694 = arith.constant 3 : i32
        %add3A_695 = arith.addi %mul3A_693, %add3A_694 : i32
        %dma_wait3A_696 = arith.constant 0 : i32
        %dma_wait3A_697 = arith.constant 0 : i32
        %dma_wait3A_698 = tpu.memref_slice %arg6[%add3A_695, %dma_wait3A_696, %dma_wait3A_697] : memref<8x128x32xf32, #tpu.memory_space<vmem>> -> memref<1x128x32xf32, #tpu.memory_space<vmem>>
        %dma_wait3A_699 = tpu.memref_squeeze %dma_wait3A_698 : memref<1x128x32xf32, #tpu.memory_space<vmem>> -> memref<128x32xf32, #tpu.memory_space<vmem>>
        %dma_wait3A_700 = arith.constant 0 : i32
        %dma_wait3A_701 = arith.constant 0 : i32
        %dma_wait3A_702 = tpu.memref_slice %arg3[%dma_wait3A_700, %dma_wait3A_701] : memref<4000000x32xf32, #tpu.memory_space<hbm>> -> memref<128x32xf32, #tpu.memory_space<hbm>>
        %dma_wait3A_703 = arith.constant 0 : i32
        %dma_wait3A_704 = arith.constant 0 : i32
        %dma_wait3A_705 = tpu.memref_slice %arg6[%add3A_695, %dma_wait3A_703, %dma_wait3A_704] : memref<8x128x32xf32, #tpu.memory_space<vmem>> -> memref<1x128x32xf32, #tpu.memory_space<vmem>>
        %dma_wait3A_706 = tpu.memref_squeeze %dma_wait3A_705 : memref<1x128x32xf32, #tpu.memory_space<vmem>> -> memref<128x32xf32, #tpu.memory_space<vmem>>
        %dma_wait3A_707 = arith.constant 0 : i32
        %dma_wait3A_708 = arith.constant 0 : i32
        %dma_wait3A_709 = tpu.memref_slice %arg3[%dma_wait3A_707, %dma_wait3A_708] : memref<4000000x32xf32, #tpu.memory_space<hbm>> -> memref<128x32xf32, #tpu.memory_space<hbm>>
        tpu.wait_dma2 semaphore(%arg8 : memref<!tpu.dma_semaphore, #tpu.memory_space<semaphore_mem>>) src(%dma_wait3A_709 : memref<128x32xf32, #tpu.memory_space<hbm>>) dst(%dma_wait3A_706 : memref<128x32xf32, #tpu.memory_space<vmem>>)
        %ge3A_710 = arith.constant 3 : i32
        %ge3A_711 = arith.cmpi sge, %scan3A_618, %ge3A_710 : i32
        %convert_element_type3A_712 = arith.extui %ge3A_711 : i1 to i32
        %cond3A_713 = arith.constant 0 : i32
        %cond3A_714 = arith.cmpi ne, %convert_element_type3A_712, %cond3A_713 : i32
        scf.if %cond3A_714 {
          %dma_wait3A_745 = arith.constant 0 : i32
          %dma_wait3A_746 = arith.constant 0 : i32
          %dma_wait3A_747 = arith.constant 0 : i32
          %dma_wait3A_748 = arith.constant 0 : i32
          %dma_wait3A_749 = tpu.memref_slice %arg7[%select_n3A_628, %dma_wait3A_745, %dma_wait3A_747, %dma_wait3A_748] : memref<2x4x32x129xf32, #tpu.memory_space<vmem>> -> memref<1x1x8x128xf32, #tpu.memory_space<vmem>>
          %dma_wait3A_750 = tpu.memref_squeeze %dma_wait3A_749 : memref<1x1x8x128xf32, #tpu.memory_space<vmem>> -> memref<8x128xf32, #tpu.memory_space<vmem>>
          %dma_wait3A_751 = arith.constant 0 : i32
          %dma_wait3A_752 = arith.constant 0 : i32
          %dma_wait3A_753 = tpu.memref_slice %arg4[%dma_wait3A_746, %dma_wait3A_751, %dma_wait3A_752] : memref<25600x8x128xf32, #tpu.memory_space<hbm>> -> memref<1x8x128xf32, #tpu.memory_space<hbm>>
          %dma_wait3A_754 = tpu.memref_squeeze %dma_wait3A_753 : memref<1x8x128xf32, #tpu.memory_space<hbm>> -> memref<8x128xf32, #tpu.memory_space<hbm>>
          %dma_wait3A_755 = arith.constant 0 : i32
          %dma_wait3A_756 = arith.constant 0 : i32
          %dma_wait3A_757 = tpu.memref_slice %arg4[%dma_wait3A_746, %dma_wait3A_755, %dma_wait3A_756] : memref<25600x8x128xf32, #tpu.memory_space<hbm>> -> memref<1x8x128xf32, #tpu.memory_space<hbm>>
          %dma_wait3A_758 = tpu.memref_squeeze %dma_wait3A_757 : memref<1x8x128xf32, #tpu.memory_space<hbm>> -> memref<8x128xf32, #tpu.memory_space<hbm>>
          %dma_wait3A_759 = arith.constant 0 : i32
          %dma_wait3A_760 = arith.constant 0 : i32
          %dma_wait3A_761 = tpu.memref_slice %arg7[%select_n3A_628, %dma_wait3A_745, %dma_wait3A_759, %dma_wait3A_760] : memref<2x4x32x129xf32, #tpu.memory_space<vmem>> -> memref<1x1x8x128xf32, #tpu.memory_space<vmem>>
          %dma_wait3A_762 = tpu.memref_squeeze %dma_wait3A_761 : memref<1x1x8x128xf32, #tpu.memory_space<vmem>> -> memref<8x128xf32, #tpu.memory_space<vmem>>
          tpu.wait_dma2 semaphore(%arg9 : memref<!tpu.dma_semaphore, #tpu.memory_space<semaphore_mem>>) src(%dma_wait3A_762 : memref<8x128xf32, #tpu.memory_space<vmem>>) dst(%dma_wait3A_758 : memref<8x128xf32, #tpu.memory_space<hbm>>)
          %dma_wait3A_763 = arith.constant 1 : i32
          %dma_wait3A_764 = arith.constant 0 : i32
          %dma_wait3A_765 = arith.constant 0 : i32
          %dma_wait3A_766 = arith.constant 0 : i32
          %dma_wait3A_767 = tpu.memref_slice %arg7[%select_n3A_628, %dma_wait3A_763, %dma_wait3A_765, %dma_wait3A_766] : memref<2x4x32x129xf32, #tpu.memory_space<vmem>> -> memref<1x1x8x128xf32, #tpu.memory_space<vmem>>
          %dma_wait3A_768 = tpu.memref_squeeze %dma_wait3A_767 : memref<1x1x8x128xf32, #tpu.memory_space<vmem>> -> memref<8x128xf32, #tpu.memory_space<vmem>>
          %dma_wait3A_769 = arith.constant 0 : i32
          %dma_wait3A_770 = arith.constant 0 : i32
          %dma_wait3A_771 = tpu.memref_slice %arg4[%dma_wait3A_764, %dma_wait3A_769, %dma_wait3A_770] : memref<25600x8x128xf32, #tpu.memory_space<hbm>> -> memref<1x8x128xf32, #tpu.memory_space<hbm>>
          %dma_wait3A_772 = tpu.memref_squeeze %dma_wait3A_771 : memref<1x8x128xf32, #tpu.memory_space<hbm>> -> memref<8x128xf32, #tpu.memory_space<hbm>>
          %dma_wait3A_773 = arith.constant 0 : i32
          %dma_wait3A_774 = arith.constant 0 : i32
          %dma_wait3A_775 = tpu.memref_slice %arg4[%dma_wait3A_764, %dma_wait3A_773, %dma_wait3A_774] : memref<25600x8x128xf32, #tpu.memory_space<hbm>> -> memref<1x8x128xf32, #tpu.memory_space<hbm>>
          %dma_wait3A_776 = tpu.memref_squeeze %dma_wait3A_775 : memref<1x8x128xf32, #tpu.memory_space<hbm>> -> memref<8x128xf32, #tpu.memory_space<hbm>>
          %dma_wait3A_777 = arith.constant 0 : i32
          %dma_wait3A_778 = arith.constant 0 : i32
          %dma_wait3A_779 = tpu.memref_slice %arg7[%select_n3A_628, %dma_wait3A_763, %dma_wait3A_777, %dma_wait3A_778] : memref<2x4x32x129xf32, #tpu.memory_space<vmem>> -> memref<1x1x8x128xf32, #tpu.memory_space<vmem>>
          %dma_wait3A_780 = tpu.memref_squeeze %dma_wait3A_779 : memref<1x1x8x128xf32, #tpu.memory_space<vmem>> -> memref<8x128xf32, #tpu.memory_space<vmem>>
          tpu.wait_dma2 semaphore(%arg9 : memref<!tpu.dma_semaphore, #tpu.memory_space<semaphore_mem>>) src(%dma_wait3A_780 : memref<8x128xf32, #tpu.memory_space<vmem>>) dst(%dma_wait3A_776 : memref<8x128xf32, #tpu.memory_space<hbm>>)
          %dma_wait3A_781 = arith.constant 2 : i32
          %dma_wait3A_782 = arith.constant 0 : i32
          %dma_wait3A_783 = arith.constant 0 : i32
          %dma_wait3A_784 = arith.constant 0 : i32
          %dma_wait3A_785 = tpu.memref_slice %arg7[%select_n3A_628, %dma_wait3A_781, %dma_wait3A_783, %dma_wait3A_784] : memref<2x4x32x129xf32, #tpu.memory_space<vmem>> -> memref<1x1x8x128xf32, #tpu.memory_space<vmem>>
          %dma_wait3A_786 = tpu.memref_squeeze %dma_wait3A_785 : memref<1x1x8x128xf32, #tpu.memory_space<vmem>> -> memref<8x128xf32, #tpu.memory_space<vmem>>
          %dma_wait3A_787 = arith.constant 0 : i32
          %dma_wait3A_788 = arith.constant 0 : i32
          %dma_wait3A_789 = tpu.memref_slice %arg4[%dma_wait3A_782, %dma_wait3A_787, %dma_wait3A_788] : memref<25600x8x128xf32, #tpu.memory_space<hbm>> -> memref<1x8x128xf32, #tpu.memory_space<hbm>>
          %dma_wait3A_790 = tpu.memref_squeeze %dma_wait3A_789 : memref<1x8x128xf32, #tpu.memory_space<hbm>> -> memref<8x128xf32, #tpu.memory_space<hbm>>
          %dma_wait3A_791 = arith.constant 0 : i32
          %dma_wait3A_792 = arith.constant 0 : i32
          %dma_wait3A_793 = tpu.memref_slice %arg4[%dma_wait3A_782, %dma_wait3A_791, %dma_wait3A_792] : memref<25600x8x128xf32, #tpu.memory_space<hbm>> -> memref<1x8x128xf32, #tpu.memory_space<hbm>>
          %dma_wait3A_794 = tpu.memref_squeeze %dma_wait3A_793 : memref<1x8x128xf32, #tpu.memory_space<hbm>> -> memref<8x128xf32, #tpu.memory_space<hbm>>
          %dma_wait3A_795 = arith.constant 0 : i32
          %dma_wait3A_796 = arith.constant 0 : i32
          %dma_wait3A_797 = tpu.memref_slice %arg7[%select_n3A_628, %dma_wait3A_781, %dma_wait3A_795, %dma_wait3A_796] : memref<2x4x32x129xf32, #tpu.memory_space<vmem>> -> memref<1x1x8x128xf32, #tpu.memory_space<vmem>>
          %dma_wait3A_798 = tpu.memref_squeeze %dma_wait3A_797 : memref<1x1x8x128xf32, #tpu.memory_space<vmem>> -> memref<8x128xf32, #tpu.memory_space<vmem>>
          tpu.wait_dma2 semaphore(%arg9 : memref<!tpu.dma_semaphore, #tpu.memory_space<semaphore_mem>>) src(%dma_wait3A_798 : memref<8x128xf32, #tpu.memory_space<vmem>>) dst(%dma_wait3A_794 : memref<8x128xf32, #tpu.memory_space<hbm>>)
          %dma_wait3A_799 = arith.constant 3 : i32
          %dma_wait3A_800 = arith.constant 0 : i32
          %dma_wait3A_801 = arith.constant 0 : i32
          %dma_wait3A_802 = arith.constant 0 : i32
          %dma_wait3A_803 = tpu.memref_slice %arg7[%select_n3A_628, %dma_wait3A_799, %dma_wait3A_801, %dma_wait3A_802] : memref<2x4x32x129xf32, #tpu.memory_space<vmem>> -> memref<1x1x8x128xf32, #tpu.memory_space<vmem>>
          %dma_wait3A_804 = tpu.memref_squeeze %dma_wait3A_803 : memref<1x1x8x128xf32, #tpu.memory_space<vmem>> -> memref<8x128xf32, #tpu.memory_space<vmem>>
          %dma_wait3A_805 = arith.constant 0 : i32
          %dma_wait3A_806 = arith.constant 0 : i32
          %dma_wait3A_807 = tpu.memref_slice %arg4[%dma_wait3A_800, %dma_wait3A_805, %dma_wait3A_806] : memref<25600x8x128xf32, #tpu.memory_space<hbm>> -> memref<1x8x128xf32, #tpu.memory_space<hbm>>
          %dma_wait3A_808 = tpu.memref_squeeze %dma_wait3A_807 : memref<1x8x128xf32, #tpu.memory_space<hbm>> -> memref<8x128xf32, #tpu.memory_space<hbm>>
          %dma_wait3A_809 = arith.constant 0 : i32
          %dma_wait3A_810 = arith.constant 0 : i32
          %dma_wait3A_811 = tpu.memref_slice %arg4[%dma_wait3A_800, %dma_wait3A_809, %dma_wait3A_810] : memref<25600x8x128xf32, #tpu.memory_space<hbm>> -> memref<1x8x128xf32, #tpu.memory_space<hbm>>
          %dma_wait3A_812 = tpu.memref_squeeze %dma_wait3A_811 : memref<1x8x128xf32, #tpu.memory_space<hbm>> -> memref<8x128xf32, #tpu.memory_space<hbm>>
          %dma_wait3A_813 = arith.constant 0 : i32
          %dma_wait3A_814 = arith.constant 0 : i32
          %dma_wait3A_815 = tpu.memref_slice %arg7[%select_n3A_628, %dma_wait3A_799, %dma_wait3A_813, %dma_wait3A_814] : memref<2x4x32x129xf32, #tpu.memory_space<vmem>> -> memref<1x1x8x128xf32, #tpu.memory_space<vmem>>
          %dma_wait3A_816 = tpu.memref_squeeze %dma_wait3A_815 : memref<1x1x8x128xf32, #tpu.memory_space<vmem>> -> memref<8x128xf32, #tpu.memory_space<vmem>>
          tpu.wait_dma2 semaphore(%arg9 : memref<!tpu.dma_semaphore, #tpu.memory_space<semaphore_mem>>) src(%dma_wait3A_816 : memref<8x128xf32, #tpu.memory_space<vmem>>) dst(%dma_wait3A_812 : memref<8x128xf32, #tpu.memory_space<hbm>>)
          %dma_wait3A_817 = arith.constant 0 : i32
          %dma_wait3A_818 = arith.constant 0 : i32
          %dma_wait3A_819 = arith.constant 8 : i32
          %dma_wait3A_820 = arith.constant 0 : i32
          %dma_wait3A_821 = tpu.memref_slice %arg7[%select_n3A_628, %dma_wait3A_817, %dma_wait3A_819, %dma_wait3A_820] : memref<2x4x32x129xf32, #tpu.memory_space<vmem>> -> memref<1x1x8x128xf32, #tpu.memory_space<vmem>>
          %dma_wait3A_822 = tpu.memref_squeeze %dma_wait3A_821 : memref<1x1x8x128xf32, #tpu.memory_space<vmem>> -> memref<8x128xf32, #tpu.memory_space<vmem>>
          %dma_wait3A_823 = arith.constant 0 : i32
          %dma_wait3A_824 = arith.constant 0 : i32
          %dma_wait3A_825 = tpu.memref_slice %arg4[%dma_wait3A_818, %dma_wait3A_823, %dma_wait3A_824] : memref<25600x8x128xf32, #tpu.memory_space<hbm>> -> memref<1x8x128xf32, #tpu.memory_space<hbm>>
          %dma_wait3A_826 = tpu.memref_squeeze %dma_wait3A_825 : memref<1x8x128xf32, #tpu.memory_space<hbm>> -> memref<8x128xf32, #tpu.memory_space<hbm>>
          %dma_wait3A_827 = arith.constant 0 : i32
          %dma_wait3A_828 = arith.constant 0 : i32
          %dma_wait3A_829 = tpu.memref_slice %arg4[%dma_wait3A_818, %dma_wait3A_827, %dma_wait3A_828] : memref<25600x8x128xf32, #tpu.memory_space<hbm>> -> memref<1x8x128xf32, #tpu.memory_space<hbm>>
          %dma_wait3A_830 = tpu.memref_squeeze %dma_wait3A_829 : memref<1x8x128xf32, #tpu.memory_space<hbm>> -> memref<8x128xf32, #tpu.memory_space<hbm>>
          %dma_wait3A_831 = arith.constant 8 : i32
          %dma_wait3A_832 = arith.constant 0 : i32
          %dma_wait3A_833 = tpu.memref_slice %arg7[%select_n3A_628, %dma_wait3A_817, %dma_wait3A_831, %dma_wait3A_832] : memref<2x4x32x129xf32, #tpu.memory_space<vmem>> -> memref<1x1x8x128xf32, #tpu.memory_space<vmem>>
          %dma_wait3A_834 = tpu.memref_squeeze %dma_wait3A_833 : memref<1x1x8x128xf32, #tpu.memory_space<vmem>> -> memref<8x128xf32, #tpu.memory_space<vmem>>
          tpu.wait_dma2 semaphore(%arg9 : memref<!tpu.dma_semaphore, #tpu.memory_space<semaphore_mem>>) src(%dma_wait3A_834 : memref<8x128xf32, #tpu.memory_space<vmem>>) dst(%dma_wait3A_830 : memref<8x128xf32, #tpu.memory_space<hbm>>)
          %dma_wait3A_835 = arith.constant 1 : i32
          %dma_wait3A_836 = arith.constant 0 : i32
          %dma_wait3A_837 = arith.constant 8 : i32
          %dma_wait3A_838 = arith.constant 0 : i32
          %dma_wait3A_839 = tpu.memref_slice %arg7[%select_n3A_628, %dma_wait3A_835, %dma_wait3A_837, %dma_wait3A_838] : memref<2x4x32x129xf32, #tpu.memory_space<vmem>> -> memref<1x1x8x128xf32, #tpu.memory_space<vmem>>
          %dma_wait3A_840 = tpu.memref_squeeze %dma_wait3A_839 : memref<1x1x8x128xf32, #tpu.memory_space<vmem>> -> memref<8x128xf32, #tpu.memory_space<vmem>>
          %dma_wait3A_841 = arith.constant 0 : i32
          %dma_wait3A_842 = arith.constant 0 : i32
          %dma_wait3A_843 = tpu.memref_slice %arg4[%dma_wait3A_836, %dma_wait3A_841, %dma_wait3A_842] : memref<25600x8x128xf32, #tpu.memory_space<hbm>> -> memref<1x8x128xf32, #tpu.memory_space<hbm>>
          %dma_wait3A_844 = tpu.memref_squeeze %dma_wait3A_843 : memref<1x8x128xf32, #tpu.memory_space<hbm>> -> memref<8x128xf32, #tpu.memory_space<hbm>>
          %dma_wait3A_845 = arith.constant 0 : i32
          %dma_wait3A_846 = arith.constant 0 : i32
          %dma_wait3A_847 = tpu.memref_slice %arg4[%dma_wait3A_836, %dma_wait3A_845, %dma_wait3A_846] : memref<25600x8x128xf32, #tpu.memory_space<hbm>> -> memref<1x8x128xf32, #tpu.memory_space<hbm>>
          %dma_wait3A_848 = tpu.memref_squeeze %dma_wait3A_847 : memref<1x8x128xf32, #tpu.memory_space<hbm>> -> memref<8x128xf32, #tpu.memory_space<hbm>>
          %dma_wait3A_849 = arith.constant 8 : i32
          %dma_wait3A_850 = arith.constant 0 : i32
          %dma_wait3A_851 = tpu.memref_slice %arg7[%select_n3A_628, %dma_wait3A_835, %dma_wait3A_849, %dma_wait3A_850] : memref<2x4x32x129xf32, #tpu.memory_space<vmem>> -> memref<1x1x8x128xf32, #tpu.memory_space<vmem>>
          %dma_wait3A_852 = tpu.memref_squeeze %dma_wait3A_851 : memref<1x1x8x128xf32, #tpu.memory_space<vmem>> -> memref<8x128xf32, #tpu.memory_space<vmem>>
          tpu.wait_dma2 semaphore(%arg9 : memref<!tpu.dma_semaphore, #tpu.memory_space<semaphore_mem>>) src(%dma_wait3A_852 : memref<8x128xf32, #tpu.memory_space<vmem>>) dst(%dma_wait3A_848 : memref<8x128xf32, #tpu.memory_space<hbm>>)
          %dma_wait3A_853 = arith.constant 2 : i32
          %dma_wait3A_854 = arith.constant 0 : i32
          %dma_wait3A_855 = arith.constant 8 : i32
          %dma_wait3A_856 = arith.constant 0 : i32
          %dma_wait3A_857 = tpu.memref_slice %arg7[%select_n3A_628, %dma_wait3A_853, %dma_wait3A_855, %dma_wait3A_856] : memref<2x4x32x129xf32, #tpu.memory_space<vmem>> -> memref<1x1x8x128xf32, #tpu.memory_space<vmem>>
          %dma_wait3A_858 = tpu.memref_squeeze %dma_wait3A_857 : memref<1x1x8x128xf32, #tpu.memory_space<vmem>> -> memref<8x128xf32, #tpu.memory_space<vmem>>
          %dma_wait3A_859 = arith.constant 0 : i32
          %dma_wait3A_860 = arith.constant 0 : i32
          %dma_wait3A_861 = tpu.memref_slice %arg4[%dma_wait3A_854, %dma_wait3A_859, %dma_wait3A_860] : memref<25600x8x128xf32, #tpu.memory_space<hbm>> -> memref<1x8x128xf32, #tpu.memory_space<hbm>>
          %dma_wait3A_862 = tpu.memref_squeeze %dma_wait3A_861 : memref<1x8x128xf32, #tpu.memory_space<hbm>> -> memref<8x128xf32, #tpu.memory_space<hbm>>
          %dma_wait3A_863 = arith.constant 0 : i32
          %dma_wait3A_864 = arith.constant 0 : i32
          %dma_wait3A_865 = tpu.memref_slice %arg4[%dma_wait3A_854, %dma_wait3A_863, %dma_wait3A_864] : memref<25600x8x128xf32, #tpu.memory_space<hbm>> -> memref<1x8x128xf32, #tpu.memory_space<hbm>>
          %dma_wait3A_866 = tpu.memref_squeeze %dma_wait3A_865 : memref<1x8x128xf32, #tpu.memory_space<hbm>> -> memref<8x128xf32, #tpu.memory_space<hbm>>
          %dma_wait3A_867 = arith.constant 8 : i32
          %dma_wait3A_868 = arith.constant 0 : i32
          %dma_wait3A_869 = tpu.memref_slice %arg7[%select_n3A_628, %dma_wait3A_853, %dma_wait3A_867, %dma_wait3A_868] : memref<2x4x32x129xf32, #tpu.memory_space<vmem>> -> memref<1x1x8x128xf32, #tpu.memory_space<vmem>>
          %dma_wait3A_870 = tpu.memref_squeeze %dma_wait3A_869 : memref<1x1x8x128xf32, #tpu.memory_space<vmem>> -> memref<8x128xf32, #tpu.memory_space<vmem>>
          tpu.wait_dma2 semaphore(%arg9 : memref<!tpu.dma_semaphore, #tpu.memory_space<semaphore_mem>>) src(%dma_wait3A_870 : memref<8x128xf32, #tpu.memory_space<vmem>>) dst(%dma_wait3A_866 : memref<8x128xf32, #tpu.memory_space<hbm>>)
          %dma_wait3A_871 = arith.constant 3 : i32
          %dma_wait3A_872 = arith.constant 0 : i32
          %dma_wait3A_873 = arith.constant 8 : i32
          %dma_wait3A_874 = arith.constant 0 : i32
          %dma_wait3A_875 = tpu.memref_slice %arg7[%select_n3A_628, %dma_wait3A_871, %dma_wait3A_873, %dma_wait3A_874] : memref<2x4x32x129xf32, #tpu.memory_space<vmem>> -> memref<1x1x8x128xf32, #tpu.memory_space<vmem>>
          %dma_wait3A_876 = tpu.memref_squeeze %dma_wait3A_875 : memref<1x1x8x128xf32, #tpu.memory_space<vmem>> -> memref<8x128xf32, #tpu.memory_space<vmem>>
          %dma_wait3A_877 = arith.constant 0 : i32
          %dma_wait3A_878 = arith.constant 0 : i32
          %dma_wait3A_879 = tpu.memref_slice %arg4[%dma_wait3A_872, %dma_wait3A_877, %dma_wait3A_878] : memref<25600x8x128xf32, #tpu.memory_space<hbm>> -> memref<1x8x128xf32, #tpu.memory_space<hbm>>
          %dma_wait3A_880 = tpu.memref_squeeze %dma_wait3A_879 : memref<1x8x128xf32, #tpu.memory_space<hbm>> -> memref<8x128xf32, #tpu.memory_space<hbm>>
          %dma_wait3A_881 = arith.constant 0 : i32
          %dma_wait3A_882 = arith.constant 0 : i32
          %dma_wait3A_883 = tpu.memref_slice %arg4[%dma_wait3A_872, %dma_wait3A_881, %dma_wait3A_882] : memref<25600x8x128xf32, #tpu.memory_space<hbm>> -> memref<1x8x128xf32, #tpu.memory_space<hbm>>
          %dma_wait3A_884 = tpu.memref_squeeze %dma_wait3A_883 : memref<1x8x128xf32, #tpu.memory_space<hbm>> -> memref<8x128xf32, #tpu.memory_space<hbm>>
          %dma_wait3A_885 = arith.constant 8 : i32
          %dma_wait3A_886 = arith.constant 0 : i32
          %dma_wait3A_887 = tpu.memref_slice %arg7[%select_n3A_628, %dma_wait3A_871, %dma_wait3A_885, %dma_wait3A_886] : memref<2x4x32x129xf32, #tpu.memory_space<vmem>> -> memref<1x1x8x128xf32, #tpu.memory_space<vmem>>
          %dma_wait3A_888 = tpu.memref_squeeze %dma_wait3A_887 : memref<1x1x8x128xf32, #tpu.memory_space<vmem>> -> memref<8x128xf32, #tpu.memory_space<vmem>>
          tpu.wait_dma2 semaphore(%arg9 : memref<!tpu.dma_semaphore, #tpu.memory_space<semaphore_mem>>) src(%dma_wait3A_888 : memref<8x128xf32, #tpu.memory_space<vmem>>) dst(%dma_wait3A_884 : memref<8x128xf32, #tpu.memory_space<hbm>>)
          %dma_wait3A_889 = arith.constant 0 : i32
          %dma_wait3A_890 = arith.constant 0 : i32
          %dma_wait3A_891 = arith.constant 16 : i32
          %dma_wait3A_892 = arith.constant 0 : i32
          %dma_wait3A_893 = tpu.memref_slice %arg7[%select_n3A_628, %dma_wait3A_889, %dma_wait3A_891, %dma_wait3A_892] : memref<2x4x32x129xf32, #tpu.memory_space<vmem>> -> memref<1x1x8x128xf32, #tpu.memory_space<vmem>>
          %dma_wait3A_894 = tpu.memref_squeeze %dma_wait3A_893 : memref<1x1x8x128xf32, #tpu.memory_space<vmem>> -> memref<8x128xf32, #tpu.memory_space<vmem>>
          %dma_wait3A_895 = arith.constant 0 : i32
          %dma_wait3A_896 = arith.constant 0 : i32
          %dma_wait3A_897 = tpu.memref_slice %arg4[%dma_wait3A_890, %dma_wait3A_895, %dma_wait3A_896] : memref<25600x8x128xf32, #tpu.memory_space<hbm>> -> memref<1x8x128xf32, #tpu.memory_space<hbm>>
          %dma_wait3A_898 = tpu.memref_squeeze %dma_wait3A_897 : memref<1x8x128xf32, #tpu.memory_space<hbm>> -> memref<8x128xf32, #tpu.memory_space<hbm>>
          %dma_wait3A_899 = arith.constant 0 : i32
          %dma_wait3A_900 = arith.constant 0 : i32
          %dma_wait3A_901 = tpu.memref_slice %arg4[%dma_wait3A_890, %dma_wait3A_899, %dma_wait3A_900] : memref<25600x8x128xf32, #tpu.memory_space<hbm>> -> memref<1x8x128xf32, #tpu.memory_space<hbm>>
          %dma_wait3A_902 = tpu.memref_squeeze %dma_wait3A_901 : memref<1x8x128xf32, #tpu.memory_space<hbm>> -> memref<8x128xf32, #tpu.memory_space<hbm>>
          %dma_wait3A_903 = arith.constant 16 : i32
          %dma_wait3A_904 = arith.constant 0 : i32
          %dma_wait3A_905 = tpu.memref_slice %arg7[%select_n3A_628, %dma_wait3A_889, %dma_wait3A_903, %dma_wait3A_904] : memref<2x4x32x129xf32, #tpu.memory_space<vmem>> -> memref<1x1x8x128xf32, #tpu.memory_space<vmem>>
          %dma_wait3A_906 = tpu.memref_squeeze %dma_wait3A_905 : memref<1x1x8x128xf32, #tpu.memory_space<vmem>> -> memref<8x128xf32, #tpu.memory_space<vmem>>
          tpu.wait_dma2 semaphore(%arg9 : memref<!tpu.dma_semaphore, #tpu.memory_space<semaphore_mem>>) src(%dma_wait3A_906 : memref<8x128xf32, #tpu.memory_space<vmem>>) dst(%dma_wait3A_902 : memref<8x128xf32, #tpu.memory_space<hbm>>)
          %dma_wait3A_907 = arith.constant 1 : i32
          %dma_wait3A_908 = arith.constant 0 : i32
          %dma_wait3A_909 = arith.constant 16 : i32
          %dma_wait3A_910 = arith.constant 0 : i32
          %dma_wait3A_911 = tpu.memref_slice %arg7[%select_n3A_628, %dma_wait3A_907, %dma_wait3A_909, %dma_wait3A_910] : memref<2x4x32x129xf32, #tpu.memory_space<vmem>> -> memref<1x1x8x128xf32, #tpu.memory_space<vmem>>
          %dma_wait3A_912 = tpu.memref_squeeze %dma_wait3A_911 : memref<1x1x8x128xf32, #tpu.memory_space<vmem>> -> memref<8x128xf32, #tpu.memory_space<vmem>>
          %dma_wait3A_913 = arith.constant 0 : i32
          %dma_wait3A_914 = arith.constant 0 : i32
          %dma_wait3A_915 = tpu.memref_slice %arg4[%dma_wait3A_908, %dma_wait3A_913, %dma_wait3A_914] : memref<25600x8x128xf32, #tpu.memory_space<hbm>> -> memref<1x8x128xf32, #tpu.memory_space<hbm>>
          %dma_wait3A_916 = tpu.memref_squeeze %dma_wait3A_915 : memref<1x8x128xf32, #tpu.memory_space<hbm>> -> memref<8x128xf32, #tpu.memory_space<hbm>>
          %dma_wait3A_917 = arith.constant 0 : i32
          %dma_wait3A_918 = arith.constant 0 : i32
          %dma_wait3A_919 = tpu.memref_slice %arg4[%dma_wait3A_908, %dma_wait3A_917, %dma_wait3A_918] : memref<25600x8x128xf32, #tpu.memory_space<hbm>> -> memref<1x8x128xf32, #tpu.memory_space<hbm>>
          %dma_wait3A_920 = tpu.memref_squeeze %dma_wait3A_919 : memref<1x8x128xf32, #tpu.memory_space<hbm>> -> memref<8x128xf32, #tpu.memory_space<hbm>>
          %dma_wait3A_921 = arith.constant 16 : i32
          %dma_wait3A_922 = arith.constant 0 : i32
          %dma_wait3A_923 = tpu.memref_slice %arg7[%select_n3A_628, %dma_wait3A_907, %dma_wait3A_921, %dma_wait3A_922] : memref<2x4x32x129xf32, #tpu.memory_space<vmem>> -> memref<1x1x8x128xf32, #tpu.memory_space<vmem>>
          %dma_wait3A_924 = tpu.memref_squeeze %dma_wait3A_923 : memref<1x1x8x128xf32, #tpu.memory_space<vmem>> -> memref<8x128xf32, #tpu.memory_space<vmem>>
          tpu.wait_dma2 semaphore(%arg9 : memref<!tpu.dma_semaphore, #tpu.memory_space<semaphore_mem>>) src(%dma_wait3A_924 : memref<8x128xf32, #tpu.memory_space<vmem>>) dst(%dma_wait3A_920 : memref<8x128xf32, #tpu.memory_space<hbm>>)
          %dma_wait3A_925 = arith.constant 2 : i32
          %dma_wait3A_926 = arith.constant 0 : i32
          %dma_wait3A_927 = arith.constant 16 : i32
          %dma_wait3A_928 = arith.constant 0 : i32
          %dma_wait3A_929 = tpu.memref_slice %arg7[%select_n3A_628, %dma_wait3A_925, %dma_wait3A_927, %dma_wait3A_928] : memref<2x4x32x129xf32, #tpu.memory_space<vmem>> -> memref<1x1x8x128xf32, #tpu.memory_space<vmem>>
          %dma_wait3A_930 = tpu.memref_squeeze %dma_wait3A_929 : memref<1x1x8x128xf32, #tpu.memory_space<vmem>> -> memref<8x128xf32, #tpu.memory_space<vmem>>
          %dma_wait3A_931 = arith.constant 0 : i32
          %dma_wait3A_932 = arith.constant 0 : i32
          %dma_wait3A_933 = tpu.memref_slice %arg4[%dma_wait3A_926, %dma_wait3A_931, %dma_wait3A_932] : memref<25600x8x128xf32, #tpu.memory_space<hbm>> -> memref<1x8x128xf32, #tpu.memory_space<hbm>>
          %dma_wait3A_934 = tpu.memref_squeeze %dma_wait3A_933 : memref<1x8x128xf32, #tpu.memory_space<hbm>> -> memref<8x128xf32, #tpu.memory_space<hbm>>
          %dma_wait3A_935 = arith.constant 0 : i32
          %dma_wait3A_936 = arith.constant 0 : i32
          %dma_wait3A_937 = tpu.memref_slice %arg4[%dma_wait3A_926, %dma_wait3A_935, %dma_wait3A_936] : memref<25600x8x128xf32, #tpu.memory_space<hbm>> -> memref<1x8x128xf32, #tpu.memory_space<hbm>>
          %dma_wait3A_938 = tpu.memref_squeeze %dma_wait3A_937 : memref<1x8x128xf32, #tpu.memory_space<hbm>> -> memref<8x128xf32, #tpu.memory_space<hbm>>
          %dma_wait3A_939 = arith.constant 16 : i32
          %dma_wait3A_940 = arith.constant 0 : i32
          %dma_wait3A_941 = tpu.memref_slice %arg7[%select_n3A_628, %dma_wait3A_925, %dma_wait3A_939, %dma_wait3A_940] : memref<2x4x32x129xf32, #tpu.memory_space<vmem>> -> memref<1x1x8x128xf32, #tpu.memory_space<vmem>>
          %dma_wait3A_942 = tpu.memref_squeeze %dma_wait3A_941 : memref<1x1x8x128xf32, #tpu.memory_space<vmem>> -> memref<8x128xf32, #tpu.memory_space<vmem>>
          tpu.wait_dma2 semaphore(%arg9 : memref<!tpu.dma_semaphore, #tpu.memory_space<semaphore_mem>>) src(%dma_wait3A_942 : memref<8x128xf32, #tpu.memory_space<vmem>>) dst(%dma_wait3A_938 : memref<8x128xf32, #tpu.memory_space<hbm>>)
          %dma_wait3A_943 = arith.constant 3 : i32
          %dma_wait3A_944 = arith.constant 0 : i32
          %dma_wait3A_945 = arith.constant 16 : i32
          %dma_wait3A_946 = arith.constant 0 : i32
          %dma_wait3A_947 = tpu.memref_slice %arg7[%select_n3A_628, %dma_wait3A_943, %dma_wait3A_945, %dma_wait3A_946] : memref<2x4x32x129xf32, #tpu.memory_space<vmem>> -> memref<1x1x8x128xf32, #tpu.memory_space<vmem>>
          %dma_wait3A_948 = tpu.memref_squeeze %dma_wait3A_947 : memref<1x1x8x128xf32, #tpu.memory_space<vmem>> -> memref<8x128xf32, #tpu.memory_space<vmem>>
          %dma_wait3A_949 = arith.constant 0 : i32
          %dma_wait3A_950 = arith.constant 0 : i32
          %dma_wait3A_951 = tpu.memref_slice %arg4[%dma_wait3A_944, %dma_wait3A_949, %dma_wait3A_950] : memref<25600x8x128xf32, #tpu.memory_space<hbm>> -> memref<1x8x128xf32, #tpu.memory_space<hbm>>
          %dma_wait3A_952 = tpu.memref_squeeze %dma_wait3A_951 : memref<1x8x128xf32, #tpu.memory_space<hbm>> -> memref<8x128xf32, #tpu.memory_space<hbm>>
          %dma_wait3A_953 = arith.constant 0 : i32
          %dma_wait3A_954 = arith.constant 0 : i32
          %dma_wait3A_955 = tpu.memref_slice %arg4[%dma_wait3A_944, %dma_wait3A_953, %dma_wait3A_954] : memref<25600x8x128xf32, #tpu.memory_space<hbm>> -> memref<1x8x128xf32, #tpu.memory_space<hbm>>
          %dma_wait3A_956 = tpu.memref_squeeze %dma_wait3A_955 : memref<1x8x128xf32, #tpu.memory_space<hbm>> -> memref<8x128xf32, #tpu.memory_space<hbm>>
          %dma_wait3A_957 = arith.constant 16 : i32
          %dma_wait3A_958 = arith.constant 0 : i32
          %dma_wait3A_959 = tpu.memref_slice %arg7[%select_n3A_628, %dma_wait3A_943, %dma_wait3A_957, %dma_wait3A_958] : memref<2x4x32x129xf32, #tpu.memory_space<vmem>> -> memref<1x1x8x128xf32, #tpu.memory_space<vmem>>
          %dma_wait3A_960 = tpu.memref_squeeze %dma_wait3A_959 : memref<1x1x8x128xf32, #tpu.memory_space<vmem>> -> memref<8x128xf32, #tpu.memory_space<vmem>>
          tpu.wait_dma2 semaphore(%arg9 : memref<!tpu.dma_semaphore, #tpu.memory_space<semaphore_mem>>) src(%dma_wait3A_960 : memref<8x128xf32, #tpu.memory_space<vmem>>) dst(%dma_wait3A_956 : memref<8x128xf32, #tpu.memory_space<hbm>>)
          %dma_wait3A_961 = arith.constant 0 : i32
          %dma_wait3A_962 = arith.constant 0 : i32
          %dma_wait3A_963 = arith.constant 24 : i32
          %dma_wait3A_964 = arith.constant 0 : i32
          %dma_wait3A_965 = tpu.memref_slice %arg7[%select_n3A_628, %dma_wait3A_961, %dma_wait3A_963, %dma_wait3A_964] : memref<2x4x32x129xf32, #tpu.memory_space<vmem>> -> memref<1x1x8x128xf32, #tpu.memory_space<vmem>>
          %dma_wait3A_966 = tpu.memref_squeeze %dma_wait3A_965 : memref<1x1x8x128xf32, #tpu.memory_space<vmem>> -> memref<8x128xf32, #tpu.memory_space<vmem>>
          %dma_wait3A_967 = arith.constant 0 : i32
          %dma_wait3A_968 = arith.constant 0 : i32
          %dma_wait3A_969 = tpu.memref_slice %arg4[%dma_wait3A_962, %dma_wait3A_967, %dma_wait3A_968] : memref<25600x8x128xf32, #tpu.memory_space<hbm>> -> memref<1x8x128xf32, #tpu.memory_space<hbm>>
          %dma_wait3A_970 = tpu.memref_squeeze %dma_wait3A_969 : memref<1x8x128xf32, #tpu.memory_space<hbm>> -> memref<8x128xf32, #tpu.memory_space<hbm>>
          %dma_wait3A_971 = arith.constant 0 : i32
          %dma_wait3A_972 = arith.constant 0 : i32
          %dma_wait3A_973 = tpu.memref_slice %arg4[%dma_wait3A_962, %dma_wait3A_971, %dma_wait3A_972] : memref<25600x8x128xf32, #tpu.memory_space<hbm>> -> memref<1x8x128xf32, #tpu.memory_space<hbm>>
          %dma_wait3A_974 = tpu.memref_squeeze %dma_wait3A_973 : memref<1x8x128xf32, #tpu.memory_space<hbm>> -> memref<8x128xf32, #tpu.memory_space<hbm>>
          %dma_wait3A_975 = arith.constant 24 : i32
          %dma_wait3A_976 = arith.constant 0 : i32
          %dma_wait3A_977 = tpu.memref_slice %arg7[%select_n3A_628, %dma_wait3A_961, %dma_wait3A_975, %dma_wait3A_976] : memref<2x4x32x129xf32, #tpu.memory_space<vmem>> -> memref<1x1x8x128xf32, #tpu.memory_space<vmem>>
          %dma_wait3A_978 = tpu.memref_squeeze %dma_wait3A_977 : memref<1x1x8x128xf32, #tpu.memory_space<vmem>> -> memref<8x128xf32, #tpu.memory_space<vmem>>
          tpu.wait_dma2 semaphore(%arg9 : memref<!tpu.dma_semaphore, #tpu.memory_space<semaphore_mem>>) src(%dma_wait3A_978 : memref<8x128xf32, #tpu.memory_space<vmem>>) dst(%dma_wait3A_974 : memref<8x128xf32, #tpu.memory_space<hbm>>)
          %dma_wait3A_979 = arith.constant 1 : i32
          %dma_wait3A_980 = arith.constant 0 : i32
          %dma_wait3A_981 = arith.constant 24 : i32
          %dma_wait3A_982 = arith.constant 0 : i32
          %dma_wait3A_983 = tpu.memref_slice %arg7[%select_n3A_628, %dma_wait3A_979, %dma_wait3A_981, %dma_wait3A_982] : memref<2x4x32x129xf32, #tpu.memory_space<vmem>> -> memref<1x1x8x128xf32, #tpu.memory_space<vmem>>
          %dma_wait3A_984 = tpu.memref_squeeze %dma_wait3A_983 : memref<1x1x8x128xf32, #tpu.memory_space<vmem>> -> memref<8x128xf32, #tpu.memory_space<vmem>>
          %dma_wait3A_985 = arith.constant 0 : i32
          %dma_wait3A_986 = arith.constant 0 : i32
          %dma_wait3A_987 = tpu.memref_slice %arg4[%dma_wait3A_980, %dma_wait3A_985, %dma_wait3A_986] : memref<25600x8x128xf32, #tpu.memory_space<hbm>> -> memref<1x8x128xf32, #tpu.memory_space<hbm>>
          %dma_wait3A_988 = tpu.memref_squeeze %dma_wait3A_987 : memref<1x8x128xf32, #tpu.memory_space<hbm>> -> memref<8x128xf32, #tpu.memory_space<hbm>>
          %dma_wait3A_989 = arith.constant 0 : i32
          %dma_wait3A_990 = arith.constant 0 : i32
          %dma_wait3A_991 = tpu.memref_slice %arg4[%dma_wait3A_980, %dma_wait3A_989, %dma_wait3A_990] : memref<25600x8x128xf32, #tpu.memory_space<hbm>> -> memref<1x8x128xf32, #tpu.memory_space<hbm>>
          %dma_wait3A_992 = tpu.memref_squeeze %dma_wait3A_991 : memref<1x8x128xf32, #tpu.memory_space<hbm>> -> memref<8x128xf32, #tpu.memory_space<hbm>>
          %dma_wait3A_993 = arith.constant 24 : i32
          %dma_wait3A_994 = arith.constant 0 : i32
          %dma_wait3A_995 = tpu.memref_slice %arg7[%select_n3A_628, %dma_wait3A_979, %dma_wait3A_993, %dma_wait3A_994] : memref<2x4x32x129xf32, #tpu.memory_space<vmem>> -> memref<1x1x8x128xf32, #tpu.memory_space<vmem>>
          %dma_wait3A_996 = tpu.memref_squeeze %dma_wait3A_995 : memref<1x1x8x128xf32, #tpu.memory_space<vmem>> -> memref<8x128xf32, #tpu.memory_space<vmem>>
          tpu.wait_dma2 semaphore(%arg9 : memref<!tpu.dma_semaphore, #tpu.memory_space<semaphore_mem>>) src(%dma_wait3A_996 : memref<8x128xf32, #tpu.memory_space<vmem>>) dst(%dma_wait3A_992 : memref<8x128xf32, #tpu.memory_space<hbm>>)
          %dma_wait3A_997 = arith.constant 2 : i32
          %dma_wait3A_998 = arith.constant 0 : i32
          %dma_wait3A_999 = arith.constant 24 : i32
          %dma_wait3A_1000 = arith.constant 0 : i32
          %dma_wait3A_1001 = tpu.memref_slice %arg7[%select_n3A_628, %dma_wait3A_997, %dma_wait3A_999, %dma_wait3A_1000] : memref<2x4x32x129xf32, #tpu.memory_space<vmem>> -> memref<1x1x8x128xf32, #tpu.memory_space<vmem>>
          %dma_wait3A_1002 = tpu.memref_squeeze %dma_wait3A_1001 : memref<1x1x8x128xf32, #tpu.memory_space<vmem>> -> memref<8x128xf32, #tpu.memory_space<vmem>>
          %dma_wait3A_1003 = arith.constant 0 : i32
          %dma_wait3A_1004 = arith.constant 0 : i32
          %dma_wait3A_1005 = tpu.memref_slice %arg4[%dma_wait3A_998, %dma_wait3A_1003, %dma_wait3A_1004] : memref<25600x8x128xf32, #tpu.memory_space<hbm>> -> memref<1x8x128xf32, #tpu.memory_space<hbm>>
          %dma_wait3A_1006 = tpu.memref_squeeze %dma_wait3A_1005 : memref<1x8x128xf32, #tpu.memory_space<hbm>> -> memref<8x128xf32, #tpu.memory_space<hbm>>
          %dma_wait3A_1007 = arith.constant 0 : i32
          %dma_wait3A_1008 = arith.constant 0 : i32
          %dma_wait3A_1009 = tpu.memref_slice %arg4[%dma_wait3A_998, %dma_wait3A_1007, %dma_wait3A_1008] : memref<25600x8x128xf32, #tpu.memory_space<hbm>> -> memref<1x8x128xf32, #tpu.memory_space<hbm>>
          %dma_wait3A_1010 = tpu.memref_squeeze %dma_wait3A_1009 : memref<1x8x128xf32, #tpu.memory_space<hbm>> -> memref<8x128xf32, #tpu.memory_space<hbm>>
          %dma_wait3A_1011 = arith.constant 24 : i32
          %dma_wait3A_1012 = arith.constant 0 : i32
          %dma_wait3A_1013 = tpu.memref_slice %arg7[%select_n3A_628, %dma_wait3A_997, %dma_wait3A_1011, %dma_wait3A_1012] : memref<2x4x32x129xf32, #tpu.memory_space<vmem>> -> memref<1x1x8x128xf32, #tpu.memory_space<vmem>>
          %dma_wait3A_1014 = tpu.memref_squeeze %dma_wait3A_1013 : memref<1x1x8x128xf32, #tpu.memory_space<vmem>> -> memref<8x128xf32, #tpu.memory_space<vmem>>
          tpu.wait_dma2 semaphore(%arg9 : memref<!tpu.dma_semaphore, #tpu.memory_space<semaphore_mem>>) src(%dma_wait3A_1014 : memref<8x128xf32, #tpu.memory_space<vmem>>) dst(%dma_wait3A_1010 : memref<8x128xf32, #tpu.memory_space<hbm>>)
          %dma_wait3A_1015 = arith.constant 3 : i32
          %dma_wait3A_1016 = arith.constant 0 : i32
          %dma_wait3A_1017 = arith.constant 24 : i32
          %dma_wait3A_1018 = arith.constant 0 : i32
          %dma_wait3A_1019 = tpu.memref_slice %arg7[%select_n3A_628, %dma_wait3A_1015, %dma_wait3A_1017, %dma_wait3A_1018] : memref<2x4x32x129xf32, #tpu.memory_space<vmem>> -> memref<1x1x8x128xf32, #tpu.memory_space<vmem>>
          %dma_wait3A_1020 = tpu.memref_squeeze %dma_wait3A_1019 : memref<1x1x8x128xf32, #tpu.memory_space<vmem>> -> memref<8x128xf32, #tpu.memory_space<vmem>>
          %dma_wait3A_1021 = arith.constant 0 : i32
          %dma_wait3A_1022 = arith.constant 0 : i32
          %dma_wait3A_1023 = tpu.memref_slice %arg4[%dma_wait3A_1016, %dma_wait3A_1021, %dma_wait3A_1022] : memref<25600x8x128xf32, #tpu.memory_space<hbm>> -> memref<1x8x128xf32, #tpu.memory_space<hbm>>
          %dma_wait3A_1024 = tpu.memref_squeeze %dma_wait3A_1023 : memref<1x8x128xf32, #tpu.memory_space<hbm>> -> memref<8x128xf32, #tpu.memory_space<hbm>>
          %dma_wait3A_1025 = arith.constant 0 : i32
          %dma_wait3A_1026 = arith.constant 0 : i32
          %dma_wait3A_1027 = tpu.memref_slice %arg4[%dma_wait3A_1016, %dma_wait3A_1025, %dma_wait3A_1026] : memref<25600x8x128xf32, #tpu.memory_space<hbm>> -> memref<1x8x128xf32, #tpu.memory_space<hbm>>
          %dma_wait3A_1028 = tpu.memref_squeeze %dma_wait3A_1027 : memref<1x8x128xf32, #tpu.memory_space<hbm>> -> memref<8x128xf32, #tpu.memory_space<hbm>>
          %dma_wait3A_1029 = arith.constant 24 : i32
          %dma_wait3A_1030 = arith.constant 0 : i32
          %dma_wait3A_1031 = tpu.memref_slice %arg7[%select_n3A_628, %dma_wait3A_1015, %dma_wait3A_1029, %dma_wait3A_1030] : memref<2x4x32x129xf32, #tpu.memory_space<vmem>> -> memref<1x1x8x128xf32, #tpu.memory_space<vmem>>
          %dma_wait3A_1032 = tpu.memref_squeeze %dma_wait3A_1031 : memref<1x1x8x128xf32, #tpu.memory_space<vmem>> -> memref<8x128xf32, #tpu.memory_space<vmem>>
          tpu.wait_dma2 semaphore(%arg9 : memref<!tpu.dma_semaphore, #tpu.memory_space<semaphore_mem>>) src(%dma_wait3A_1032 : memref<8x128xf32, #tpu.memory_space<vmem>>) dst(%dma_wait3A_1028 : memref<8x128xf32, #tpu.memory_space<hbm>>)
        } else {
        }
        %scan3A_715 = arith.constant 0 : i32
        %scan3A_716 = arith.constant 0 : i32
        %scan3A_717 = arith.constant 4 : i32
        %scan3A_718 = arith.addi %scan3A_716, %scan3A_717 : i32
        %scan3A_719 = arith.constant 1 : i32
        scf.for %scan3A_745 = %scan3A_716 to %scan3A_718 step %scan3A_719  : i32 {
          %mul3A_746 = arith.constant 4 : i32
          %mul3A_747 = arith.muli %select_n3A_628, %mul3A_746 : i32
          %add3A_748 = arith.addi %mul3A_747, %scan3A_745 : i32
          %broadcast_in_dim3A = arith.constant 0 : i32
          %broadcast_in_dim3A_749 = vector.broadcast %broadcast_in_dim3A : i32 to vector<16xi32>
          %scan3A_750 = arith.constant 0 : i32
          %scan3A_751 = arith.constant 8 : i32
          %scan3A_752 = arith.addi %scan3A_750, %scan3A_751 : i32
          %scan3A_753 = arith.constant 1 : i32
          scf.for %scan3A_755 = %scan3A_750 to %scan3A_752 step %scan3A_753  : i32 {
            %mul3A_756 = arith.constant 16 : i32
            %mul3A_757 = arith.muli %scan3A_755, %mul3A_756 : i32
            %add3A_758 = vector.broadcast %mul3A_757 : i32 to vector<16xi32>
            %add3A_759 = arith.addi %broadcast_in_dim3A_749, %add3A_758 : vector<16xi32>
            %mul3A_760 = arith.constant 16 : i32
            %mul3A_761 = arith.muli %scan3A_755, %mul3A_760 : i32
            %add3A_762 = arith.constant 0 : i32
            %add3A_763 = arith.addi %mul3A_761, %add3A_762 : i32
            %get3A = arith.constant 0 : i32
            %get3A_764 = arith.constant 0 : i32
            %get3A_765 = tpu.memref_slice %arg6[%add3A_748, %get3A, %get3A_764] : memref<8x128x32xf32, #tpu.memory_space<vmem>> -> memref<1x128x32xf32, #tpu.memory_space<vmem>>
            %get3A_766 = tpu.memref_squeeze %get3A_765 : memref<1x128x32xf32, #tpu.memory_space<vmem>> -> memref<128x32xf32, #tpu.memory_space<vmem>>
            %get3A_767 = arith.index_cast %add3A_763 : i32 to index
            %get3A_768 = arith.constant 0 : index
            %get3A_769 = tpu.vector_load %get3A_766[%get3A_767, %get3A_768] {strides = array<i32>} : memref<128x32xf32, #tpu.memory_space<vmem>>, vector<16xf32>,
            %get3A_770 = arith.constant 0 : i32
            %get3A_771 = arith.constant 0 : i32
            %get3A_772 = tpu.memref_slice %arg6[%add3A_748, %get3A_770, %get3A_771] : memref<8x128x32xf32, #tpu.memory_space<vmem>> -> memref<1x128x32xf32, #tpu.memory_space<vmem>>
            %get3A_773 = tpu.memref_squeeze %get3A_772 : memref<1x128x32xf32, #tpu.memory_space<vmem>> -> memref<128x32xf32, #tpu.memory_space<vmem>>
            %get3A_774 = arith.index_cast %add3A_763 : i32 to index
            %get3A_775 = arith.constant 16 : index
            %get3A_776 = tpu.vector_load %get3A_773[%get3A_774, %get3A_775] {strides = array<i32>} : memref<128x32xf32, #tpu.memory_space<vmem>>, vector<16xf32>,
            %add3A_777 = arith.constant 0 : i32
            %add3A_778 = vector.broadcast %add3A_777 : i32 to vector<16xi32>
            %add3A_779 = arith.addi %add3A_759, %add3A_778 : vector<16xi32>
            %scatter3A = arith.constant 0 : i32
            %scatter3A_780 = arith.constant 0 : i32
            %scatter3A_781 = tpu.memref_slice %arg7[%select_n3A_628, %scan3A_745, %scatter3A, %scatter3A_780] : memref<2x4x32x129xf32, #tpu.memory_space<vmem>> -> memref<1x1x32x129xf32, #tpu.memory_space<vmem>>
            %scatter3A_782 = tpu.memref_squeeze %scatter3A_781 : memref<1x1x32x129xf32, #tpu.memory_space<vmem>> -> memref<32x129xf32, #tpu.memory_space<vmem>>
            tpu.vector_store_idx %scatter3A_782[%iota3A, %add3A_779], %get3A_769 : memref<32x129xf32, #tpu.memory_space<vmem>>[vector<16xi32>, vector<16xi32>], vector<16xf32>,
            %scatter3A_783 = arith.constant 0 : i32
            %scatter3A_784 = arith.constant 0 : i32
            %scatter3A_785 = tpu.memref_slice %arg7[%select_n3A_628, %scan3A_745, %scatter3A_783, %scatter3A_784] : memref<2x4x32x129xf32, #tpu.memory_space<vmem>> -> memref<1x1x32x129xf32, #tpu.memory_space<vmem>>
            %scatter3A_786 = tpu.memref_squeeze %scatter3A_785 : memref<1x1x32x129xf32, #tpu.memory_space<vmem>> -> memref<32x129xf32, #tpu.memory_space<vmem>>
            tpu.vector_store_idx %scatter3A_786[%add3A_5, %add3A_779], %get3A_776 : memref<32x129xf32, #tpu.memory_space<vmem>>[vector<16xi32>, vector<16xi32>], vector<16xf32>,
            %mul3A_787 = arith.constant 16 : i32
            %mul3A_788 = arith.muli %scan3A_755, %mul3A_787 : i32
            %add3A_789 = arith.constant 1 : i32
            %add3A_790 = arith.addi %mul3A_788, %add3A_789 : i32
            %get3A_791 = arith.constant 0 : i32
            %get3A_792 = arith.constant 0 : i32
            %get3A_793 = tpu.memref_slice %arg6[%add3A_748, %get3A_791, %get3A_792] : memref<8x128x32xf32, #tpu.memory_space<vmem>> -> memref<1x128x32xf32, #tpu.memory_space<vmem>>
            %get3A_794 = tpu.memref_squeeze %get3A_793 : memref<1x128x32xf32, #tpu.memory_space<vmem>> -> memref<128x32xf32, #tpu.memory_space<vmem>>
            %get3A_795 = arith.index_cast %add3A_790 : i32 to index
            %get3A_796 = arith.constant 0 : index
            %get3A_797 = tpu.vector_load %get3A_794[%get3A_795, %get3A_796] {strides = array<i32>} : memref<128x32xf32, #tpu.memory_space<vmem>>, vector<16xf32>,
            %get3A_798 = arith.constant 0 : i32
            %get3A_799 = arith.constant 0 : i32
            %get3A_800 = tpu.memref_slice %arg6[%add3A_748, %get3A_798, %get3A_799] : memref<8x128x32xf32, #tpu.memory_space<vmem>> -> memref<1x128x32xf32, #tpu.memory_space<vmem>>
            %get3A_801 = tpu.memref_squeeze %get3A_800 : memref<1x128x32xf32, #tpu.memory_space<vmem>> -> memref<128x32xf32, #tpu.memory_space<vmem>>
            %get3A_802 = arith.index_cast %add3A_790 : i32 to index
            %get3A_803 = arith.constant 16 : index
            %get3A_804 = tpu.vector_load %get3A_801[%get3A_802, %get3A_803] {strides = array<i32>} : memref<128x32xf32, #tpu.memory_space<vmem>>, vector<16xf32>,
            %add3A_805 = arith.constant 1 : i32
            %add3A_806 = vector.broadcast %add3A_805 : i32 to vector<16xi32>
            %add3A_807 = arith.addi %add3A_759, %add3A_806 : vector<16xi32>
            %scatter3A_808 = arith.constant 0 : i32
            %scatter3A_809 = arith.constant 0 : i32
            %scatter3A_810 = tpu.memref_slice %arg7[%select_n3A_628, %scan3A_745, %scatter3A_808, %scatter3A_809] : memref<2x4x32x129xf32, #tpu.memory_space<vmem>> -> memref<1x1x32x129xf32, #tpu.memory_space<vmem>>
            %scatter3A_811 = tpu.memref_squeeze %scatter3A_810 : memref<1x1x32x129xf32, #tpu.memory_space<vmem>> -> memref<32x129xf32, #tpu.memory_space<vmem>>
            tpu.vector_store_idx %scatter3A_811[%iota3A, %add3A_807], %get3A_797 : memref<32x129xf32, #tpu.memory_space<vmem>>[vector<16xi32>, vector<16xi32>], vector<16xf32>,
            %scatter3A_812 = arith.constant 0 : i32
            %scatter3A_813 = arith.constant 0 : i32
            %scatter3A_814 = tpu.memref_slice %arg7[%select_n3A_628, %scan3A_745, %scatter3A_812, %scatter3A_813] : memref<2x4x32x129xf32, #tpu.memory_space<vmem>> -> memref<1x1x32x129xf32, #tpu.memory_space<vmem>>
            %scatter3A_815 = tpu.memref_squeeze %scatter3A_814 : memref<1x1x32x129xf32, #tpu.memory_space<vmem>> -> memref<32x129xf32, #tpu.memory_space<vmem>>
            tpu.vector_store_idx %scatter3A_815[%add3A_5, %add3A_807], %get3A_804 : memref<32x129xf32, #tpu.memory_space<vmem>>[vector<16xi32>, vector<16xi32>], vector<16xf32>,
            %mul3A_816 = arith.constant 16 : i32
            %mul3A_817 = arith.muli %scan3A_755, %mul3A_816 : i32
            %add3A_818 = arith.constant 2 : i32
            %add3A_819 = arith.addi %mul3A_817, %add3A_818 : i32
            %get3A_820 = arith.constant 0 : i32
            %get3A_821 = arith.constant 0 : i32
            %get3A_822 = tpu.memref_slice %arg6[%add3A_748, %get3A_820, %get3A_821] : memref<8x128x32xf32, #tpu.memory_space<vmem>> -> memref<1x128x32xf32, #tpu.memory_space<vmem>>
            %get3A_823 = tpu.memref_squeeze %get3A_822 : memref<1x128x32xf32, #tpu.memory_space<vmem>> -> memref<128x32xf32, #tpu.memory_space<vmem>>
            %get3A_824 = arith.index_cast %add3A_819 : i32 to index
            %get3A_825 = arith.constant 0 : index
            %get3A_826 = tpu.vector_load %get3A_823[%get3A_824, %get3A_825] {strides = array<i32>} : memref<128x32xf32, #tpu.memory_space<vmem>>, vector<16xf32>,
            %get3A_827 = arith.constant 0 : i32
            %get3A_828 = arith.constant 0 : i32
            %get3A_829 = tpu.memref_slice %arg6[%add3A_748, %get3A_827, %get3A_828] : memref<8x128x32xf32, #tpu.memory_space<vmem>> -> memref<1x128x32xf32, #tpu.memory_space<vmem>>
            %get3A_830 = tpu.memref_squeeze %get3A_829 : memref<1x128x32xf32, #tpu.memory_space<vmem>> -> memref<128x32xf32, #tpu.memory_space<vmem>>
            %get3A_831 = arith.index_cast %add3A_819 : i32 to index
            %get3A_832 = arith.constant 16 : index
            %get3A_833 = tpu.vector_load %get3A_830[%get3A_831, %get3A_832] {strides = array<i32>} : memref<128x32xf32, #tpu.memory_space<vmem>>, vector<16xf32>,
            %add3A_834 = arith.constant 2 : i32
            %add3A_835 = vector.broadcast %add3A_834 : i32 to vector<16xi32>
            %add3A_836 = arith.addi %add3A_759, %add3A_835 : vector<16xi32>
            %scatter3A_837 = arith.constant 0 : i32
            %scatter3A_838 = arith.constant 0 : i32
            %scatter3A_839 = tpu.memref_slice %arg7[%select_n3A_628, %scan3A_745, %scatter3A_837, %scatter3A_838] : memref<2x4x32x129xf32, #tpu.memory_space<vmem>> -> memref<1x1x32x129xf32, #tpu.memory_space<vmem>>
            %scatter3A_840 = tpu.memref_squeeze %scatter3A_839 : memref<1x1x32x129xf32, #tpu.memory_space<vmem>> -> memref<32x129xf32, #tpu.memory_space<vmem>>
            tpu.vector_store_idx %scatter3A_840[%iota3A, %add3A_836], %get3A_826 : memref<32x129xf32, #tpu.memory_space<vmem>>[vector<16xi32>, vector<16xi32>], vector<16xf32>,
            %scatter3A_841 = arith.constant 0 : i32
            %scatter3A_842 = arith.constant 0 : i32
            %scatter3A_843 = tpu.memref_slice %arg7[%select_n3A_628, %scan3A_745, %scatter3A_841, %scatter3A_842] : memref<2x4x32x129xf32, #tpu.memory_space<vmem>> -> memref<1x1x32x129xf32, #tpu.memory_space<vmem>>
            %scatter3A_844 = tpu.memref_squeeze %scatter3A_843 : memref<1x1x32x129xf32, #tpu.memory_space<vmem>> -> memref<32x129xf32, #tpu.memory_space<vmem>>
            tpu.vector_store_idx %scatter3A_844[%add3A_5, %add3A_836], %get3A_833 : memref<32x129xf32, #tpu.memory_space<vmem>>[vector<16xi32>, vector<16xi32>], vector<16xf32>,
            %mul3A_845 = arith.constant 16 : i32
            %mul3A_846 = arith.muli %scan3A_755, %mul3A_845 : i32
            %add3A_847 = arith.constant 3 : i32
            %add3A_848 = arith.addi %mul3A_846, %add3A_847 : i32
            %get3A_849 = arith.constant 0 : i32
            %get3A_850 = arith.constant 0 : i32
            %get3A_851 = tpu.memref_slice %arg6[%add3A_748, %get3A_849, %get3A_850] : memref<8x128x32xf32, #tpu.memory_space<vmem>> -> memref<1x128x32xf32, #tpu.memory_space<vmem>>
            %get3A_852 = tpu.memref_squeeze %get3A_851 : memref<1x128x32xf32, #tpu.memory_space<vmem>> -> memref<128x32xf32, #tpu.memory_space<vmem>>
            %get3A_853 = arith.index_cast %add3A_848 : i32 to index
            %get3A_854 = arith.constant 0 : index
            %get3A_855 = tpu.vector_load %get3A_852[%get3A_853, %get3A_854] {strides = array<i32>} : memref<128x32xf32, #tpu.memory_space<vmem>>, vector<16xf32>,
            %get3A_856 = arith.constant 0 : i32
            %get3A_857 = arith.constant 0 : i32
            %get3A_858 = tpu.memref_slice %arg6[%add3A_748, %get3A_856, %get3A_857] : memref<8x128x32xf32, #tpu.memory_space<vmem>> -> memref<1x128x32xf32, #tpu.memory_space<vmem>>
            %get3A_859 = tpu.memref_squeeze %get3A_858 : memref<1x128x32xf32, #tpu.memory_space<vmem>> -> memref<128x32xf32, #tpu.memory_space<vmem>>
            %get3A_860 = arith.index_cast %add3A_848 : i32 to index
            %get3A_861 = arith.constant 16 : index
            %get3A_862 = tpu.vector_load %get3A_859[%get3A_860, %get3A_861] {strides = array<i32>} : memref<128x32xf32, #tpu.memory_space<vmem>>, vector<16xf32>,
            %add3A_863 = arith.constant 3 : i32
            %add3A_864 = vector.broadcast %add3A_863 : i32 to vector<16xi32>
            %add3A_865 = arith.addi %add3A_759, %add3A_864 : vector<16xi32>
            %scatter3A_866 = arith.constant 0 : i32
            %scatter3A_867 = arith.constant 0 : i32
            %scatter3A_868 = tpu.memref_slice %arg7[%select_n3A_628, %scan3A_745, %scatter3A_866, %scatter3A_867] : memref<2x4x32x129xf32, #tpu.memory_space<vmem>> -> memref<1x1x32x129xf32, #tpu.memory_space<vmem>>
            %scatter3A_869 = tpu.memref_squeeze %scatter3A_868 : memref<1x1x32x129xf32, #tpu.memory_space<vmem>> -> memref<32x129xf32, #tpu.memory_space<vmem>>
            tpu.vector_store_idx %scatter3A_869[%iota3A, %add3A_865], %get3A_855 : memref<32x129xf32, #tpu.memory_space<vmem>>[vector<16xi32>, vector<16xi32>], vector<16xf32>,
            %scatter3A_870 = arith.constant 0 : i32
            %scatter3A_871 = arith.constant 0 : i32
            %scatter3A_872 = tpu.memref_slice %arg7[%select_n3A_628, %scan3A_745, %scatter3A_870, %scatter3A_871] : memref<2x4x32x129xf32, #tpu.memory_space<vmem>> -> memref<1x1x32x129xf32, #tpu.memory_space<vmem>>
            %scatter3A_873 = tpu.memref_squeeze %scatter3A_872 : memref<1x1x32x129xf32, #tpu.memory_space<vmem>> -> memref<32x129xf32, #tpu.memory_space<vmem>>
            tpu.vector_store_idx %scatter3A_873[%add3A_5, %add3A_865], %get3A_862 : memref<32x129xf32, #tpu.memory_space<vmem>>[vector<16xi32>, vector<16xi32>], vector<16xf32>,
            %mul3A_874 = arith.constant 16 : i32
            %mul3A_875 = arith.muli %scan3A_755, %mul3A_874 : i32
            %add3A_876 = arith.constant 4 : i32
            %add3A_877 = arith.addi %mul3A_875, %add3A_876 : i32
            %get3A_878 = arith.constant 0 : i32
            %get3A_879 = arith.constant 0 : i32
            %get3A_880 = tpu.memref_slice %arg6[%add3A_748, %get3A_878, %get3A_879] : memref<8x128x32xf32, #tpu.memory_space<vmem>> -> memref<1x128x32xf32, #tpu.memory_space<vmem>>
            %get3A_881 = tpu.memref_squeeze %get3A_880 : memref<1x128x32xf32, #tpu.memory_space<vmem>> -> memref<128x32xf32, #tpu.memory_space<vmem>>
            %get3A_882 = arith.index_cast %add3A_877 : i32 to index
            %get3A_883 = arith.constant 0 : index
            %get3A_884 = tpu.vector_load %get3A_881[%get3A_882, %get3A_883] {strides = array<i32>} : memref<128x32xf32, #tpu.memory_space<vmem>>, vector<16xf32>,
            %get3A_885 = arith.constant 0 : i32
            %get3A_886 = arith.constant 0 : i32
            %get3A_887 = tpu.memref_slice %arg6[%add3A_748, %get3A_885, %get3A_886] : memref<8x128x32xf32, #tpu.memory_space<vmem>> -> memref<1x128x32xf32, #tpu.memory_space<vmem>>
            %get3A_888 = tpu.memref_squeeze %get3A_887 : memref<1x128x32xf32, #tpu.memory_space<vmem>> -> memref<128x32xf32, #tpu.memory_space<vmem>>
            %get3A_889 = arith.index_cast %add3A_877 : i32 to index
            %get3A_890 = arith.constant 16 : index
            %get3A_891 = tpu.vector_load %get3A_888[%get3A_889, %get3A_890] {strides = array<i32>} : memref<128x32xf32, #tpu.memory_space<vmem>>, vector<16xf32>,
            %add3A_892 = arith.constant 4 : i32
            %add3A_893 = vector.broadcast %add3A_892 : i32 to vector<16xi32>
            %add3A_894 = arith.addi %add3A_759, %add3A_893 : vector<16xi32>
            %scatter3A_895 = arith.constant 0 : i32
            %scatter3A_896 = arith.constant 0 : i32
            %scatter3A_897 = tpu.memref_slice %arg7[%select_n3A_628, %scan3A_745, %scatter3A_895, %scatter3A_896] : memref<2x4x32x129xf32, #tpu.memory_space<vmem>> -> memref<1x1x32x129xf32, #tpu.memory_space<vmem>>
            %scatter3A_898 = tpu.memref_squeeze %scatter3A_897 : memref<1x1x32x129xf32, #tpu.memory_space<vmem>> -> memref<32x129xf32, #tpu.memory_space<vmem>>
            tpu.vector_store_idx %scatter3A_898[%iota3A, %add3A_894], %get3A_884 : memref<32x129xf32, #tpu.memory_space<vmem>>[vector<16xi32>, vector<16xi32>], vector<16xf32>,
            %scatter3A_899 = arith.constant 0 : i32
            %scatter3A_900 = arith.constant 0 : i32
            %scatter3A_901 = tpu.memref_slice %arg7[%select_n3A_628, %scan3A_745, %scatter3A_899, %scatter3A_900] : memref<2x4x32x129xf32, #tpu.memory_space<vmem>> -> memref<1x1x32x129xf32, #tpu.memory_space<vmem>>
            %scatter3A_902 = tpu.memref_squeeze %scatter3A_901 : memref<1x1x32x129xf32, #tpu.memory_space<vmem>> -> memref<32x129xf32, #tpu.memory_space<vmem>>
            tpu.vector_store_idx %scatter3A_902[%add3A_5, %add3A_894], %get3A_891 : memref<32x129xf32, #tpu.memory_space<vmem>>[vector<16xi32>, vector<16xi32>], vector<16xf32>,
            %mul3A_903 = arith.constant 16 : i32
            %mul3A_904 = arith.muli %scan3A_755, %mul3A_903 : i32
            %add3A_905 = arith.constant 5 : i32
            %add3A_906 = arith.addi %mul3A_904, %add3A_905 : i32
            %get3A_907 = arith.constant 0 : i32
            %get3A_908 = arith.constant 0 : i32
            %get3A_909 = tpu.memref_slice %arg6[%add3A_748, %get3A_907, %get3A_908] : memref<8x128x32xf32, #tpu.memory_space<vmem>> -> memref<1x128x32xf32, #tpu.memory_space<vmem>>
            %get3A_910 = tpu.memref_squeeze %get3A_909 : memref<1x128x32xf32, #tpu.memory_space<vmem>> -> memref<128x32xf32, #tpu.memory_space<vmem>>
            %get3A_911 = arith.index_cast %add3A_906 : i32 to index
            %get3A_912 = arith.constant 0 : index
            %get3A_913 = tpu.vector_load %get3A_910[%get3A_911, %get3A_912] {strides = array<i32>} : memref<128x32xf32, #tpu.memory_space<vmem>>, vector<16xf32>,
            %get3A_914 = arith.constant 0 : i32
            %get3A_915 = arith.constant 0 : i32
            %get3A_916 = tpu.memref_slice %arg6[%add3A_748, %get3A_914, %get3A_915] : memref<8x128x32xf32, #tpu.memory_space<vmem>> -> memref<1x128x32xf32, #tpu.memory_space<vmem>>
            %get3A_917 = tpu.memref_squeeze %get3A_916 : memref<1x128x32xf32, #tpu.memory_space<vmem>> -> memref<128x32xf32, #tpu.memory_space<vmem>>
            %get3A_918 = arith.index_cast %add3A_906 : i32 to index
            %get3A_919 = arith.constant 16 : index
            %get3A_920 = tpu.vector_load %get3A_917[%get3A_918, %get3A_919] {strides = array<i32>} : memref<128x32xf32, #tpu.memory_space<vmem>>, vector<16xf32>,
            %add3A_921 = arith.constant 5 : i32
            %add3A_922 = vector.broadcast %add3A_921 : i32 to vector<16xi32>
            %add3A_923 = arith.addi %add3A_759, %add3A_922 : vector<16xi32>
            %scatter3A_924 = arith.constant 0 : i32
            %scatter3A_925 = arith.constant 0 : i32
            %scatter3A_926 = tpu.memref_slice %arg7[%select_n3A_628, %scan3A_745, %scatter3A_924, %scatter3A_925] : memref<2x4x32x129xf32, #tpu.memory_space<vmem>> -> memref<1x1x32x129xf32, #tpu.memory_space<vmem>>
            %scatter3A_927 = tpu.memref_squeeze %scatter3A_926 : memref<1x1x32x129xf32, #tpu.memory_space<vmem>> -> memref<32x129xf32, #tpu.memory_space<vmem>>
            tpu.vector_store_idx %scatter3A_927[%iota3A, %add3A_923], %get3A_913 : memref<32x129xf32, #tpu.memory_space<vmem>>[vector<16xi32>, vector<16xi32>], vector<16xf32>,
            %scatter3A_928 = arith.constant 0 : i32
            %scatter3A_929 = arith.constant 0 : i32
            %scatter3A_930 = tpu.memref_slice %arg7[%select_n3A_628, %scan3A_745, %scatter3A_928, %scatter3A_929] : memref<2x4x32x129xf32, #tpu.memory_space<vmem>> -> memref<1x1x32x129xf32, #tpu.memory_space<vmem>>
            %scatter3A_931 = tpu.memref_squeeze %scatter3A_930 : memref<1x1x32x129xf32, #tpu.memory_space<vmem>> -> memref<32x129xf32, #tpu.memory_space<vmem>>
            tpu.vector_store_idx %scatter3A_931[%add3A_5, %add3A_923], %get3A_920 : memref<32x129xf32, #tpu.memory_space<vmem>>[vector<16xi32>, vector<16xi32>], vector<16xf32>,
            %mul3A_932 = arith.constant 16 : i32
            %mul3A_933 = arith.muli %scan3A_755, %mul3A_932 : i32
            %add3A_934 = arith.constant 6 : i32
            %add3A_935 = arith.addi %mul3A_933, %add3A_934 : i32
            %get3A_936 = arith.constant 0 : i32
            %get3A_937 = arith.constant 0 : i32
            %get3A_938 = tpu.memref_slice %arg6[%add3A_748, %get3A_936, %get3A_937] : memref<8x128x32xf32, #tpu.memory_space<vmem>> -> memref<1x128x32xf32, #tpu.memory_space<vmem>>
            %get3A_939 = tpu.memref_squeeze %get3A_938 : memref<1x128x32xf32, #tpu.memory_space<vmem>> -> memref<128x32xf32, #tpu.memory_space<vmem>>
            %get3A_940 = arith.index_cast %add3A_935 : i32 to index
            %get3A_941 = arith.constant 0 : index
            %get3A_942 = tpu.vector_load %get3A_939[%get3A_940, %get3A_941] {strides = array<i32>} : memref<128x32xf32, #tpu.memory_space<vmem>>, vector<16xf32>,
            %get3A_943 = arith.constant 0 : i32
            %get3A_944 = arith.constant 0 : i32
            %get3A_945 = tpu.memref_slice %arg6[%add3A_748, %get3A_943, %get3A_944] : memref<8x128x32xf32, #tpu.memory_space<vmem>> -> memref<1x128x32xf32, #tpu.memory_space<vmem>>
            %get3A_946 = tpu.memref_squeeze %get3A_945 : memref<1x128x32xf32, #tpu.memory_space<vmem>> -> memref<128x32xf32, #tpu.memory_space<vmem>>
            %get3A_947 = arith.index_cast %add3A_935 : i32 to index
            %get3A_948 = arith.constant 16 : index
            %get3A_949 = tpu.vector_load %get3A_946[%get3A_947, %get3A_948] {strides = array<i32>} : memref<128x32xf32, #tpu.memory_space<vmem>>, vector<16xf32>,
            %add3A_950 = arith.constant 6 : i32
            %add3A_951 = vector.broadcast %add3A_950 : i32 to vector<16xi32>
            %add3A_952 = arith.addi %add3A_759, %add3A_951 : vector<16xi32>
            %scatter3A_953 = arith.constant 0 : i32
            %scatter3A_954 = arith.constant 0 : i32
            %scatter3A_955 = tpu.memref_slice %arg7[%select_n3A_628, %scan3A_745, %scatter3A_953, %scatter3A_954] : memref<2x4x32x129xf32, #tpu.memory_space<vmem>> -> memref<1x1x32x129xf32, #tpu.memory_space<vmem>>
            %scatter3A_956 = tpu.memref_squeeze %scatter3A_955 : memref<1x1x32x129xf32, #tpu.memory_space<vmem>> -> memref<32x129xf32, #tpu.memory_space<vmem>>
            tpu.vector_store_idx %scatter3A_956[%iota3A, %add3A_952], %get3A_942 : memref<32x129xf32, #tpu.memory_space<vmem>>[vector<16xi32>, vector<16xi32>], vector<16xf32>,
            %scatter3A_957 = arith.constant 0 : i32
            %scatter3A_958 = arith.constant 0 : i32
            %scatter3A_959 = tpu.memref_slice %arg7[%select_n3A_628, %scan3A_745, %scatter3A_957, %scatter3A_958] : memref<2x4x32x129xf32, #tpu.memory_space<vmem>> -> memref<1x1x32x129xf32, #tpu.memory_space<vmem>>
            %scatter3A_960 = tpu.memref_squeeze %scatter3A_959 : memref<1x1x32x129xf32, #tpu.memory_space<vmem>> -> memref<32x129xf32, #tpu.memory_space<vmem>>
            tpu.vector_store_idx %scatter3A_960[%add3A_5, %add3A_952], %get3A_949 : memref<32x129xf32, #tpu.memory_space<vmem>>[vector<16xi32>, vector<16xi32>], vector<16xf32>,
            %mul3A_961 = arith.constant 16 : i32
            %mul3A_962 = arith.muli %scan3A_755, %mul3A_961 : i32
            %add3A_963 = arith.constant 7 : i32
            %add3A_964 = arith.addi %mul3A_962, %add3A_963 : i32
            %get3A_965 = arith.constant 0 : i32
            %get3A_966 = arith.constant 0 : i32
            %get3A_967 = tpu.memref_slice %arg6[%add3A_748, %get3A_965, %get3A_966] : memref<8x128x32xf32, #tpu.memory_space<vmem>> -> memref<1x128x32xf32, #tpu.memory_space<vmem>>
            %get3A_968 = tpu.memref_squeeze %get3A_967 : memref<1x128x32xf32, #tpu.memory_space<vmem>> -> memref<128x32xf32, #tpu.memory_space<vmem>>
            %get3A_969 = arith.index_cast %add3A_964 : i32 to index
            %get3A_970 = arith.constant 0 : index
            %get3A_971 = tpu.vector_load %get3A_968[%get3A_969, %get3A_970] {strides = array<i32>} : memref<128x32xf32, #tpu.memory_space<vmem>>, vector<16xf32>,
            %get3A_972 = arith.constant 0 : i32
            %get3A_973 = arith.constant 0 : i32
            %get3A_974 = tpu.memref_slice %arg6[%add3A_748, %get3A_972, %get3A_973] : memref<8x128x32xf32, #tpu.memory_space<vmem>> -> memref<1x128x32xf32, #tpu.memory_space<vmem>>
            %get3A_975 = tpu.memref_squeeze %get3A_974 : memref<1x128x32xf32, #tpu.memory_space<vmem>> -> memref<128x32xf32, #tpu.memory_space<vmem>>
            %get3A_976 = arith.index_cast %add3A_964 : i32 to index
            %get3A_977 = arith.constant 16 : index
            %get3A_978 = tpu.vector_load %get3A_975[%get3A_976, %get3A_977] {strides = array<i32>} : memref<128x32xf32, #tpu.memory_space<vmem>>, vector<16xf32>,
            %add3A_979 = arith.constant 7 : i32
            %add3A_980 = vector.broadcast %add3A_979 : i32 to vector<16xi32>
            %add3A_981 = arith.addi %add3A_759, %add3A_980 : vector<16xi32>
            %scatter3A_982 = arith.constant 0 : i32
            %scatter3A_983 = arith.constant 0 : i32
            %scatter3A_984 = tpu.memref_slice %arg7[%select_n3A_628, %scan3A_745, %scatter3A_982, %scatter3A_983] : memref<2x4x32x129xf32, #tpu.memory_space<vmem>> -> memref<1x1x32x129xf32, #tpu.memory_space<vmem>>
            %scatter3A_985 = tpu.memref_squeeze %scatter3A_984 : memref<1x1x32x129xf32, #tpu.memory_space<vmem>> -> memref<32x129xf32, #tpu.memory_space<vmem>>
            tpu.vector_store_idx %scatter3A_985[%iota3A, %add3A_981], %get3A_971 : memref<32x129xf32, #tpu.memory_space<vmem>>[vector<16xi32>, vector<16xi32>], vector<16xf32>,
            %scatter3A_986 = arith.constant 0 : i32
            %scatter3A_987 = arith.constant 0 : i32
            %scatter3A_988 = tpu.memref_slice %arg7[%select_n3A_628, %scan3A_745, %scatter3A_986, %scatter3A_987] : memref<2x4x32x129xf32, #tpu.memory_space<vmem>> -> memref<1x1x32x129xf32, #tpu.memory_space<vmem>>
            %scatter3A_989 = tpu.memref_squeeze %scatter3A_988 : memref<1x1x32x129xf32, #tpu.memory_space<vmem>> -> memref<32x129xf32, #tpu.memory_space<vmem>>
            tpu.vector_store_idx %scatter3A_989[%add3A_5, %add3A_981], %get3A_978 : memref<32x129xf32, #tpu.memory_space<vmem>>[vector<16xi32>, vector<16xi32>], vector<16xf32>,
            %mul3A_990 = arith.constant 16 : i32
            %mul3A_991 = arith.muli %scan3A_755, %mul3A_990 : i32
            %add3A_992 = arith.constant 8 : i32
            %add3A_993 = arith.addi %mul3A_991, %add3A_992 : i32
            %get3A_994 = arith.constant 0 : i32
            %get3A_995 = arith.constant 0 : i32
            %get3A_996 = tpu.memref_slice %arg6[%add3A_748, %get3A_994, %get3A_995] : memref<8x128x32xf32, #tpu.memory_space<vmem>> -> memref<1x128x32xf32, #tpu.memory_space<vmem>>
            %get3A_997 = tpu.memref_squeeze %get3A_996 : memref<1x128x32xf32, #tpu.memory_space<vmem>> -> memref<128x32xf32, #tpu.memory_space<vmem>>
            %get3A_998 = arith.index_cast %add3A_993 : i32 to index
            %get3A_999 = arith.constant 0 : index
            %get3A_1000 = tpu.vector_load %get3A_997[%get3A_998, %get3A_999] {strides = array<i32>} : memref<128x32xf32, #tpu.memory_space<vmem>>, vector<16xf32>,
            %get3A_1001 = arith.constant 0 : i32
            %get3A_1002 = arith.constant 0 : i32
            %get3A_1003 = tpu.memref_slice %arg6[%add3A_748, %get3A_1001, %get3A_1002] : memref<8x128x32xf32, #tpu.memory_space<vmem>> -> memref<1x128x32xf32, #tpu.memory_space<vmem>>
            %get3A_1004 = tpu.memref_squeeze %get3A_1003 : memref<1x128x32xf32, #tpu.memory_space<vmem>> -> memref<128x32xf32, #tpu.memory_space<vmem>>
            %get3A_1005 = arith.index_cast %add3A_993 : i32 to index
            %get3A_1006 = arith.constant 16 : index
            %get3A_1007 = tpu.vector_load %get3A_1004[%get3A_1005, %get3A_1006] {strides = array<i32>} : memref<128x32xf32, #tpu.memory_space<vmem>>, vector<16xf32>,
            %add3A_1008 = arith.constant 8 : i32
            %add3A_1009 = vector.broadcast %add3A_1008 : i32 to vector<16xi32>
            %add3A_1010 = arith.addi %add3A_759, %add3A_1009 : vector<16xi32>
            %scatter3A_1011 = arith.constant 0 : i32
            %scatter3A_1012 = arith.constant 0 : i32
            %scatter3A_1013 = tpu.memref_slice %arg7[%select_n3A_628, %scan3A_745, %scatter3A_1011, %scatter3A_1012] : memref<2x4x32x129xf32, #tpu.memory_space<vmem>> -> memref<1x1x32x129xf32, #tpu.memory_space<vmem>>
            %scatter3A_1014 = tpu.memref_squeeze %scatter3A_1013 : memref<1x1x32x129xf32, #tpu.memory_space<vmem>> -> memref<32x129xf32, #tpu.memory_space<vmem>>
            tpu.vector_store_idx %scatter3A_1014[%iota3A, %add3A_1010], %get3A_1000 : memref<32x129xf32, #tpu.memory_space<vmem>>[vector<16xi32>, vector<16xi32>], vector<16xf32>,
            %scatter3A_1015 = arith.constant 0 : i32
            %scatter3A_1016 = arith.constant 0 : i32
            %scatter3A_1017 = tpu.memref_slice %arg7[%select_n3A_628, %scan3A_745, %scatter3A_1015, %scatter3A_1016] : memref<2x4x32x129xf32, #tpu.memory_space<vmem>> -> memref<1x1x32x129xf32, #tpu.memory_space<vmem>>
            %scatter3A_1018 = tpu.memref_squeeze %scatter3A_1017 : memref<1x1x32x129xf32, #tpu.memory_space<vmem>> -> memref<32x129xf32, #tpu.memory_space<vmem>>
            tpu.vector_store_idx %scatter3A_1018[%add3A_5, %add3A_1010], %get3A_1007 : memref<32x129xf32, #tpu.memory_space<vmem>>[vector<16xi32>, vector<16xi32>], vector<16xf32>,
            %mul3A_1019 = arith.constant 16 : i32
            %mul3A_1020 = arith.muli %scan3A_755, %mul3A_1019 : i32
            %add3A_1021 = arith.constant 9 : i32
            %add3A_1022 = arith.addi %mul3A_1020, %add3A_1021 : i32
            %get3A_1023 = arith.constant 0 : i32
            %get3A_1024 = arith.constant 0 : i32
            %get3A_1025 = tpu.memref_slice %arg6[%add3A_748, %get3A_1023, %get3A_1024] : memref<8x128x32xf32, #tpu.memory_space<vmem>> -> memref<1x128x32xf32, #tpu.memory_space<vmem>>
            %get3A_1026 = tpu.memref_squeeze %get3A_1025 : memref<1x128x32xf32, #tpu.memory_space<vmem>> -> memref<128x32xf32, #tpu.memory_space<vmem>>
            %get3A_1027 = arith.index_cast %add3A_1022 : i32 to index
            %get3A_1028 = arith.constant 0 : index
            %get3A_1029 = tpu.vector_load %get3A_1026[%get3A_1027, %get3A_1028] {strides = array<i32>} : memref<128x32xf32, #tpu.memory_space<vmem>>, vector<16xf32>,
            %get3A_1030 = arith.constant 0 : i32
            %get3A_1031 = arith.constant 0 : i32
            %get3A_1032 = tpu.memref_slice %arg6[%add3A_748, %get3A_1030, %get3A_1031] : memref<8x128x32xf32, #tpu.memory_space<vmem>> -> memref<1x128x32xf32, #tpu.memory_space<vmem>>
            %get3A_1033 = tpu.memref_squeeze %get3A_1032 : memref<1x128x32xf32, #tpu.memory_space<vmem>> -> memref<128x32xf32, #tpu.memory_space<vmem>>
            %get3A_1034 = arith.index_cast %add3A_1022 : i32 to index
            %get3A_1035 = arith.constant 16 : index
            %get3A_1036 = tpu.vector_load %get3A_1033[%get3A_1034, %get3A_1035] {strides = array<i32>} : memref<128x32xf32, #tpu.memory_space<vmem>>, vector<16xf32>,
            %add3A_1037 = arith.constant 9 : i32
            %add3A_1038 = vector.broadcast %add3A_1037 : i32 to vector<16xi32>
            %add3A_1039 = arith.addi %add3A_759, %add3A_1038 : vector<16xi32>
            %scatter3A_1040 = arith.constant 0 : i32
            %scatter3A_1041 = arith.constant 0 : i32
            %scatter3A_1042 = tpu.memref_slice %arg7[%select_n3A_628, %scan3A_745, %scatter3A_1040, %scatter3A_1041] : memref<2x4x32x129xf32, #tpu.memory_space<vmem>> -> memref<1x1x32x129xf32, #tpu.memory_space<vmem>>
            %scatter3A_1043 = tpu.memref_squeeze %scatter3A_1042 : memref<1x1x32x129xf32, #tpu.memory_space<vmem>> -> memref<32x129xf32, #tpu.memory_space<vmem>>
            tpu.vector_store_idx %scatter3A_1043[%iota3A, %add3A_1039], %get3A_1029 : memref<32x129xf32, #tpu.memory_space<vmem>>[vector<16xi32>, vector<16xi32>], vector<16xf32>,
            %scatter3A_1044 = arith.constant 0 : i32
            %scatter3A_1045 = arith.constant 0 : i32
            %scatter3A_1046 = tpu.memref_slice %arg7[%select_n3A_628, %scan3A_745, %scatter3A_1044, %scatter3A_1045] : memref<2x4x32x129xf32, #tpu.memory_space<vmem>> -> memref<1x1x32x129xf32, #tpu.memory_space<vmem>>
            %scatter3A_1047 = tpu.memref_squeeze %scatter3A_1046 : memref<1x1x32x129xf32, #tpu.memory_space<vmem>> -> memref<32x129xf32, #tpu.memory_space<vmem>>
            tpu.vector_store_idx %scatter3A_1047[%add3A_5, %add3A_1039], %get3A_1036 : memref<32x129xf32, #tpu.memory_space<vmem>>[vector<16xi32>, vector<16xi32>], vector<16xf32>,
            %mul3A_1048 = arith.constant 16 : i32
            %mul3A_1049 = arith.muli %scan3A_755, %mul3A_1048 : i32
            %add3A_1050 = arith.constant 10 : i32
            %add3A_1051 = arith.addi %mul3A_1049, %add3A_1050 : i32
            %get3A_1052 = arith.constant 0 : i32
            %get3A_1053 = arith.constant 0 : i32
            %get3A_1054 = tpu.memref_slice %arg6[%add3A_748, %get3A_1052, %get3A_1053] : memref<8x128x32xf32, #tpu.memory_space<vmem>> -> memref<1x128x32xf32, #tpu.memory_space<vmem>>
            %get3A_1055 = tpu.memref_squeeze %get3A_1054 : memref<1x128x32xf32, #tpu.memory_space<vmem>> -> memref<128x32xf32, #tpu.memory_space<vmem>>
            %get3A_1056 = arith.index_cast %add3A_1051 : i32 to index
            %get3A_1057 = arith.constant 0 : index
            %get3A_1058 = tpu.vector_load %get3A_1055[%get3A_1056, %get3A_1057] {strides = array<i32>} : memref<128x32xf32, #tpu.memory_space<vmem>>, vector<16xf32>,
            %get3A_1059 = arith.constant 0 : i32
            %get3A_1060 = arith.constant 0 : i32
            %get3A_1061 = tpu.memref_slice %arg6[%add3A_748, %get3A_1059, %get3A_1060] : memref<8x128x32xf32, #tpu.memory_space<vmem>> -> memref<1x128x32xf32, #tpu.memory_space<vmem>>
            %get3A_1062 = tpu.memref_squeeze %get3A_1061 : memref<1x128x32xf32, #tpu.memory_space<vmem>> -> memref<128x32xf32, #tpu.memory_space<vmem>>
            %get3A_1063 = arith.index_cast %add3A_1051 : i32 to index
            %get3A_1064 = arith.constant 16 : index
            %get3A_1065 = tpu.vector_load %get3A_1062[%get3A_1063, %get3A_1064] {strides = array<i32>} : memref<128x32xf32, #tpu.memory_space<vmem>>, vector<16xf32>,
            %add3A_1066 = arith.constant 10 : i32
            %add3A_1067 = vector.broadcast %add3A_1066 : i32 to vector<16xi32>
            %add3A_1068 = arith.addi %add3A_759, %add3A_1067 : vector<16xi32>
            %scatter3A_1069 = arith.constant 0 : i32
            %scatter3A_1070 = arith.constant 0 : i32
            %scatter3A_1071 = tpu.memref_slice %arg7[%select_n3A_628, %scan3A_745, %scatter3A_1069, %scatter3A_1070] : memref<2x4x32x129xf32, #tpu.memory_space<vmem>> -> memref<1x1x32x129xf32, #tpu.memory_space<vmem>>
            %scatter3A_1072 = tpu.memref_squeeze %scatter3A_1071 : memref<1x1x32x129xf32, #tpu.memory_space<vmem>> -> memref<32x129xf32, #tpu.memory_space<vmem>>
            tpu.vector_store_idx %scatter3A_1072[%iota3A, %add3A_1068], %get3A_1058 : memref<32x129xf32, #tpu.memory_space<vmem>>[vector<16xi32>, vector<16xi32>], vector<16xf32>,
            %scatter3A_1073 = arith.constant 0 : i32
            %scatter3A_1074 = arith.constant 0 : i32
            %scatter3A_1075 = tpu.memref_slice %arg7[%select_n3A_628, %scan3A_745, %scatter3A_1073, %scatter3A_1074] : memref<2x4x32x129xf32, #tpu.memory_space<vmem>> -> memref<1x1x32x129xf32, #tpu.memory_space<vmem>>
            %scatter3A_1076 = tpu.memref_squeeze %scatter3A_1075 : memref<1x1x32x129xf32, #tpu.memory_space<vmem>> -> memref<32x129xf32, #tpu.memory_space<vmem>>
            tpu.vector_store_idx %scatter3A_1076[%add3A_5, %add3A_1068], %get3A_1065 : memref<32x129xf32, #tpu.memory_space<vmem>>[vector<16xi32>, vector<16xi32>], vector<16xf32>,
            %mul3A_1077 = arith.constant 16 : i32
            %mul3A_1078 = arith.muli %scan3A_755, %mul3A_1077 : i32
            %add3A_1079 = arith.constant 11 : i32
            %add3A_1080 = arith.addi %mul3A_1078, %add3A_1079 : i32
            %get3A_1081 = arith.constant 0 : i32
            %get3A_1082 = arith.constant 0 : i32
            %get3A_1083 = tpu.memref_slice %arg6[%add3A_748, %get3A_1081, %get3A_1082] : memref<8x128x32xf32, #tpu.memory_space<vmem>> -> memref<1x128x32xf32, #tpu.memory_space<vmem>>
            %get3A_1084 = tpu.memref_squeeze %get3A_1083 : memref<1x128x32xf32, #tpu.memory_space<vmem>> -> memref<128x32xf32, #tpu.memory_space<vmem>>
            %get3A_1085 = arith.index_cast %add3A_1080 : i32 to index
            %get3A_1086 = arith.constant 0 : index
            %get3A_1087 = tpu.vector_load %get3A_1084[%get3A_1085, %get3A_1086] {strides = array<i32>} : memref<128x32xf32, #tpu.memory_space<vmem>>, vector<16xf32>,
            %get3A_1088 = arith.constant 0 : i32
            %get3A_1089 = arith.constant 0 : i32
            %get3A_1090 = tpu.memref_slice %arg6[%add3A_748, %get3A_1088, %get3A_1089] : memref<8x128x32xf32, #tpu.memory_space<vmem>> -> memref<1x128x32xf32, #tpu.memory_space<vmem>>
            %get3A_1091 = tpu.memref_squeeze %get3A_1090 : memref<1x128x32xf32, #tpu.memory_space<vmem>> -> memref<128x32xf32, #tpu.memory_space<vmem>>
            %get3A_1092 = arith.index_cast %add3A_1080 : i32 to index
            %get3A_1093 = arith.constant 16 : index
            %get3A_1094 = tpu.vector_load %get3A_1091[%get3A_1092, %get3A_1093] {strides = array<i32>} : memref<128x32xf32, #tpu.memory_space<vmem>>, vector<16xf32>,
            %add3A_1095 = arith.constant 11 : i32
            %add3A_1096 = vector.broadcast %add3A_1095 : i32 to vector<16xi32>
            %add3A_1097 = arith.addi %add3A_759, %add3A_1096 : vector<16xi32>
            %scatter3A_1098 = arith.constant 0 : i32
            %scatter3A_1099 = arith.constant 0 : i32
            %scatter3A_1100 = tpu.memref_slice %arg7[%select_n3A_628, %scan3A_745, %scatter3A_1098, %scatter3A_1099] : memref<2x4x32x129xf32, #tpu.memory_space<vmem>> -> memref<1x1x32x129xf32, #tpu.memory_space<vmem>>
            %scatter3A_1101 = tpu.memref_squeeze %scatter3A_1100 : memref<1x1x32x129xf32, #tpu.memory_space<vmem>> -> memref<32x129xf32, #tpu.memory_space<vmem>>
            tpu.vector_store_idx %scatter3A_1101[%iota3A, %add3A_1097], %get3A_1087 : memref<32x129xf32, #tpu.memory_space<vmem>>[vector<16xi32>, vector<16xi32>], vector<16xf32>,
            %scatter3A_1102 = arith.constant 0 : i32
            %scatter3A_1103 = arith.constant 0 : i32
            %scatter3A_1104 = tpu.memref_slice %arg7[%select_n3A_628, %scan3A_745, %scatter3A_1102, %scatter3A_1103] : memref<2x4x32x129xf32, #tpu.memory_space<vmem>> -> memref<1x1x32x129xf32, #tpu.memory_space<vmem>>
            %scatter3A_1105 = tpu.memref_squeeze %scatter3A_1104 : memref<1x1x32x129xf32, #tpu.memory_space<vmem>> -> memref<32x129xf32, #tpu.memory_space<vmem>>
            tpu.vector_store_idx %scatter3A_1105[%add3A_5, %add3A_1097], %get3A_1094 : memref<32x129xf32, #tpu.memory_space<vmem>>[vector<16xi32>, vector<16xi32>], vector<16xf32>,
            %mul3A_1106 = arith.constant 16 : i32
            %mul3A_1107 = arith.muli %scan3A_755, %mul3A_1106 : i32
            %add3A_1108 = arith.constant 12 : i32
            %add3A_1109 = arith.addi %mul3A_1107, %add3A_1108 : i32
            %get3A_1110 = arith.constant 0 : i32
            %get3A_1111 = arith.constant 0 : i32
            %get3A_1112 = tpu.memref_slice %arg6[%add3A_748, %get3A_1110, %get3A_1111] : memref<8x128x32xf32, #tpu.memory_space<vmem>> -> memref<1x128x32xf32, #tpu.memory_space<vmem>>
            %get3A_1113 = tpu.memref_squeeze %get3A_1112 : memref<1x128x32xf32, #tpu.memory_space<vmem>> -> memref<128x32xf32, #tpu.memory_space<vmem>>
            %get3A_1114 = arith.index_cast %add3A_1109 : i32 to index
            %get3A_1115 = arith.constant 0 : index
            %get3A_1116 = tpu.vector_load %get3A_1113[%get3A_1114, %get3A_1115] {strides = array<i32>} : memref<128x32xf32, #tpu.memory_space<vmem>>, vector<16xf32>,
            %get3A_1117 = arith.constant 0 : i32
            %get3A_1118 = arith.constant 0 : i32
            %get3A_1119 = tpu.memref_slice %arg6[%add3A_748, %get3A_1117, %get3A_1118] : memref<8x128x32xf32, #tpu.memory_space<vmem>> -> memref<1x128x32xf32, #tpu.memory_space<vmem>>
            %get3A_1120 = tpu.memref_squeeze %get3A_1119 : memref<1x128x32xf32, #tpu.memory_space<vmem>> -> memref<128x32xf32, #tpu.memory_space<vmem>>
            %get3A_1121 = arith.index_cast %add3A_1109 : i32 to index
            %get3A_1122 = arith.constant 16 : index
            %get3A_1123 = tpu.vector_load %get3A_1120[%get3A_1121, %get3A_1122] {strides = array<i32>} : memref<128x32xf32, #tpu.memory_space<vmem>>, vector<16xf32>,
            %add3A_1124 = arith.constant 12 : i32
            %add3A_1125 = vector.broadcast %add3A_1124 : i32 to vector<16xi32>
            %add3A_1126 = arith.addi %add3A_759, %add3A_1125 : vector<16xi32>
            %scatter3A_1127 = arith.constant 0 : i32
            %scatter3A_1128 = arith.constant 0 : i32
            %scatter3A_1129 = tpu.memref_slice %arg7[%select_n3A_628, %scan3A_745, %scatter3A_1127, %scatter3A_1128] : memref<2x4x32x129xf32, #tpu.memory_space<vmem>> -> memref<1x1x32x129xf32, #tpu.memory_space<vmem>>
            %scatter3A_1130 = tpu.memref_squeeze %scatter3A_1129 : memref<1x1x32x129xf32, #tpu.memory_space<vmem>> -> memref<32x129xf32, #tpu.memory_space<vmem>>
            tpu.vector_store_idx %scatter3A_1130[%iota3A, %add3A_1126], %get3A_1116 : memref<32x129xf32, #tpu.memory_space<vmem>>[vector<16xi32>, vector<16xi32>], vector<16xf32>,
            %scatter3A_1131 = arith.constant 0 : i32
            %scatter3A_1132 = arith.constant 0 : i32
            %scatter3A_1133 = tpu.memref_slice %arg7[%select_n3A_628, %scan3A_745, %scatter3A_1131, %scatter3A_1132] : memref<2x4x32x129xf32, #tpu.memory_space<vmem>> -> memref<1x1x32x129xf32, #tpu.memory_space<vmem>>
            %scatter3A_1134 = tpu.memref_squeeze %scatter3A_1133 : memref<1x1x32x129xf32, #tpu.memory_space<vmem>> -> memref<32x129xf32, #tpu.memory_space<vmem>>
            tpu.vector_store_idx %scatter3A_1134[%add3A_5, %add3A_1126], %get3A_1123 : memref<32x129xf32, #tpu.memory_space<vmem>>[vector<16xi32>, vector<16xi32>], vector<16xf32>,
            %mul3A_1135 = arith.constant 16 : i32
            %mul3A_1136 = arith.muli %scan3A_755, %mul3A_1135 : i32
            %add3A_1137 = arith.constant 13 : i32
            %add3A_1138 = arith.addi %mul3A_1136, %add3A_1137 : i32
            %get3A_1139 = arith.constant 0 : i32
            %get3A_1140 = arith.constant 0 : i32
            %get3A_1141 = tpu.memref_slice %arg6[%add3A_748, %get3A_1139, %get3A_1140] : memref<8x128x32xf32, #tpu.memory_space<vmem>> -> memref<1x128x32xf32, #tpu.memory_space<vmem>>
            %get3A_1142 = tpu.memref_squeeze %get3A_1141 : memref<1x128x32xf32, #tpu.memory_space<vmem>> -> memref<128x32xf32, #tpu.memory_space<vmem>>
            %get3A_1143 = arith.index_cast %add3A_1138 : i32 to index
            %get3A_1144 = arith.constant 0 : index
            %get3A_1145 = tpu.vector_load %get3A_1142[%get3A_1143, %get3A_1144] {strides = array<i32>} : memref<128x32xf32, #tpu.memory_space<vmem>>, vector<16xf32>,
            %get3A_1146 = arith.constant 0 : i32
            %get3A_1147 = arith.constant 0 : i32
            %get3A_1148 = tpu.memref_slice %arg6[%add3A_748, %get3A_1146, %get3A_1147] : memref<8x128x32xf32, #tpu.memory_space<vmem>> -> memref<1x128x32xf32, #tpu.memory_space<vmem>>
            %get3A_1149 = tpu.memref_squeeze %get3A_1148 : memref<1x128x32xf32, #tpu.memory_space<vmem>> -> memref<128x32xf32, #tpu.memory_space<vmem>>
            %get3A_1150 = arith.index_cast %add3A_1138 : i32 to index
            %get3A_1151 = arith.constant 16 : index
            %get3A_1152 = tpu.vector_load %get3A_1149[%get3A_1150, %get3A_1151] {strides = array<i32>} : memref<128x32xf32, #tpu.memory_space<vmem>>, vector<16xf32>,
            %add3A_1153 = arith.constant 13 : i32
            %add3A_1154 = vector.broadcast %add3A_1153 : i32 to vector<16xi32>
            %add3A_1155 = arith.addi %add3A_759, %add3A_1154 : vector<16xi32>
            %scatter3A_1156 = arith.constant 0 : i32
            %scatter3A_1157 = arith.constant 0 : i32
            %scatter3A_1158 = tpu.memref_slice %arg7[%select_n3A_628, %scan3A_745, %scatter3A_1156, %scatter3A_1157] : memref<2x4x32x129xf32, #tpu.memory_space<vmem>> -> memref<1x1x32x129xf32, #tpu.memory_space<vmem>>
            %scatter3A_1159 = tpu.memref_squeeze %scatter3A_1158 : memref<1x1x32x129xf32, #tpu.memory_space<vmem>> -> memref<32x129xf32, #tpu.memory_space<vmem>>
            tpu.vector_store_idx %scatter3A_1159[%iota3A, %add3A_1155], %get3A_1145 : memref<32x129xf32, #tpu.memory_space<vmem>>[vector<16xi32>, vector<16xi32>], vector<16xf32>,
            %scatter3A_1160 = arith.constant 0 : i32
            %scatter3A_1161 = arith.constant 0 : i32
            %scatter3A_1162 = tpu.memref_slice %arg7[%select_n3A_628, %scan3A_745, %scatter3A_1160, %scatter3A_1161] : memref<2x4x32x129xf32, #tpu.memory_space<vmem>> -> memref<1x1x32x129xf32, #tpu.memory_space<vmem>>
            %scatter3A_1163 = tpu.memref_squeeze %scatter3A_1162 : memref<1x1x32x129xf32, #tpu.memory_space<vmem>> -> memref<32x129xf32, #tpu.memory_space<vmem>>
            tpu.vector_store_idx %scatter3A_1163[%add3A_5, %add3A_1155], %get3A_1152 : memref<32x129xf32, #tpu.memory_space<vmem>>[vector<16xi32>, vector<16xi32>], vector<16xf32>,
            %mul3A_1164 = arith.constant 16 : i32
            %mul3A_1165 = arith.muli %scan3A_755, %mul3A_1164 : i32
            %add3A_1166 = arith.constant 14 : i32
            %add3A_1167 = arith.addi %mul3A_1165, %add3A_1166 : i32
            %get3A_1168 = arith.constant 0 : i32
            %get3A_1169 = arith.constant 0 : i32
            %get3A_1170 = tpu.memref_slice %arg6[%add3A_748, %get3A_1168, %get3A_1169] : memref<8x128x32xf32, #tpu.memory_space<vmem>> -> memref<1x128x32xf32, #tpu.memory_space<vmem>>
            %get3A_1171 = tpu.memref_squeeze %get3A_1170 : memref<1x128x32xf32, #tpu.memory_space<vmem>> -> memref<128x32xf32, #tpu.memory_space<vmem>>
            %get3A_1172 = arith.index_cast %add3A_1167 : i32 to index
            %get3A_1173 = arith.constant 0 : index
            %get3A_1174 = tpu.vector_load %get3A_1171[%get3A_1172, %get3A_1173] {strides = array<i32>} : memref<128x32xf32, #tpu.memory_space<vmem>>, vector<16xf32>,
            %get3A_1175 = arith.constant 0 : i32
            %get3A_1176 = arith.constant 0 : i32
            %get3A_1177 = tpu.memref_slice %arg6[%add3A_748, %get3A_1175, %get3A_1176] : memref<8x128x32xf32, #tpu.memory_space<vmem>> -> memref<1x128x32xf32, #tpu.memory_space<vmem>>
            %get3A_1178 = tpu.memref_squeeze %get3A_1177 : memref<1x128x32xf32, #tpu.memory_space<vmem>> -> memref<128x32xf32, #tpu.memory_space<vmem>>
            %get3A_1179 = arith.index_cast %add3A_1167 : i32 to index
            %get3A_1180 = arith.constant 16 : index
            %get3A_1181 = tpu.vector_load %get3A_1178[%get3A_1179, %get3A_1180] {strides = array<i32>} : memref<128x32xf32, #tpu.memory_space<vmem>>, vector<16xf32>,
            %add3A_1182 = arith.constant 14 : i32
            %add3A_1183 = vector.broadcast %add3A_1182 : i32 to vector<16xi32>
            %add3A_1184 = arith.addi %add3A_759, %add3A_1183 : vector<16xi32>
            %scatter3A_1185 = arith.constant 0 : i32
            %scatter3A_1186 = arith.constant 0 : i32
            %scatter3A_1187 = tpu.memref_slice %arg7[%select_n3A_628, %scan3A_745, %scatter3A_1185, %scatter3A_1186] : memref<2x4x32x129xf32, #tpu.memory_space<vmem>> -> memref<1x1x32x129xf32, #tpu.memory_space<vmem>>
            %scatter3A_1188 = tpu.memref_squeeze %scatter3A_1187 : memref<1x1x32x129xf32, #tpu.memory_space<vmem>> -> memref<32x129xf32, #tpu.memory_space<vmem>>
            tpu.vector_store_idx %scatter3A_1188[%iota3A, %add3A_1184], %get3A_1174 : memref<32x129xf32, #tpu.memory_space<vmem>>[vector<16xi32>, vector<16xi32>], vector<16xf32>,
            %scatter3A_1189 = arith.constant 0 : i32
            %scatter3A_1190 = arith.constant 0 : i32
            %scatter3A_1191 = tpu.memref_slice %arg7[%select_n3A_628, %scan3A_745, %scatter3A_1189, %scatter3A_1190] : memref<2x4x32x129xf32, #tpu.memory_space<vmem>> -> memref<1x1x32x129xf32, #tpu.memory_space<vmem>>
            %scatter3A_1192 = tpu.memref_squeeze %scatter3A_1191 : memref<1x1x32x129xf32, #tpu.memory_space<vmem>> -> memref<32x129xf32, #tpu.memory_space<vmem>>
            tpu.vector_store_idx %scatter3A_1192[%add3A_5, %add3A_1184], %get3A_1181 : memref<32x129xf32, #tpu.memory_space<vmem>>[vector<16xi32>, vector<16xi32>], vector<16xf32>,
            %mul3A_1193 = arith.constant 16 : i32
            %mul3A_1194 = arith.muli %scan3A_755, %mul3A_1193 : i32
            %add3A_1195 = arith.constant 15 : i32
            %add3A_1196 = arith.addi %mul3A_1194, %add3A_1195 : i32
            %get3A_1197 = arith.constant 0 : i32
            %get3A_1198 = arith.constant 0 : i32
            %get3A_1199 = tpu.memref_slice %arg6[%add3A_748, %get3A_1197, %get3A_1198] : memref<8x128x32xf32, #tpu.memory_space<vmem>> -> memref<1x128x32xf32, #tpu.memory_space<vmem>>
            %get3A_1200 = tpu.memref_squeeze %get3A_1199 : memref<1x128x32xf32, #tpu.memory_space<vmem>> -> memref<128x32xf32, #tpu.memory_space<vmem>>
            %get3A_1201 = arith.index_cast %add3A_1196 : i32 to index
            %get3A_1202 = arith.constant 0 : index
            %get3A_1203 = tpu.vector_load %get3A_1200[%get3A_1201, %get3A_1202] {strides = array<i32>} : memref<128x32xf32, #tpu.memory_space<vmem>>, vector<16xf32>,
            %get3A_1204 = arith.constant 0 : i32
            %get3A_1205 = arith.constant 0 : i32
            %get3A_1206 = tpu.memref_slice %arg6[%add3A_748, %get3A_1204, %get3A_1205] : memref<8x128x32xf32, #tpu.memory_space<vmem>> -> memref<1x128x32xf32, #tpu.memory_space<vmem>>
            %get3A_1207 = tpu.memref_squeeze %get3A_1206 : memref<1x128x32xf32, #tpu.memory_space<vmem>> -> memref<128x32xf32, #tpu.memory_space<vmem>>
            %get3A_1208 = arith.index_cast %add3A_1196 : i32 to index
            %get3A_1209 = arith.constant 16 : index
            %get3A_1210 = tpu.vector_load %get3A_1207[%get3A_1208, %get3A_1209] {strides = array<i32>} : memref<128x32xf32, #tpu.memory_space<vmem>>, vector<16xf32>,
            %add3A_1211 = arith.constant 15 : i32
            %add3A_1212 = vector.broadcast %add3A_1211 : i32 to vector<16xi32>
            %add3A_1213 = arith.addi %add3A_759, %add3A_1212 : vector<16xi32>
            %scatter3A_1214 = arith.constant 0 : i32
            %scatter3A_1215 = arith.constant 0 : i32
            %scatter3A_1216 = tpu.memref_slice %arg7[%select_n3A_628, %scan3A_745, %scatter3A_1214, %scatter3A_1215] : memref<2x4x32x129xf32, #tpu.memory_space<vmem>> -> memref<1x1x32x129xf32, #tpu.memory_space<vmem>>
            %scatter3A_1217 = tpu.memref_squeeze %scatter3A_1216 : memref<1x1x32x129xf32, #tpu.memory_space<vmem>> -> memref<32x129xf32, #tpu.memory_space<vmem>>
            tpu.vector_store_idx %scatter3A_1217[%iota3A, %add3A_1213], %get3A_1203 : memref<32x129xf32, #tpu.memory_space<vmem>>[vector<16xi32>, vector<16xi32>], vector<16xf32>,
            %scatter3A_1218 = arith.constant 0 : i32
            %scatter3A_1219 = arith.constant 0 : i32
            %scatter3A_1220 = tpu.memref_slice %arg7[%select_n3A_628, %scan3A_745, %scatter3A_1218, %scatter3A_1219] : memref<2x4x32x129xf32, #tpu.memory_space<vmem>> -> memref<1x1x32x129xf32, #tpu.memory_space<vmem>>
            %scatter3A_1221 = tpu.memref_squeeze %scatter3A_1220 : memref<1x1x32x129xf32, #tpu.memory_space<vmem>> -> memref<32x129xf32, #tpu.memory_space<vmem>>
            tpu.vector_store_idx %scatter3A_1221[%add3A_5, %add3A_1213], %get3A_1210 : memref<32x129xf32, #tpu.memory_space<vmem>>[vector<16xi32>, vector<16xi32>], vector<16xf32>,
          }
          %scan3A_754 = arith.constant 8 : i32
        }
        %scan3A_720 = arith.constant 4 : i32
        %scan3A_721 = arith.constant 0 : i32
        %scan3A_722 = arith.constant 0 : i32
        %scan3A_723 = arith.constant 4 : i32
        %scan3A_724 = arith.addi %scan3A_722, %scan3A_723 : i32
        %scan3A_725 = arith.constant 1 : i32
        scf.for %scan3A_745 = %scan3A_722 to %scan3A_724 step %scan3A_725  : i32 {
          %mul3A_746 = arith.constant 512 : i32
          %mul3A_747 = arith.muli %sub3A_637, %mul3A_746 : i32
          %add3A_748 = arith.constant 0 : i32
          %add3A_749 = arith.addi %mul3A_747, %add3A_748 : i32
          %mul3A_750 = arith.constant 4 : i32
          %mul3A_751 = arith.muli %add3A, %mul3A_750 : i32
          %add3A_752 = arith.addi %add3A_749, %mul3A_751 : i32
          %add3A_753 = arith.addi %add3A_752, %scan3A_745 : i32
          %dma_start3A = arith.constant 0 : i32
          %dma_start3A_754 = arith.constant 0 : i32
          %dma_start3A_755 = tpu.memref_slice %arg7[%select_n3A_628, %scan3A_745, %dma_start3A, %dma_start3A_754] : memref<2x4x32x129xf32, #tpu.memory_space<vmem>> -> memref<1x1x8x128xf32, #tpu.memory_space<vmem>>
          %dma_start3A_756 = tpu.memref_squeeze %dma_start3A_755 : memref<1x1x8x128xf32, #tpu.memory_space<vmem>> -> memref<8x128xf32, #tpu.memory_space<vmem>>
          %dma_start3A_757 = arith.constant 0 : i32
          %dma_start3A_758 = arith.constant 0 : i32
          %dma_start3A_759 = tpu.memref_slice %arg4[%add3A_753, %dma_start3A_757, %dma_start3A_758] : memref<25600x8x128xf32, #tpu.memory_space<hbm>> -> memref<1x8x128xf32, #tpu.memory_space<hbm>>
          %dma_start3A_760 = tpu.memref_squeeze %dma_start3A_759 : memref<1x8x128xf32, #tpu.memory_space<hbm>> -> memref<8x128xf32, #tpu.memory_space<hbm>>
          %dma_start3A_761 = arith.constant 0 : i32
          %dma_start3A_762 = arith.constant 0 : i32
          %dma_start3A_763 = tpu.memref_slice %arg4[%add3A_753, %dma_start3A_761, %dma_start3A_762] : memref<25600x8x128xf32, #tpu.memory_space<hbm>> -> memref<1x8x128xf32, #tpu.memory_space<hbm>>
          %dma_start3A_764 = tpu.memref_squeeze %dma_start3A_763 : memref<1x8x128xf32, #tpu.memory_space<hbm>> -> memref<8x128xf32, #tpu.memory_space<hbm>>
          %dma_start3A_765 = arith.constant 0 : i32
          %dma_start3A_766 = arith.constant 0 : i32
          %dma_start3A_767 = tpu.memref_slice %arg7[%select_n3A_628, %scan3A_745, %dma_start3A_765, %dma_start3A_766] : memref<2x4x32x129xf32, #tpu.memory_space<vmem>> -> memref<1x1x8x128xf32, #tpu.memory_space<vmem>>
          %dma_start3A_768 = tpu.memref_squeeze %dma_start3A_767 : memref<1x1x8x128xf32, #tpu.memory_space<vmem>> -> memref<8x128xf32, #tpu.memory_space<vmem>>
          tpu.enqueue_dma source(%dma_start3A_768 : memref<8x128xf32, #tpu.memory_space<vmem>>) target(%dma_start3A_764 : memref<8x128xf32, #tpu.memory_space<hbm>>) target_semaphore(%arg9 : memref<!tpu.dma_semaphore, #tpu.memory_space<semaphore_mem>>)
        }
        %scan3A_726 = arith.constant 4 : i32
        %scan3A_727 = arith.constant 0 : i32
        %scan3A_728 = arith.constant 0 : i32
        %scan3A_729 = arith.constant 4 : i32
        %scan3A_730 = arith.addi %scan3A_728, %scan3A_729 : i32
        %scan3A_731 = arith.constant 1 : i32
        scf.for %scan3A_745 = %scan3A_728 to %scan3A_730 step %scan3A_731  : i32 {
          %mul3A_746 = arith.constant 512 : i32
          %mul3A_747 = arith.muli %sub3A_637, %mul3A_746 : i32
          %add3A_748 = arith.constant 128 : i32
          %add3A_749 = arith.addi %mul3A_747, %add3A_748 : i32
          %mul3A_750 = arith.constant 4 : i32
          %mul3A_751 = arith.muli %add3A, %mul3A_750 : i32
          %add3A_752 = arith.addi %add3A_749, %mul3A_751 : i32
          %add3A_753 = arith.addi %add3A_752, %scan3A_745 : i32
          %dma_start3A = arith.constant 8 : i32
          %dma_start3A_754 = arith.constant 0 : i32
          %dma_start3A_755 = tpu.memref_slice %arg7[%select_n3A_628, %scan3A_745, %dma_start3A, %dma_start3A_754] : memref<2x4x32x129xf32, #tpu.memory_space<vmem>> -> memref<1x1x8x128xf32, #tpu.memory_space<vmem>>
          %dma_start3A_756 = tpu.memref_squeeze %dma_start3A_755 : memref<1x1x8x128xf32, #tpu.memory_space<vmem>> -> memref<8x128xf32, #tpu.memory_space<vmem>>
          %dma_start3A_757 = arith.constant 0 : i32
          %dma_start3A_758 = arith.constant 0 : i32
          %dma_start3A_759 = tpu.memref_slice %arg4[%add3A_753, %dma_start3A_757, %dma_start3A_758] : memref<25600x8x128xf32, #tpu.memory_space<hbm>> -> memref<1x8x128xf32, #tpu.memory_space<hbm>>
          %dma_start3A_760 = tpu.memref_squeeze %dma_start3A_759 : memref<1x8x128xf32, #tpu.memory_space<hbm>> -> memref<8x128xf32, #tpu.memory_space<hbm>>
          %dma_start3A_761 = arith.constant 0 : i32
          %dma_start3A_762 = arith.constant 0 : i32
          %dma_start3A_763 = tpu.memref_slice %arg4[%add3A_753, %dma_start3A_761, %dma_start3A_762] : memref<25600x8x128xf32, #tpu.memory_space<hbm>> -> memref<1x8x128xf32, #tpu.memory_space<hbm>>
          %dma_start3A_764 = tpu.memref_squeeze %dma_start3A_763 : memref<1x8x128xf32, #tpu.memory_space<hbm>> -> memref<8x128xf32, #tpu.memory_space<hbm>>
          %dma_start3A_765 = arith.constant 8 : i32
          %dma_start3A_766 = arith.constant 0 : i32
          %dma_start3A_767 = tpu.memref_slice %arg7[%select_n3A_628, %scan3A_745, %dma_start3A_765, %dma_start3A_766] : memref<2x4x32x129xf32, #tpu.memory_space<vmem>> -> memref<1x1x8x128xf32, #tpu.memory_space<vmem>>
          %dma_start3A_768 = tpu.memref_squeeze %dma_start3A_767 : memref<1x1x8x128xf32, #tpu.memory_space<vmem>> -> memref<8x128xf32, #tpu.memory_space<vmem>>
          tpu.enqueue_dma source(%dma_start3A_768 : memref<8x128xf32, #tpu.memory_space<vmem>>) target(%dma_start3A_764 : memref<8x128xf32, #tpu.memory_space<hbm>>) target_semaphore(%arg9 : memref<!tpu.dma_semaphore, #tpu.memory_space<semaphore_mem>>)
        }
        %scan3A_732 = arith.constant 4 : i32
        %scan3A_733 = arith.constant 0 : i32
        %scan3A_734 = arith.constant 0 : i32
        %scan3A_735 = arith.constant 4 : i32
        %scan3A_736 = arith.addi %scan3A_734, %scan3A_735 : i32
        %scan3A_737 = arith.constant 1 : i32
        scf.for %scan3A_745 = %scan3A_734 to %scan3A_736 step %scan3A_737  : i32 {
          %mul3A_746 = arith.constant 512 : i32
          %mul3A_747 = arith.muli %sub3A_637, %mul3A_746 : i32
          %add3A_748 = arith.constant 256 : i32
          %add3A_749 = arith.addi %mul3A_747, %add3A_748 : i32
          %mul3A_750 = arith.constant 4 : i32
          %mul3A_751 = arith.muli %add3A, %mul3A_750 : i32
          %add3A_752 = arith.addi %add3A_749, %mul3A_751 : i32
          %add3A_753 = arith.addi %add3A_752, %scan3A_745 : i32
          %dma_start3A = arith.constant 16 : i32
          %dma_start3A_754 = arith.constant 0 : i32
          %dma_start3A_755 = tpu.memref_slice %arg7[%select_n3A_628, %scan3A_745, %dma_start3A, %dma_start3A_754] : memref<2x4x32x129xf32, #tpu.memory_space<vmem>> -> memref<1x1x8x128xf32, #tpu.memory_space<vmem>>
          %dma_start3A_756 = tpu.memref_squeeze %dma_start3A_755 : memref<1x1x8x128xf32, #tpu.memory_space<vmem>> -> memref<8x128xf32, #tpu.memory_space<vmem>>
          %dma_start3A_757 = arith.constant 0 : i32
          %dma_start3A_758 = arith.constant 0 : i32
          %dma_start3A_759 = tpu.memref_slice %arg4[%add3A_753, %dma_start3A_757, %dma_start3A_758] : memref<25600x8x128xf32, #tpu.memory_space<hbm>> -> memref<1x8x128xf32, #tpu.memory_space<hbm>>
          %dma_start3A_760 = tpu.memref_squeeze %dma_start3A_759 : memref<1x8x128xf32, #tpu.memory_space<hbm>> -> memref<8x128xf32, #tpu.memory_space<hbm>>
          %dma_start3A_761 = arith.constant 0 : i32
          %dma_start3A_762 = arith.constant 0 : i32
          %dma_start3A_763 = tpu.memref_slice %arg4[%add3A_753, %dma_start3A_761, %dma_start3A_762] : memref<25600x8x128xf32, #tpu.memory_space<hbm>> -> memref<1x8x128xf32, #tpu.memory_space<hbm>>
          %dma_start3A_764 = tpu.memref_squeeze %dma_start3A_763 : memref<1x8x128xf32, #tpu.memory_space<hbm>> -> memref<8x128xf32, #tpu.memory_space<hbm>>
          %dma_start3A_765 = arith.constant 16 : i32
          %dma_start3A_766 = arith.constant 0 : i32
          %dma_start3A_767 = tpu.memref_slice %arg7[%select_n3A_628, %scan3A_745, %dma_start3A_765, %dma_start3A_766] : memref<2x4x32x129xf32, #tpu.memory_space<vmem>> -> memref<1x1x8x128xf32, #tpu.memory_space<vmem>>
          %dma_start3A_768 = tpu.memref_squeeze %dma_start3A_767 : memref<1x1x8x128xf32, #tpu.memory_space<vmem>> -> memref<8x128xf32, #tpu.memory_space<vmem>>
          tpu.enqueue_dma source(%dma_start3A_768 : memref<8x128xf32, #tpu.memory_space<vmem>>) target(%dma_start3A_764 : memref<8x128xf32, #tpu.memory_space<hbm>>) target_semaphore(%arg9 : memref<!tpu.dma_semaphore, #tpu.memory_space<semaphore_mem>>)
        }
        %scan3A_738 = arith.constant 4 : i32
        %scan3A_739 = arith.constant 0 : i32
        %scan3A_740 = arith.constant 0 : i32
        %scan3A_741 = arith.constant 4 : i32
        %scan3A_742 = arith.addi %scan3A_740, %scan3A_741 : i32
        %scan3A_743 = arith.constant 1 : i32
        scf.for %scan3A_745 = %scan3A_740 to %scan3A_742 step %scan3A_743  : i32 {
          %mul3A_746 = arith.constant 512 : i32
          %mul3A_747 = arith.muli %sub3A_637, %mul3A_746 : i32
          %add3A_748 = arith.constant 384 : i32
          %add3A_749 = arith.addi %mul3A_747, %add3A_748 : i32
          %mul3A_750 = arith.constant 4 : i32
          %mul3A_751 = arith.muli %add3A, %mul3A_750 : i32
          %add3A_752 = arith.addi %add3A_749, %mul3A_751 : i32
          %add3A_753 = arith.addi %add3A_752, %scan3A_745 : i32
          %dma_start3A = arith.constant 24 : i32
          %dma_start3A_754 = arith.constant 0 : i32
          %dma_start3A_755 = tpu.memref_slice %arg7[%select_n3A_628, %scan3A_745, %dma_start3A, %dma_start3A_754] : memref<2x4x32x129xf32, #tpu.memory_space<vmem>> -> memref<1x1x8x128xf32, #tpu.memory_space<vmem>>
          %dma_start3A_756 = tpu.memref_squeeze %dma_start3A_755 : memref<1x1x8x128xf32, #tpu.memory_space<vmem>> -> memref<8x128xf32, #tpu.memory_space<vmem>>
          %dma_start3A_757 = arith.constant 0 : i32
          %dma_start3A_758 = arith.constant 0 : i32
          %dma_start3A_759 = tpu.memref_slice %arg4[%add3A_753, %dma_start3A_757, %dma_start3A_758] : memref<25600x8x128xf32, #tpu.memory_space<hbm>> -> memref<1x8x128xf32, #tpu.memory_space<hbm>>
          %dma_start3A_760 = tpu.memref_squeeze %dma_start3A_759 : memref<1x8x128xf32, #tpu.memory_space<hbm>> -> memref<8x128xf32, #tpu.memory_space<hbm>>
          %dma_start3A_761 = arith.constant 0 : i32
          %dma_start3A_762 = arith.constant 0 : i32
          %dma_start3A_763 = tpu.memref_slice %arg4[%add3A_753, %dma_start3A_761, %dma_start3A_762] : memref<25600x8x128xf32, #tpu.memory_space<hbm>> -> memref<1x8x128xf32, #tpu.memory_space<hbm>>
          %dma_start3A_764 = tpu.memref_squeeze %dma_start3A_763 : memref<1x8x128xf32, #tpu.memory_space<hbm>> -> memref<8x128xf32, #tpu.memory_space<hbm>>
          %dma_start3A_765 = arith.constant 24 : i32
          %dma_start3A_766 = arith.constant 0 : i32
          %dma_start3A_767 = tpu.memref_slice %arg7[%select_n3A_628, %scan3A_745, %dma_start3A_765, %dma_start3A_766] : memref<2x4x32x129xf32, #tpu.memory_space<vmem>> -> memref<1x1x8x128xf32, #tpu.memory_space<vmem>>
          %dma_start3A_768 = tpu.memref_squeeze %dma_start3A_767 : memref<1x1x8x128xf32, #tpu.memory_space<vmem>> -> memref<8x128xf32, #tpu.memory_space<vmem>>
          tpu.enqueue_dma source(%dma_start3A_768 : memref<8x128xf32, #tpu.memory_space<vmem>>) target(%dma_start3A_764 : memref<8x128xf32, #tpu.memory_space<hbm>>) target_semaphore(%arg9 : memref<!tpu.dma_semaphore, #tpu.memory_space<semaphore_mem>>)
        }
        %scan3A_744 = arith.constant 4 : i32
      } else {
      }
    }
    %scan3A_10 = arith.constant 51 : i32
    %dma_wait3A = arith.constant 0 : i32
    %dma_wait3A_11 = arith.constant 0 : i32
    %dma_wait3A_12 = arith.constant 0 : i32
    %dma_wait3A_13 = arith.constant 0 : i32
    %dma_wait3A_14 = arith.constant 0 : i32
    %dma_wait3A_15 = tpu.memref_slice %arg7[%dma_wait3A, %dma_wait3A_11, %dma_wait3A_13, %dma_wait3A_14] : memref<2x4x32x129xf32, #tpu.memory_space<vmem>> -> memref<1x1x8x128xf32, #tpu.memory_space<vmem>>
    %dma_wait3A_16 = tpu.memref_squeeze %dma_wait3A_15 : memref<1x1x8x128xf32, #tpu.memory_space<vmem>> -> memref<8x128xf32, #tpu.memory_space<vmem>>
    %dma_wait3A_17 = arith.constant 0 : i32
    %dma_wait3A_18 = arith.constant 0 : i32
    %dma_wait3A_19 = tpu.memref_slice %arg4[%dma_wait3A_12, %dma_wait3A_17, %dma_wait3A_18] : memref<25600x8x128xf32, #tpu.memory_space<hbm>> -> memref<1x8x128xf32, #tpu.memory_space<hbm>>
    %dma_wait3A_20 = tpu.memref_squeeze %dma_wait3A_19 : memref<1x8x128xf32, #tpu.memory_space<hbm>> -> memref<8x128xf32, #tpu.memory_space<hbm>>
    %dma_wait3A_21 = arith.constant 0 : i32
    %dma_wait3A_22 = arith.constant 0 : i32
    %dma_wait3A_23 = tpu.memref_slice %arg4[%dma_wait3A_12, %dma_wait3A_21, %dma_wait3A_22] : memref<25600x8x128xf32, #tpu.memory_space<hbm>> -> memref<1x8x128xf32, #tpu.memory_space<hbm>>
    %dma_wait3A_24 = tpu.memref_squeeze %dma_wait3A_23 : memref<1x8x128xf32, #tpu.memory_space<hbm>> -> memref<8x128xf32, #tpu.memory_space<hbm>>
    %dma_wait3A_25 = arith.constant 0 : i32
    %dma_wait3A_26 = arith.constant 0 : i32
    %dma_wait3A_27 = tpu.memref_slice %arg7[%dma_wait3A, %dma_wait3A_11, %dma_wait3A_25, %dma_wait3A_26] : memref<2x4x32x129xf32, #tpu.memory_space<vmem>> -> memref<1x1x8x128xf32, #tpu.memory_space<vmem>>
    %dma_wait3A_28 = tpu.memref_squeeze %dma_wait3A_27 : memref<1x1x8x128xf32, #tpu.memory_space<vmem>> -> memref<8x128xf32, #tpu.memory_space<vmem>>
    tpu.wait_dma2 semaphore(%arg9 : memref<!tpu.dma_semaphore, #tpu.memory_space<semaphore_mem>>) src(%dma_wait3A_28 : memref<8x128xf32, #tpu.memory_space<vmem>>) dst(%dma_wait3A_24 : memref<8x128xf32, #tpu.memory_space<hbm>>)
    %dma_wait3A_29 = arith.constant 0 : i32
    %dma_wait3A_30 = arith.constant 1 : i32
    %dma_wait3A_31 = arith.constant 0 : i32
    %dma_wait3A_32 = arith.constant 0 : i32
    %dma_wait3A_33 = arith.constant 0 : i32
    %dma_wait3A_34 = tpu.memref_slice %arg7[%dma_wait3A_29, %dma_wait3A_30, %dma_wait3A_32, %dma_wait3A_33] : memref<2x4x32x129xf32, #tpu.memory_space<vmem>> -> memref<1x1x8x128xf32, #tpu.memory_space<vmem>>
    %dma_wait3A_35 = tpu.memref_squeeze %dma_wait3A_34 : memref<1x1x8x128xf32, #tpu.memory_space<vmem>> -> memref<8x128xf32, #tpu.memory_space<vmem>>
    %dma_wait3A_36 = arith.constant 0 : i32
    %dma_wait3A_37 = arith.constant 0 : i32
    %dma_wait3A_38 = tpu.memref_slice %arg4[%dma_wait3A_31, %dma_wait3A_36, %dma_wait3A_37] : memref<25600x8x128xf32, #tpu.memory_space<hbm>> -> memref<1x8x128xf32, #tpu.memory_space<hbm>>
    %dma_wait3A_39 = tpu.memref_squeeze %dma_wait3A_38 : memref<1x8x128xf32, #tpu.memory_space<hbm>> -> memref<8x128xf32, #tpu.memory_space<hbm>>
    %dma_wait3A_40 = arith.constant 0 : i32
    %dma_wait3A_41 = arith.constant 0 : i32
    %dma_wait3A_42 = tpu.memref_slice %arg4[%dma_wait3A_31, %dma_wait3A_40, %dma_wait3A_41] : memref<25600x8x128xf32, #tpu.memory_space<hbm>> -> memref<1x8x128xf32, #tpu.memory_space<hbm>>
    %dma_wait3A_43 = tpu.memref_squeeze %dma_wait3A_42 : memref<1x8x128xf32, #tpu.memory_space<hbm>> -> memref<8x128xf32, #tpu.memory_space<hbm>>
    %dma_wait3A_44 = arith.constant 0 : i32
    %dma_wait3A_45 = arith.constant 0 : i32
    %dma_wait3A_46 = tpu.memref_slice %arg7[%dma_wait3A_29, %dma_wait3A_30, %dma_wait3A_44, %dma_wait3A_45] : memref<2x4x32x129xf32, #tpu.memory_space<vmem>> -> memref<1x1x8x128xf32, #tpu.memory_space<vmem>>
    %dma_wait3A_47 = tpu.memref_squeeze %dma_wait3A_46 : memref<1x1x8x128xf32, #tpu.memory_space<vmem>> -> memref<8x128xf32, #tpu.memory_space<vmem>>
    tpu.wait_dma2 semaphore(%arg9 : memref<!tpu.dma_semaphore, #tpu.memory_space<semaphore_mem>>) src(%dma_wait3A_47 : memref<8x128xf32, #tpu.memory_space<vmem>>) dst(%dma_wait3A_43 : memref<8x128xf32, #tpu.memory_space<hbm>>)
    %dma_wait3A_48 = arith.constant 0 : i32
    %dma_wait3A_49 = arith.constant 2 : i32
    %dma_wait3A_50 = arith.constant 0 : i32
    %dma_wait3A_51 = arith.constant 0 : i32
    %dma_wait3A_52 = arith.constant 0 : i32
    %dma_wait3A_53 = tpu.memref_slice %arg7[%dma_wait3A_48, %dma_wait3A_49, %dma_wait3A_51, %dma_wait3A_52] : memref<2x4x32x129xf32, #tpu.memory_space<vmem>> -> memref<1x1x8x128xf32, #tpu.memory_space<vmem>>
    %dma_wait3A_54 = tpu.memref_squeeze %dma_wait3A_53 : memref<1x1x8x128xf32, #tpu.memory_space<vmem>> -> memref<8x128xf32, #tpu.memory_space<vmem>>
    %dma_wait3A_55 = arith.constant 0 : i32
    %dma_wait3A_56 = arith.constant 0 : i32
    %dma_wait3A_57 = tpu.memref_slice %arg4[%dma_wait3A_50, %dma_wait3A_55, %dma_wait3A_56] : memref<25600x8x128xf32, #tpu.memory_space<hbm>> -> memref<1x8x128xf32, #tpu.memory_space<hbm>>
    %dma_wait3A_58 = tpu.memref_squeeze %dma_wait3A_57 : memref<1x8x128xf32, #tpu.memory_space<hbm>> -> memref<8x128xf32, #tpu.memory_space<hbm>>
    %dma_wait3A_59 = arith.constant 0 : i32
    %dma_wait3A_60 = arith.constant 0 : i32
    %dma_wait3A_61 = tpu.memref_slice %arg4[%dma_wait3A_50, %dma_wait3A_59, %dma_wait3A_60] : memref<25600x8x128xf32, #tpu.memory_space<hbm>> -> memref<1x8x128xf32, #tpu.memory_space<hbm>>
    %dma_wait3A_62 = tpu.memref_squeeze %dma_wait3A_61 : memref<1x8x128xf32, #tpu.memory_space<hbm>> -> memref<8x128xf32, #tpu.memory_space<hbm>>
    %dma_wait3A_63 = arith.constant 0 : i32
    %dma_wait3A_64 = arith.constant 0 : i32
    %dma_wait3A_65 = tpu.memref_slice %arg7[%dma_wait3A_48, %dma_wait3A_49, %dma_wait3A_63, %dma_wait3A_64] : memref<2x4x32x129xf32, #tpu.memory_space<vmem>> -> memref<1x1x8x128xf32, #tpu.memory_space<vmem>>
    %dma_wait3A_66 = tpu.memref_squeeze %dma_wait3A_65 : memref<1x1x8x128xf32, #tpu.memory_space<vmem>> -> memref<8x128xf32, #tpu.memory_space<vmem>>
    tpu.wait_dma2 semaphore(%arg9 : memref<!tpu.dma_semaphore, #tpu.memory_space<semaphore_mem>>) src(%dma_wait3A_66 : memref<8x128xf32, #tpu.memory_space<vmem>>) dst(%dma_wait3A_62 : memref<8x128xf32, #tpu.memory_space<hbm>>)
    %dma_wait3A_67 = arith.constant 0 : i32
    %dma_wait3A_68 = arith.constant 3 : i32
    %dma_wait3A_69 = arith.constant 0 : i32
    %dma_wait3A_70 = arith.constant 0 : i32
    %dma_wait3A_71 = arith.constant 0 : i32
    %dma_wait3A_72 = tpu.memref_slice %arg7[%dma_wait3A_67, %dma_wait3A_68, %dma_wait3A_70, %dma_wait3A_71] : memref<2x4x32x129xf32, #tpu.memory_space<vmem>> -> memref<1x1x8x128xf32, #tpu.memory_space<vmem>>
    %dma_wait3A_73 = tpu.memref_squeeze %dma_wait3A_72 : memref<1x1x8x128xf32, #tpu.memory_space<vmem>> -> memref<8x128xf32, #tpu.memory_space<vmem>>
    %dma_wait3A_74 = arith.constant 0 : i32
    %dma_wait3A_75 = arith.constant 0 : i32
    %dma_wait3A_76 = tpu.memref_slice %arg4[%dma_wait3A_69, %dma_wait3A_74, %dma_wait3A_75] : memref<25600x8x128xf32, #tpu.memory_space<hbm>> -> memref<1x8x128xf32, #tpu.memory_space<hbm>>
    %dma_wait3A_77 = tpu.memref_squeeze %dma_wait3A_76 : memref<1x8x128xf32, #tpu.memory_space<hbm>> -> memref<8x128xf32, #tpu.memory_space<hbm>>
    %dma_wait3A_78 = arith.constant 0 : i32
    %dma_wait3A_79 = arith.constant 0 : i32
    %dma_wait3A_80 = tpu.memref_slice %arg4[%dma_wait3A_69, %dma_wait3A_78, %dma_wait3A_79] : memref<25600x8x128xf32, #tpu.memory_space<hbm>> -> memref<1x8x128xf32, #tpu.memory_space<hbm>>
    %dma_wait3A_81 = tpu.memref_squeeze %dma_wait3A_80 : memref<1x8x128xf32, #tpu.memory_space<hbm>> -> memref<8x128xf32, #tpu.memory_space<hbm>>
    %dma_wait3A_82 = arith.constant 0 : i32
    %dma_wait3A_83 = arith.constant 0 : i32
    %dma_wait3A_84 = tpu.memref_slice %arg7[%dma_wait3A_67, %dma_wait3A_68, %dma_wait3A_82, %dma_wait3A_83] : memref<2x4x32x129xf32, #tpu.memory_space<vmem>> -> memref<1x1x8x128xf32, #tpu.memory_space<vmem>>
    %dma_wait3A_85 = tpu.memref_squeeze %dma_wait3A_84 : memref<1x1x8x128xf32, #tpu.memory_space<vmem>> -> memref<8x128xf32, #tpu.memory_space<vmem>>
    tpu.wait_dma2 semaphore(%arg9 : memref<!tpu.dma_semaphore, #tpu.memory_space<semaphore_mem>>) src(%dma_wait3A_85 : memref<8x128xf32, #tpu.memory_space<vmem>>) dst(%dma_wait3A_81 : memref<8x128xf32, #tpu.memory_space<hbm>>)
    %dma_wait3A_86 = arith.constant 0 : i32
    %dma_wait3A_87 = arith.constant 0 : i32
    %dma_wait3A_88 = arith.constant 0 : i32
    %dma_wait3A_89 = arith.constant 8 : i32
    %dma_wait3A_90 = arith.constant 0 : i32
    %dma_wait3A_91 = tpu.memref_slice %arg7[%dma_wait3A_86, %dma_wait3A_87, %dma_wait3A_89, %dma_wait3A_90] : memref<2x4x32x129xf32, #tpu.memory_space<vmem>> -> memref<1x1x8x128xf32, #tpu.memory_space<vmem>>
    %dma_wait3A_92 = tpu.memref_squeeze %dma_wait3A_91 : memref<1x1x8x128xf32, #tpu.memory_space<vmem>> -> memref<8x128xf32, #tpu.memory_space<vmem>>
    %dma_wait3A_93 = arith.constant 0 : i32
    %dma_wait3A_94 = arith.constant 0 : i32
    %dma_wait3A_95 = tpu.memref_slice %arg4[%dma_wait3A_88, %dma_wait3A_93, %dma_wait3A_94] : memref<25600x8x128xf32, #tpu.memory_space<hbm>> -> memref<1x8x128xf32, #tpu.memory_space<hbm>>
    %dma_wait3A_96 = tpu.memref_squeeze %dma_wait3A_95 : memref<1x8x128xf32, #tpu.memory_space<hbm>> -> memref<8x128xf32, #tpu.memory_space<hbm>>
    %dma_wait3A_97 = arith.constant 0 : i32
    %dma_wait3A_98 = arith.constant 0 : i32
    %dma_wait3A_99 = tpu.memref_slice %arg4[%dma_wait3A_88, %dma_wait3A_97, %dma_wait3A_98] : memref<25600x8x128xf32, #tpu.memory_space<hbm>> -> memref<1x8x128xf32, #tpu.memory_space<hbm>>
    %dma_wait3A_100 = tpu.memref_squeeze %dma_wait3A_99 : memref<1x8x128xf32, #tpu.memory_space<hbm>> -> memref<8x128xf32, #tpu.memory_space<hbm>>
    %dma_wait3A_101 = arith.constant 8 : i32
    %dma_wait3A_102 = arith.constant 0 : i32
    %dma_wait3A_103 = tpu.memref_slice %arg7[%dma_wait3A_86, %dma_wait3A_87, %dma_wait3A_101, %dma_wait3A_102] : memref<2x4x32x129xf32, #tpu.memory_space<vmem>> -> memref<1x1x8x128xf32, #tpu.memory_space<vmem>>
    %dma_wait3A_104 = tpu.memref_squeeze %dma_wait3A_103 : memref<1x1x8x128xf32, #tpu.memory_space<vmem>> -> memref<8x128xf32, #tpu.memory_space<vmem>>
    tpu.wait_dma2 semaphore(%arg9 : memref<!tpu.dma_semaphore, #tpu.memory_space<semaphore_mem>>) src(%dma_wait3A_104 : memref<8x128xf32, #tpu.memory_space<vmem>>) dst(%dma_wait3A_100 : memref<8x128xf32, #tpu.memory_space<hbm>>)
    %dma_wait3A_105 = arith.constant 0 : i32
    %dma_wait3A_106 = arith.constant 1 : i32
    %dma_wait3A_107 = arith.constant 0 : i32
    %dma_wait3A_108 = arith.constant 8 : i32
    %dma_wait3A_109 = arith.constant 0 : i32
    %dma_wait3A_110 = tpu.memref_slice %arg7[%dma_wait3A_105, %dma_wait3A_106, %dma_wait3A_108, %dma_wait3A_109] : memref<2x4x32x129xf32, #tpu.memory_space<vmem>> -> memref<1x1x8x128xf32, #tpu.memory_space<vmem>>
    %dma_wait3A_111 = tpu.memref_squeeze %dma_wait3A_110 : memref<1x1x8x128xf32, #tpu.memory_space<vmem>> -> memref<8x128xf32, #tpu.memory_space<vmem>>
    %dma_wait3A_112 = arith.constant 0 : i32
    %dma_wait3A_113 = arith.constant 0 : i32
    %dma_wait3A_114 = tpu.memref_slice %arg4[%dma_wait3A_107, %dma_wait3A_112, %dma_wait3A_113] : memref<25600x8x128xf32, #tpu.memory_space<hbm>> -> memref<1x8x128xf32, #tpu.memory_space<hbm>>
    %dma_wait3A_115 = tpu.memref_squeeze %dma_wait3A_114 : memref<1x8x128xf32, #tpu.memory_space<hbm>> -> memref<8x128xf32, #tpu.memory_space<hbm>>
    %dma_wait3A_116 = arith.constant 0 : i32
    %dma_wait3A_117 = arith.constant 0 : i32
    %dma_wait3A_118 = tpu.memref_slice %arg4[%dma_wait3A_107, %dma_wait3A_116, %dma_wait3A_117] : memref<25600x8x128xf32, #tpu.memory_space<hbm>> -> memref<1x8x128xf32, #tpu.memory_space<hbm>>
    %dma_wait3A_119 = tpu.memref_squeeze %dma_wait3A_118 : memref<1x8x128xf32, #tpu.memory_space<hbm>> -> memref<8x128xf32, #tpu.memory_space<hbm>>
    %dma_wait3A_120 = arith.constant 8 : i32
    %dma_wait3A_121 = arith.constant 0 : i32
    %dma_wait3A_122 = tpu.memref_slice %arg7[%dma_wait3A_105, %dma_wait3A_106, %dma_wait3A_120, %dma_wait3A_121] : memref<2x4x32x129xf32, #tpu.memory_space<vmem>> -> memref<1x1x8x128xf32, #tpu.memory_space<vmem>>
    %dma_wait3A_123 = tpu.memref_squeeze %dma_wait3A_122 : memref<1x1x8x128xf32, #tpu.memory_space<vmem>> -> memref<8x128xf32, #tpu.memory_space<vmem>>
    tpu.wait_dma2 semaphore(%arg9 : memref<!tpu.dma_semaphore, #tpu.memory_space<semaphore_mem>>) src(%dma_wait3A_123 : memref<8x128xf32, #tpu.memory_space<vmem>>) dst(%dma_wait3A_119 : memref<8x128xf32, #tpu.memory_space<hbm>>)
    %dma_wait3A_124 = arith.constant 0 : i32
    %dma_wait3A_125 = arith.constant 2 : i32
    %dma_wait3A_126 = arith.constant 0 : i32
    %dma_wait3A_127 = arith.constant 8 : i32
    %dma_wait3A_128 = arith.constant 0 : i32
    %dma_wait3A_129 = tpu.memref_slice %arg7[%dma_wait3A_124, %dma_wait3A_125, %dma_wait3A_127, %dma_wait3A_128] : memref<2x4x32x129xf32, #tpu.memory_space<vmem>> -> memref<1x1x8x128xf32, #tpu.memory_space<vmem>>
    %dma_wait3A_130 = tpu.memref_squeeze %dma_wait3A_129 : memref<1x1x8x128xf32, #tpu.memory_space<vmem>> -> memref<8x128xf32, #tpu.memory_space<vmem>>
    %dma_wait3A_131 = arith.constant 0 : i32
    %dma_wait3A_132 = arith.constant 0 : i32
    %dma_wait3A_133 = tpu.memref_slice %arg4[%dma_wait3A_126, %dma_wait3A_131, %dma_wait3A_132] : memref<25600x8x128xf32, #tpu.memory_space<hbm>> -> memref<1x8x128xf32, #tpu.memory_space<hbm>>
    %dma_wait3A_134 = tpu.memref_squeeze %dma_wait3A_133 : memref<1x8x128xf32, #tpu.memory_space<hbm>> -> memref<8x128xf32, #tpu.memory_space<hbm>>
    %dma_wait3A_135 = arith.constant 0 : i32
    %dma_wait3A_136 = arith.constant 0 : i32
    %dma_wait3A_137 = tpu.memref_slice %arg4[%dma_wait3A_126, %dma_wait3A_135, %dma_wait3A_136] : memref<25600x8x128xf32, #tpu.memory_space<hbm>> -> memref<1x8x128xf32, #tpu.memory_space<hbm>>
    %dma_wait3A_138 = tpu.memref_squeeze %dma_wait3A_137 : memref<1x8x128xf32, #tpu.memory_space<hbm>> -> memref<8x128xf32, #tpu.memory_space<hbm>>
    %dma_wait3A_139 = arith.constant 8 : i32
    %dma_wait3A_140 = arith.constant 0 : i32
    %dma_wait3A_141 = tpu.memref_slice %arg7[%dma_wait3A_124, %dma_wait3A_125, %dma_wait3A_139, %dma_wait3A_140] : memref<2x4x32x129xf32, #tpu.memory_space<vmem>> -> memref<1x1x8x128xf32, #tpu.memory_space<vmem>>
    %dma_wait3A_142 = tpu.memref_squeeze %dma_wait3A_141 : memref<1x1x8x128xf32, #tpu.memory_space<vmem>> -> memref<8x128xf32, #tpu.memory_space<vmem>>
    tpu.wait_dma2 semaphore(%arg9 : memref<!tpu.dma_semaphore, #tpu.memory_space<semaphore_mem>>) src(%dma_wait3A_142 : memref<8x128xf32, #tpu.memory_space<vmem>>) dst(%dma_wait3A_138 : memref<8x128xf32, #tpu.memory_space<hbm>>)
    %dma_wait3A_143 = arith.constant 0 : i32
    %dma_wait3A_144 = arith.constant 3 : i32
    %dma_wait3A_145 = arith.constant 0 : i32
    %dma_wait3A_146 = arith.constant 8 : i32
    %dma_wait3A_147 = arith.constant 0 : i32
    %dma_wait3A_148 = tpu.memref_slice %arg7[%dma_wait3A_143, %dma_wait3A_144, %dma_wait3A_146, %dma_wait3A_147] : memref<2x4x32x129xf32, #tpu.memory_space<vmem>> -> memref<1x1x8x128xf32, #tpu.memory_space<vmem>>
    %dma_wait3A_149 = tpu.memref_squeeze %dma_wait3A_148 : memref<1x1x8x128xf32, #tpu.memory_space<vmem>> -> memref<8x128xf32, #tpu.memory_space<vmem>>
    %dma_wait3A_150 = arith.constant 0 : i32
    %dma_wait3A_151 = arith.constant 0 : i32
    %dma_wait3A_152 = tpu.memref_slice %arg4[%dma_wait3A_145, %dma_wait3A_150, %dma_wait3A_151] : memref<25600x8x128xf32, #tpu.memory_space<hbm>> -> memref<1x8x128xf32, #tpu.memory_space<hbm>>
    %dma_wait3A_153 = tpu.memref_squeeze %dma_wait3A_152 : memref<1x8x128xf32, #tpu.memory_space<hbm>> -> memref<8x128xf32, #tpu.memory_space<hbm>>
    %dma_wait3A_154 = arith.constant 0 : i32
    %dma_wait3A_155 = arith.constant 0 : i32
    %dma_wait3A_156 = tpu.memref_slice %arg4[%dma_wait3A_145, %dma_wait3A_154, %dma_wait3A_155] : memref<25600x8x128xf32, #tpu.memory_space<hbm>> -> memref<1x8x128xf32, #tpu.memory_space<hbm>>
    %dma_wait3A_157 = tpu.memref_squeeze %dma_wait3A_156 : memref<1x8x128xf32, #tpu.memory_space<hbm>> -> memref<8x128xf32, #tpu.memory_space<hbm>>
    %dma_wait3A_158 = arith.constant 8 : i32
    %dma_wait3A_159 = arith.constant 0 : i32
    %dma_wait3A_160 = tpu.memref_slice %arg7[%dma_wait3A_143, %dma_wait3A_144, %dma_wait3A_158, %dma_wait3A_159] : memref<2x4x32x129xf32, #tpu.memory_space<vmem>> -> memref<1x1x8x128xf32, #tpu.memory_space<vmem>>
    %dma_wait3A_161 = tpu.memref_squeeze %dma_wait3A_160 : memref<1x1x8x128xf32, #tpu.memory_space<vmem>> -> memref<8x128xf32, #tpu.memory_space<vmem>>
    tpu.wait_dma2 semaphore(%arg9 : memref<!tpu.dma_semaphore, #tpu.memory_space<semaphore_mem>>) src(%dma_wait3A_161 : memref<8x128xf32, #tpu.memory_space<vmem>>) dst(%dma_wait3A_157 : memref<8x128xf32, #tpu.memory_space<hbm>>)
    %dma_wait3A_162 = arith.constant 0 : i32
    %dma_wait3A_163 = arith.constant 0 : i32
    %dma_wait3A_164 = arith.constant 0 : i32
    %dma_wait3A_165 = arith.constant 16 : i32
    %dma_wait3A_166 = arith.constant 0 : i32
    %dma_wait3A_167 = tpu.memref_slice %arg7[%dma_wait3A_162, %dma_wait3A_163, %dma_wait3A_165, %dma_wait3A_166] : memref<2x4x32x129xf32, #tpu.memory_space<vmem>> -> memref<1x1x8x128xf32, #tpu.memory_space<vmem>>
    %dma_wait3A_168 = tpu.memref_squeeze %dma_wait3A_167 : memref<1x1x8x128xf32, #tpu.memory_space<vmem>> -> memref<8x128xf32, #tpu.memory_space<vmem>>
    %dma_wait3A_169 = arith.constant 0 : i32
    %dma_wait3A_170 = arith.constant 0 : i32
    %dma_wait3A_171 = tpu.memref_slice %arg4[%dma_wait3A_164, %dma_wait3A_169, %dma_wait3A_170] : memref<25600x8x128xf32, #tpu.memory_space<hbm>> -> memref<1x8x128xf32, #tpu.memory_space<hbm>>
    %dma_wait3A_172 = tpu.memref_squeeze %dma_wait3A_171 : memref<1x8x128xf32, #tpu.memory_space<hbm>> -> memref<8x128xf32, #tpu.memory_space<hbm>>
    %dma_wait3A_173 = arith.constant 0 : i32
    %dma_wait3A_174 = arith.constant 0 : i32
    %dma_wait3A_175 = tpu.memref_slice %arg4[%dma_wait3A_164, %dma_wait3A_173, %dma_wait3A_174] : memref<25600x8x128xf32, #tpu.memory_space<hbm>> -> memref<1x8x128xf32, #tpu.memory_space<hbm>>
    %dma_wait3A_176 = tpu.memref_squeeze %dma_wait3A_175 : memref<1x8x128xf32, #tpu.memory_space<hbm>> -> memref<8x128xf32, #tpu.memory_space<hbm>>
    %dma_wait3A_177 = arith.constant 16 : i32
    %dma_wait3A_178 = arith.constant 0 : i32
    %dma_wait3A_179 = tpu.memref_slice %arg7[%dma_wait3A_162, %dma_wait3A_163, %dma_wait3A_177, %dma_wait3A_178] : memref<2x4x32x129xf32, #tpu.memory_space<vmem>> -> memref<1x1x8x128xf32, #tpu.memory_space<vmem>>
    %dma_wait3A_180 = tpu.memref_squeeze %dma_wait3A_179 : memref<1x1x8x128xf32, #tpu.memory_space<vmem>> -> memref<8x128xf32, #tpu.memory_space<vmem>>
    tpu.wait_dma2 semaphore(%arg9 : memref<!tpu.dma_semaphore, #tpu.memory_space<semaphore_mem>>) src(%dma_wait3A_180 : memref<8x128xf32, #tpu.memory_space<vmem>>) dst(%dma_wait3A_176 : memref<8x128xf32, #tpu.memory_space<hbm>>)
    %dma_wait3A_181 = arith.constant 0 : i32
    %dma_wait3A_182 = arith.constant 1 : i32
    %dma_wait3A_183 = arith.constant 0 : i32
    %dma_wait3A_184 = arith.constant 16 : i32
    %dma_wait3A_185 = arith.constant 0 : i32
    %dma_wait3A_186 = tpu.memref_slice %arg7[%dma_wait3A_181, %dma_wait3A_182, %dma_wait3A_184, %dma_wait3A_185] : memref<2x4x32x129xf32, #tpu.memory_space<vmem>> -> memref<1x1x8x128xf32, #tpu.memory_space<vmem>>
    %dma_wait3A_187 = tpu.memref_squeeze %dma_wait3A_186 : memref<1x1x8x128xf32, #tpu.memory_space<vmem>> -> memref<8x128xf32, #tpu.memory_space<vmem>>
    %dma_wait3A_188 = arith.constant 0 : i32
    %dma_wait3A_189 = arith.constant 0 : i32
    %dma_wait3A_190 = tpu.memref_slice %arg4[%dma_wait3A_183, %dma_wait3A_188, %dma_wait3A_189] : memref<25600x8x128xf32, #tpu.memory_space<hbm>> -> memref<1x8x128xf32, #tpu.memory_space<hbm>>
    %dma_wait3A_191 = tpu.memref_squeeze %dma_wait3A_190 : memref<1x8x128xf32, #tpu.memory_space<hbm>> -> memref<8x128xf32, #tpu.memory_space<hbm>>
    %dma_wait3A_192 = arith.constant 0 : i32
    %dma_wait3A_193 = arith.constant 0 : i32
    %dma_wait3A_194 = tpu.memref_slice %arg4[%dma_wait3A_183, %dma_wait3A_192, %dma_wait3A_193] : memref<25600x8x128xf32, #tpu.memory_space<hbm>> -> memref<1x8x128xf32, #tpu.memory_space<hbm>>
    %dma_wait3A_195 = tpu.memref_squeeze %dma_wait3A_194 : memref<1x8x128xf32, #tpu.memory_space<hbm>> -> memref<8x128xf32, #tpu.memory_space<hbm>>
    %dma_wait3A_196 = arith.constant 16 : i32
    %dma_wait3A_197 = arith.constant 0 : i32
    %dma_wait3A_198 = tpu.memref_slice %arg7[%dma_wait3A_181, %dma_wait3A_182, %dma_wait3A_196, %dma_wait3A_197] : memref<2x4x32x129xf32, #tpu.memory_space<vmem>> -> memref<1x1x8x128xf32, #tpu.memory_space<vmem>>
    %dma_wait3A_199 = tpu.memref_squeeze %dma_wait3A_198 : memref<1x1x8x128xf32, #tpu.memory_space<vmem>> -> memref<8x128xf32, #tpu.memory_space<vmem>>
    tpu.wait_dma2 semaphore(%arg9 : memref<!tpu.dma_semaphore, #tpu.memory_space<semaphore_mem>>) src(%dma_wait3A_199 : memref<8x128xf32, #tpu.memory_space<vmem>>) dst(%dma_wait3A_195 : memref<8x128xf32, #tpu.memory_space<hbm>>)
    %dma_wait3A_200 = arith.constant 0 : i32
    %dma_wait3A_201 = arith.constant 2 : i32
    %dma_wait3A_202 = arith.constant 0 : i32
    %dma_wait3A_203 = arith.constant 16 : i32
    %dma_wait3A_204 = arith.constant 0 : i32
    %dma_wait3A_205 = tpu.memref_slice %arg7[%dma_wait3A_200, %dma_wait3A_201, %dma_wait3A_203, %dma_wait3A_204] : memref<2x4x32x129xf32, #tpu.memory_space<vmem>> -> memref<1x1x8x128xf32, #tpu.memory_space<vmem>>
    %dma_wait3A_206 = tpu.memref_squeeze %dma_wait3A_205 : memref<1x1x8x128xf32, #tpu.memory_space<vmem>> -> memref<8x128xf32, #tpu.memory_space<vmem>>
    %dma_wait3A_207 = arith.constant 0 : i32
    %dma_wait3A_208 = arith.constant 0 : i32
    %dma_wait3A_209 = tpu.memref_slice %arg4[%dma_wait3A_202, %dma_wait3A_207, %dma_wait3A_208] : memref<25600x8x128xf32, #tpu.memory_space<hbm>> -> memref<1x8x128xf32, #tpu.memory_space<hbm>>
    %dma_wait3A_210 = tpu.memref_squeeze %dma_wait3A_209 : memref<1x8x128xf32, #tpu.memory_space<hbm>> -> memref<8x128xf32, #tpu.memory_space<hbm>>
    %dma_wait3A_211 = arith.constant 0 : i32
    %dma_wait3A_212 = arith.constant 0 : i32
    %dma_wait3A_213 = tpu.memref_slice %arg4[%dma_wait3A_202, %dma_wait3A_211, %dma_wait3A_212] : memref<25600x8x128xf32, #tpu.memory_space<hbm>> -> memref<1x8x128xf32, #tpu.memory_space<hbm>>
    %dma_wait3A_214 = tpu.memref_squeeze %dma_wait3A_213 : memref<1x8x128xf32, #tpu.memory_space<hbm>> -> memref<8x128xf32, #tpu.memory_space<hbm>>
    %dma_wait3A_215 = arith.constant 16 : i32
    %dma_wait3A_216 = arith.constant 0 : i32
    %dma_wait3A_217 = tpu.memref_slice %arg7[%dma_wait3A_200, %dma_wait3A_201, %dma_wait3A_215, %dma_wait3A_216] : memref<2x4x32x129xf32, #tpu.memory_space<vmem>> -> memref<1x1x8x128xf32, #tpu.memory_space<vmem>>
    %dma_wait3A_218 = tpu.memref_squeeze %dma_wait3A_217 : memref<1x1x8x128xf32, #tpu.memory_space<vmem>> -> memref<8x128xf32, #tpu.memory_space<vmem>>
    tpu.wait_dma2 semaphore(%arg9 : memref<!tpu.dma_semaphore, #tpu.memory_space<semaphore_mem>>) src(%dma_wait3A_218 : memref<8x128xf32, #tpu.memory_space<vmem>>) dst(%dma_wait3A_214 : memref<8x128xf32, #tpu.memory_space<hbm>>)
    %dma_wait3A_219 = arith.constant 0 : i32
    %dma_wait3A_220 = arith.constant 3 : i32
    %dma_wait3A_221 = arith.constant 0 : i32
    %dma_wait3A_222 = arith.constant 16 : i32
    %dma_wait3A_223 = arith.constant 0 : i32
    %dma_wait3A_224 = tpu.memref_slice %arg7[%dma_wait3A_219, %dma_wait3A_220, %dma_wait3A_222, %dma_wait3A_223] : memref<2x4x32x129xf32, #tpu.memory_space<vmem>> -> memref<1x1x8x128xf32, #tpu.memory_space<vmem>>
    %dma_wait3A_225 = tpu.memref_squeeze %dma_wait3A_224 : memref<1x1x8x128xf32, #tpu.memory_space<vmem>> -> memref<8x128xf32, #tpu.memory_space<vmem>>
    %dma_wait3A_226 = arith.constant 0 : i32
    %dma_wait3A_227 = arith.constant 0 : i32
    %dma_wait3A_228 = tpu.memref_slice %arg4[%dma_wait3A_221, %dma_wait3A_226, %dma_wait3A_227] : memref<25600x8x128xf32, #tpu.memory_space<hbm>> -> memref<1x8x128xf32, #tpu.memory_space<hbm>>
    %dma_wait3A_229 = tpu.memref_squeeze %dma_wait3A_228 : memref<1x8x128xf32, #tpu.memory_space<hbm>> -> memref<8x128xf32, #tpu.memory_space<hbm>>
    %dma_wait3A_230 = arith.constant 0 : i32
    %dma_wait3A_231 = arith.constant 0 : i32
    %dma_wait3A_232 = tpu.memref_slice %arg4[%dma_wait3A_221, %dma_wait3A_230, %dma_wait3A_231] : memref<25600x8x128xf32, #tpu.memory_space<hbm>> -> memref<1x8x128xf32, #tpu.memory_space<hbm>>
    %dma_wait3A_233 = tpu.memref_squeeze %dma_wait3A_232 : memref<1x8x128xf32, #tpu.memory_space<hbm>> -> memref<8x128xf32, #tpu.memory_space<hbm>>
    %dma_wait3A_234 = arith.constant 16 : i32
    %dma_wait3A_235 = arith.constant 0 : i32
    %dma_wait3A_236 = tpu.memref_slice %arg7[%dma_wait3A_219, %dma_wait3A_220, %dma_wait3A_234, %dma_wait3A_235] : memref<2x4x32x129xf32, #tpu.memory_space<vmem>> -> memref<1x1x8x128xf32, #tpu.memory_space<vmem>>
    %dma_wait3A_237 = tpu.memref_squeeze %dma_wait3A_236 : memref<1x1x8x128xf32, #tpu.memory_space<vmem>> -> memref<8x128xf32, #tpu.memory_space<vmem>>
    tpu.wait_dma2 semaphore(%arg9 : memref<!tpu.dma_semaphore, #tpu.memory_space<semaphore_mem>>) src(%dma_wait3A_237 : memref<8x128xf32, #tpu.memory_space<vmem>>) dst(%dma_wait3A_233 : memref<8x128xf32, #tpu.memory_space<hbm>>)
    %dma_wait3A_238 = arith.constant 0 : i32
    %dma_wait3A_239 = arith.constant 0 : i32
    %dma_wait3A_240 = arith.constant 0 : i32
    %dma_wait3A_241 = arith.constant 24 : i32
    %dma_wait3A_242 = arith.constant 0 : i32
    %dma_wait3A_243 = tpu.memref_slice %arg7[%dma_wait3A_238, %dma_wait3A_239, %dma_wait3A_241, %dma_wait3A_242] : memref<2x4x32x129xf32, #tpu.memory_space<vmem>> -> memref<1x1x8x128xf32, #tpu.memory_space<vmem>>
    %dma_wait3A_244 = tpu.memref_squeeze %dma_wait3A_243 : memref<1x1x8x128xf32, #tpu.memory_space<vmem>> -> memref<8x128xf32, #tpu.memory_space<vmem>>
    %dma_wait3A_245 = arith.constant 0 : i32
    %dma_wait3A_246 = arith.constant 0 : i32
    %dma_wait3A_247 = tpu.memref_slice %arg4[%dma_wait3A_240, %dma_wait3A_245, %dma_wait3A_246] : memref<25600x8x128xf32, #tpu.memory_space<hbm>> -> memref<1x8x128xf32, #tpu.memory_space<hbm>>
    %dma_wait3A_248 = tpu.memref_squeeze %dma_wait3A_247 : memref<1x8x128xf32, #tpu.memory_space<hbm>> -> memref<8x128xf32, #tpu.memory_space<hbm>>
    %dma_wait3A_249 = arith.constant 0 : i32
    %dma_wait3A_250 = arith.constant 0 : i32
    %dma_wait3A_251 = tpu.memref_slice %arg4[%dma_wait3A_240, %dma_wait3A_249, %dma_wait3A_250] : memref<25600x8x128xf32, #tpu.memory_space<hbm>> -> memref<1x8x128xf32, #tpu.memory_space<hbm>>
    %dma_wait3A_252 = tpu.memref_squeeze %dma_wait3A_251 : memref<1x8x128xf32, #tpu.memory_space<hbm>> -> memref<8x128xf32, #tpu.memory_space<hbm>>
    %dma_wait3A_253 = arith.constant 24 : i32
    %dma_wait3A_254 = arith.constant 0 : i32
    %dma_wait3A_255 = tpu.memref_slice %arg7[%dma_wait3A_238, %dma_wait3A_239, %dma_wait3A_253, %dma_wait3A_254] : memref<2x4x32x129xf32, #tpu.memory_space<vmem>> -> memref<1x1x8x128xf32, #tpu.memory_space<vmem>>
    %dma_wait3A_256 = tpu.memref_squeeze %dma_wait3A_255 : memref<1x1x8x128xf32, #tpu.memory_space<vmem>> -> memref<8x128xf32, #tpu.memory_space<vmem>>
    tpu.wait_dma2 semaphore(%arg9 : memref<!tpu.dma_semaphore, #tpu.memory_space<semaphore_mem>>) src(%dma_wait3A_256 : memref<8x128xf32, #tpu.memory_space<vmem>>) dst(%dma_wait3A_252 : memref<8x128xf32, #tpu.memory_space<hbm>>)
    %dma_wait3A_257 = arith.constant 0 : i32
    %dma_wait3A_258 = arith.constant 1 : i32
    %dma_wait3A_259 = arith.constant 0 : i32
    %dma_wait3A_260 = arith.constant 24 : i32
    %dma_wait3A_261 = arith.constant 0 : i32
    %dma_wait3A_262 = tpu.memref_slice %arg7[%dma_wait3A_257, %dma_wait3A_258, %dma_wait3A_260, %dma_wait3A_261] : memref<2x4x32x129xf32, #tpu.memory_space<vmem>> -> memref<1x1x8x128xf32, #tpu.memory_space<vmem>>
    %dma_wait3A_263 = tpu.memref_squeeze %dma_wait3A_262 : memref<1x1x8x128xf32, #tpu.memory_space<vmem>> -> memref<8x128xf32, #tpu.memory_space<vmem>>
    %dma_wait3A_264 = arith.constant 0 : i32
    %dma_wait3A_265 = arith.constant 0 : i32
    %dma_wait3A_266 = tpu.memref_slice %arg4[%dma_wait3A_259, %dma_wait3A_264, %dma_wait3A_265] : memref<25600x8x128xf32, #tpu.memory_space<hbm>> -> memref<1x8x128xf32, #tpu.memory_space<hbm>>
    %dma_wait3A_267 = tpu.memref_squeeze %dma_wait3A_266 : memref<1x8x128xf32, #tpu.memory_space<hbm>> -> memref<8x128xf32, #tpu.memory_space<hbm>>
    %dma_wait3A_268 = arith.constant 0 : i32
    %dma_wait3A_269 = arith.constant 0 : i32
    %dma_wait3A_270 = tpu.memref_slice %arg4[%dma_wait3A_259, %dma_wait3A_268, %dma_wait3A_269] : memref<25600x8x128xf32, #tpu.memory_space<hbm>> -> memref<1x8x128xf32, #tpu.memory_space<hbm>>
    %dma_wait3A_271 = tpu.memref_squeeze %dma_wait3A_270 : memref<1x8x128xf32, #tpu.memory_space<hbm>> -> memref<8x128xf32, #tpu.memory_space<hbm>>
    %dma_wait3A_272 = arith.constant 24 : i32
    %dma_wait3A_273 = arith.constant 0 : i32
    %dma_wait3A_274 = tpu.memref_slice %arg7[%dma_wait3A_257, %dma_wait3A_258, %dma_wait3A_272, %dma_wait3A_273] : memref<2x4x32x129xf32, #tpu.memory_space<vmem>> -> memref<1x1x8x128xf32, #tpu.memory_space<vmem>>
    %dma_wait3A_275 = tpu.memref_squeeze %dma_wait3A_274 : memref<1x1x8x128xf32, #tpu.memory_space<vmem>> -> memref<8x128xf32, #tpu.memory_space<vmem>>
    tpu.wait_dma2 semaphore(%arg9 : memref<!tpu.dma_semaphore, #tpu.memory_space<semaphore_mem>>) src(%dma_wait3A_275 : memref<8x128xf32, #tpu.memory_space<vmem>>) dst(%dma_wait3A_271 : memref<8x128xf32, #tpu.memory_space<hbm>>)
    %dma_wait3A_276 = arith.constant 0 : i32
    %dma_wait3A_277 = arith.constant 2 : i32
    %dma_wait3A_278 = arith.constant 0 : i32
    %dma_wait3A_279 = arith.constant 24 : i32
    %dma_wait3A_280 = arith.constant 0 : i32
    %dma_wait3A_281 = tpu.memref_slice %arg7[%dma_wait3A_276, %dma_wait3A_277, %dma_wait3A_279, %dma_wait3A_280] : memref<2x4x32x129xf32, #tpu.memory_space<vmem>> -> memref<1x1x8x128xf32, #tpu.memory_space<vmem>>
    %dma_wait3A_282 = tpu.memref_squeeze %dma_wait3A_281 : memref<1x1x8x128xf32, #tpu.memory_space<vmem>> -> memref<8x128xf32, #tpu.memory_space<vmem>>
    %dma_wait3A_283 = arith.constant 0 : i32
    %dma_wait3A_284 = arith.constant 0 : i32
    %dma_wait3A_285 = tpu.memref_slice %arg4[%dma_wait3A_278, %dma_wait3A_283, %dma_wait3A_284] : memref<25600x8x128xf32, #tpu.memory_space<hbm>> -> memref<1x8x128xf32, #tpu.memory_space<hbm>>
    %dma_wait3A_286 = tpu.memref_squeeze %dma_wait3A_285 : memref<1x8x128xf32, #tpu.memory_space<hbm>> -> memref<8x128xf32, #tpu.memory_space<hbm>>
    %dma_wait3A_287 = arith.constant 0 : i32
    %dma_wait3A_288 = arith.constant 0 : i32
    %dma_wait3A_289 = tpu.memref_slice %arg4[%dma_wait3A_278, %dma_wait3A_287, %dma_wait3A_288] : memref<25600x8x128xf32, #tpu.memory_space<hbm>> -> memref<1x8x128xf32, #tpu.memory_space<hbm>>
    %dma_wait3A_290 = tpu.memref_squeeze %dma_wait3A_289 : memref<1x8x128xf32, #tpu.memory_space<hbm>> -> memref<8x128xf32, #tpu.memory_space<hbm>>
    %dma_wait3A_291 = arith.constant 24 : i32
    %dma_wait3A_292 = arith.constant 0 : i32
    %dma_wait3A_293 = tpu.memref_slice %arg7[%dma_wait3A_276, %dma_wait3A_277, %dma_wait3A_291, %dma_wait3A_292] : memref<2x4x32x129xf32, #tpu.memory_space<vmem>> -> memref<1x1x8x128xf32, #tpu.memory_space<vmem>>
    %dma_wait3A_294 = tpu.memref_squeeze %dma_wait3A_293 : memref<1x1x8x128xf32, #tpu.memory_space<vmem>> -> memref<8x128xf32, #tpu.memory_space<vmem>>
    tpu.wait_dma2 semaphore(%arg9 : memref<!tpu.dma_semaphore, #tpu.memory_space<semaphore_mem>>) src(%dma_wait3A_294 : memref<8x128xf32, #tpu.memory_space<vmem>>) dst(%dma_wait3A_290 : memref<8x128xf32, #tpu.memory_space<hbm>>)
    %dma_wait3A_295 = arith.constant 0 : i32
    %dma_wait3A_296 = arith.constant 3 : i32
    %dma_wait3A_297 = arith.constant 0 : i32
    %dma_wait3A_298 = arith.constant 24 : i32
    %dma_wait3A_299 = arith.constant 0 : i32
    %dma_wait3A_300 = tpu.memref_slice %arg7[%dma_wait3A_295, %dma_wait3A_296, %dma_wait3A_298, %dma_wait3A_299] : memref<2x4x32x129xf32, #tpu.memory_space<vmem>> -> memref<1x1x8x128xf32, #tpu.memory_space<vmem>>
    %dma_wait3A_301 = tpu.memref_squeeze %dma_wait3A_300 : memref<1x1x8x128xf32, #tpu.memory_space<vmem>> -> memref<8x128xf32, #tpu.memory_space<vmem>>
    %dma_wait3A_302 = arith.constant 0 : i32
    %dma_wait3A_303 = arith.constant 0 : i32
    %dma_wait3A_304 = tpu.memref_slice %arg4[%dma_wait3A_297, %dma_wait3A_302, %dma_wait3A_303] : memref<25600x8x128xf32, #tpu.memory_space<hbm>> -> memref<1x8x128xf32, #tpu.memory_space<hbm>>
    %dma_wait3A_305 = tpu.memref_squeeze %dma_wait3A_304 : memref<1x8x128xf32, #tpu.memory_space<hbm>> -> memref<8x128xf32, #tpu.memory_space<hbm>>
    %dma_wait3A_306 = arith.constant 0 : i32
    %dma_wait3A_307 = arith.constant 0 : i32
    %dma_wait3A_308 = tpu.memref_slice %arg4[%dma_wait3A_297, %dma_wait3A_306, %dma_wait3A_307] : memref<25600x8x128xf32, #tpu.memory_space<hbm>> -> memref<1x8x128xf32, #tpu.memory_space<hbm>>
    %dma_wait3A_309 = tpu.memref_squeeze %dma_wait3A_308 : memref<1x8x128xf32, #tpu.memory_space<hbm>> -> memref<8x128xf32, #tpu.memory_space<hbm>>
    %dma_wait3A_310 = arith.constant 24 : i32
    %dma_wait3A_311 = arith.constant 0 : i32
    %dma_wait3A_312 = tpu.memref_slice %arg7[%dma_wait3A_295, %dma_wait3A_296, %dma_wait3A_310, %dma_wait3A_311] : memref<2x4x32x129xf32, #tpu.memory_space<vmem>> -> memref<1x1x8x128xf32, #tpu.memory_space<vmem>>
    %dma_wait3A_313 = tpu.memref_squeeze %dma_wait3A_312 : memref<1x1x8x128xf32, #tpu.memory_space<vmem>> -> memref<8x128xf32, #tpu.memory_space<vmem>>
    tpu.wait_dma2 semaphore(%arg9 : memref<!tpu.dma_semaphore, #tpu.memory_space<semaphore_mem>>) src(%dma_wait3A_313 : memref<8x128xf32, #tpu.memory_space<vmem>>) dst(%dma_wait3A_309 : memref<8x128xf32, #tpu.memory_space<hbm>>)
    %dma_wait3A_314 = arith.constant 1 : i32
    %dma_wait3A_315 = arith.constant 0 : i32
    %dma_wait3A_316 = arith.constant 0 : i32
    %dma_wait3A_317 = arith.constant 0 : i32
    %dma_wait3A_318 = arith.constant 0 : i32
    %dma_wait3A_319 = tpu.memref_slice %arg7[%dma_wait3A_314, %dma_wait3A_315, %dma_wait3A_317, %dma_wait3A_318] : memref<2x4x32x129xf32, #tpu.memory_space<vmem>> -> memref<1x1x8x128xf32, #tpu.memory_space<vmem>>
    %dma_wait3A_320 = tpu.memref_squeeze %dma_wait3A_319 : memref<1x1x8x128xf32, #tpu.memory_space<vmem>> -> memref<8x128xf32, #tpu.memory_space<vmem>>
    %dma_wait3A_321 = arith.constant 0 : i32
    %dma_wait3A_322 = arith.constant 0 : i32
    %dma_wait3A_323 = tpu.memref_slice %arg4[%dma_wait3A_316, %dma_wait3A_321, %dma_wait3A_322] : memref<25600x8x128xf32, #tpu.memory_space<hbm>> -> memref<1x8x128xf32, #tpu.memory_space<hbm>>
    %dma_wait3A_324 = tpu.memref_squeeze %dma_wait3A_323 : memref<1x8x128xf32, #tpu.memory_space<hbm>> -> memref<8x128xf32, #tpu.memory_space<hbm>>
    %dma_wait3A_325 = arith.constant 0 : i32
    %dma_wait3A_326 = arith.constant 0 : i32
    %dma_wait3A_327 = tpu.memref_slice %arg4[%dma_wait3A_316, %dma_wait3A_325, %dma_wait3A_326] : memref<25600x8x128xf32, #tpu.memory_space<hbm>> -> memref<1x8x128xf32, #tpu.memory_space<hbm>>
    %dma_wait3A_328 = tpu.memref_squeeze %dma_wait3A_327 : memref<1x8x128xf32, #tpu.memory_space<hbm>> -> memref<8x128xf32, #tpu.memory_space<hbm>>
    %dma_wait3A_329 = arith.constant 0 : i32
    %dma_wait3A_330 = arith.constant 0 : i32
    %dma_wait3A_331 = tpu.memref_slice %arg7[%dma_wait3A_314, %dma_wait3A_315, %dma_wait3A_329, %dma_wait3A_330] : memref<2x4x32x129xf32, #tpu.memory_space<vmem>> -> memref<1x1x8x128xf32, #tpu.memory_space<vmem>>
    %dma_wait3A_332 = tpu.memref_squeeze %dma_wait3A_331 : memref<1x1x8x128xf32, #tpu.memory_space<vmem>> -> memref<8x128xf32, #tpu.memory_space<vmem>>
    tpu.wait_dma2 semaphore(%arg9 : memref<!tpu.dma_semaphore, #tpu.memory_space<semaphore_mem>>) src(%dma_wait3A_332 : memref<8x128xf32, #tpu.memory_space<vmem>>) dst(%dma_wait3A_328 : memref<8x128xf32, #tpu.memory_space<hbm>>)
    %dma_wait3A_333 = arith.constant 1 : i32
    %dma_wait3A_334 = arith.constant 1 : i32
    %dma_wait3A_335 = arith.constant 0 : i32
    %dma_wait3A_336 = arith.constant 0 : i32
    %dma_wait3A_337 = arith.constant 0 : i32
    %dma_wait3A_338 = tpu.memref_slice %arg7[%dma_wait3A_333, %dma_wait3A_334, %dma_wait3A_336, %dma_wait3A_337] : memref<2x4x32x129xf32, #tpu.memory_space<vmem>> -> memref<1x1x8x128xf32, #tpu.memory_space<vmem>>
    %dma_wait3A_339 = tpu.memref_squeeze %dma_wait3A_338 : memref<1x1x8x128xf32, #tpu.memory_space<vmem>> -> memref<8x128xf32, #tpu.memory_space<vmem>>
    %dma_wait3A_340 = arith.constant 0 : i32
    %dma_wait3A_341 = arith.constant 0 : i32
    %dma_wait3A_342 = tpu.memref_slice %arg4[%dma_wait3A_335, %dma_wait3A_340, %dma_wait3A_341] : memref<25600x8x128xf32, #tpu.memory_space<hbm>> -> memref<1x8x128xf32, #tpu.memory_space<hbm>>
    %dma_wait3A_343 = tpu.memref_squeeze %dma_wait3A_342 : memref<1x8x128xf32, #tpu.memory_space<hbm>> -> memref<8x128xf32, #tpu.memory_space<hbm>>
    %dma_wait3A_344 = arith.constant 0 : i32
    %dma_wait3A_345 = arith.constant 0 : i32
    %dma_wait3A_346 = tpu.memref_slice %arg4[%dma_wait3A_335, %dma_wait3A_344, %dma_wait3A_345] : memref<25600x8x128xf32, #tpu.memory_space<hbm>> -> memref<1x8x128xf32, #tpu.memory_space<hbm>>
    %dma_wait3A_347 = tpu.memref_squeeze %dma_wait3A_346 : memref<1x8x128xf32, #tpu.memory_space<hbm>> -> memref<8x128xf32, #tpu.memory_space<hbm>>
    %dma_wait3A_348 = arith.constant 0 : i32
    %dma_wait3A_349 = arith.constant 0 : i32
    %dma_wait3A_350 = tpu.memref_slice %arg7[%dma_wait3A_333, %dma_wait3A_334, %dma_wait3A_348, %dma_wait3A_349] : memref<2x4x32x129xf32, #tpu.memory_space<vmem>> -> memref<1x1x8x128xf32, #tpu.memory_space<vmem>>
    %dma_wait3A_351 = tpu.memref_squeeze %dma_wait3A_350 : memref<1x1x8x128xf32, #tpu.memory_space<vmem>> -> memref<8x128xf32, #tpu.memory_space<vmem>>
    tpu.wait_dma2 semaphore(%arg9 : memref<!tpu.dma_semaphore, #tpu.memory_space<semaphore_mem>>) src(%dma_wait3A_351 : memref<8x128xf32, #tpu.memory_space<vmem>>) dst(%dma_wait3A_347 : memref<8x128xf32, #tpu.memory_space<hbm>>)
    %dma_wait3A_352 = arith.constant 1 : i32
    %dma_wait3A_353 = arith.constant 2 : i32
    %dma_wait3A_354 = arith.constant 0 : i32
    %dma_wait3A_355 = arith.constant 0 : i32
    %dma_wait3A_356 = arith.constant 0 : i32
    %dma_wait3A_357 = tpu.memref_slice %arg7[%dma_wait3A_352, %dma_wait3A_353, %dma_wait3A_355, %dma_wait3A_356] : memref<2x4x32x129xf32, #tpu.memory_space<vmem>> -> memref<1x1x8x128xf32, #tpu.memory_space<vmem>>
    %dma_wait3A_358 = tpu.memref_squeeze %dma_wait3A_357 : memref<1x1x8x128xf32, #tpu.memory_space<vmem>> -> memref<8x128xf32, #tpu.memory_space<vmem>>
    %dma_wait3A_359 = arith.constant 0 : i32
    %dma_wait3A_360 = arith.constant 0 : i32
    %dma_wait3A_361 = tpu.memref_slice %arg4[%dma_wait3A_354, %dma_wait3A_359, %dma_wait3A_360] : memref<25600x8x128xf32, #tpu.memory_space<hbm>> -> memref<1x8x128xf32, #tpu.memory_space<hbm>>
    %dma_wait3A_362 = tpu.memref_squeeze %dma_wait3A_361 : memref<1x8x128xf32, #tpu.memory_space<hbm>> -> memref<8x128xf32, #tpu.memory_space<hbm>>
    %dma_wait3A_363 = arith.constant 0 : i32
    %dma_wait3A_364 = arith.constant 0 : i32
    %dma_wait3A_365 = tpu.memref_slice %arg4[%dma_wait3A_354, %dma_wait3A_363, %dma_wait3A_364] : memref<25600x8x128xf32, #tpu.memory_space<hbm>> -> memref<1x8x128xf32, #tpu.memory_space<hbm>>
    %dma_wait3A_366 = tpu.memref_squeeze %dma_wait3A_365 : memref<1x8x128xf32, #tpu.memory_space<hbm>> -> memref<8x128xf32, #tpu.memory_space<hbm>>
    %dma_wait3A_367 = arith.constant 0 : i32
    %dma_wait3A_368 = arith.constant 0 : i32
    %dma_wait3A_369 = tpu.memref_slice %arg7[%dma_wait3A_352, %dma_wait3A_353, %dma_wait3A_367, %dma_wait3A_368] : memref<2x4x32x129xf32, #tpu.memory_space<vmem>> -> memref<1x1x8x128xf32, #tpu.memory_space<vmem>>
    %dma_wait3A_370 = tpu.memref_squeeze %dma_wait3A_369 : memref<1x1x8x128xf32, #tpu.memory_space<vmem>> -> memref<8x128xf32, #tpu.memory_space<vmem>>
    tpu.wait_dma2 semaphore(%arg9 : memref<!tpu.dma_semaphore, #tpu.memory_space<semaphore_mem>>) src(%dma_wait3A_370 : memref<8x128xf32, #tpu.memory_space<vmem>>) dst(%dma_wait3A_366 : memref<8x128xf32, #tpu.memory_space<hbm>>)
    %dma_wait3A_371 = arith.constant 1 : i32
    %dma_wait3A_372 = arith.constant 3 : i32
    %dma_wait3A_373 = arith.constant 0 : i32
    %dma_wait3A_374 = arith.constant 0 : i32
    %dma_wait3A_375 = arith.constant 0 : i32
    %dma_wait3A_376 = tpu.memref_slice %arg7[%dma_wait3A_371, %dma_wait3A_372, %dma_wait3A_374, %dma_wait3A_375] : memref<2x4x32x129xf32, #tpu.memory_space<vmem>> -> memref<1x1x8x128xf32, #tpu.memory_space<vmem>>
    %dma_wait3A_377 = tpu.memref_squeeze %dma_wait3A_376 : memref<1x1x8x128xf32, #tpu.memory_space<vmem>> -> memref<8x128xf32, #tpu.memory_space<vmem>>
    %dma_wait3A_378 = arith.constant 0 : i32
    %dma_wait3A_379 = arith.constant 0 : i32
    %dma_wait3A_380 = tpu.memref_slice %arg4[%dma_wait3A_373, %dma_wait3A_378, %dma_wait3A_379] : memref<25600x8x128xf32, #tpu.memory_space<hbm>> -> memref<1x8x128xf32, #tpu.memory_space<hbm>>
    %dma_wait3A_381 = tpu.memref_squeeze %dma_wait3A_380 : memref<1x8x128xf32, #tpu.memory_space<hbm>> -> memref<8x128xf32, #tpu.memory_space<hbm>>
    %dma_wait3A_382 = arith.constant 0 : i32
    %dma_wait3A_383 = arith.constant 0 : i32
    %dma_wait3A_384 = tpu.memref_slice %arg4[%dma_wait3A_373, %dma_wait3A_382, %dma_wait3A_383] : memref<25600x8x128xf32, #tpu.memory_space<hbm>> -> memref<1x8x128xf32, #tpu.memory_space<hbm>>
    %dma_wait3A_385 = tpu.memref_squeeze %dma_wait3A_384 : memref<1x8x128xf32, #tpu.memory_space<hbm>> -> memref<8x128xf32, #tpu.memory_space<hbm>>
    %dma_wait3A_386 = arith.constant 0 : i32
    %dma_wait3A_387 = arith.constant 0 : i32
    %dma_wait3A_388 = tpu.memref_slice %arg7[%dma_wait3A_371, %dma_wait3A_372, %dma_wait3A_386, %dma_wait3A_387] : memref<2x4x32x129xf32, #tpu.memory_space<vmem>> -> memref<1x1x8x128xf32, #tpu.memory_space<vmem>>
    %dma_wait3A_389 = tpu.memref_squeeze %dma_wait3A_388 : memref<1x1x8x128xf32, #tpu.memory_space<vmem>> -> memref<8x128xf32, #tpu.memory_space<vmem>>
    tpu.wait_dma2 semaphore(%arg9 : memref<!tpu.dma_semaphore, #tpu.memory_space<semaphore_mem>>) src(%dma_wait3A_389 : memref<8x128xf32, #tpu.memory_space<vmem>>) dst(%dma_wait3A_385 : memref<8x128xf32, #tpu.memory_space<hbm>>)
    %dma_wait3A_390 = arith.constant 1 : i32
    %dma_wait3A_391 = arith.constant 0 : i32
    %dma_wait3A_392 = arith.constant 0 : i32
    %dma_wait3A_393 = arith.constant 8 : i32
    %dma_wait3A_394 = arith.constant 0 : i32
    %dma_wait3A_395 = tpu.memref_slice %arg7[%dma_wait3A_390, %dma_wait3A_391, %dma_wait3A_393, %dma_wait3A_394] : memref<2x4x32x129xf32, #tpu.memory_space<vmem>> -> memref<1x1x8x128xf32, #tpu.memory_space<vmem>>
    %dma_wait3A_396 = tpu.memref_squeeze %dma_wait3A_395 : memref<1x1x8x128xf32, #tpu.memory_space<vmem>> -> memref<8x128xf32, #tpu.memory_space<vmem>>
    %dma_wait3A_397 = arith.constant 0 : i32
    %dma_wait3A_398 = arith.constant 0 : i32
    %dma_wait3A_399 = tpu.memref_slice %arg4[%dma_wait3A_392, %dma_wait3A_397, %dma_wait3A_398] : memref<25600x8x128xf32, #tpu.memory_space<hbm>> -> memref<1x8x128xf32, #tpu.memory_space<hbm>>
    %dma_wait3A_400 = tpu.memref_squeeze %dma_wait3A_399 : memref<1x8x128xf32, #tpu.memory_space<hbm>> -> memref<8x128xf32, #tpu.memory_space<hbm>>
    %dma_wait3A_401 = arith.constant 0 : i32
    %dma_wait3A_402 = arith.constant 0 : i32
    %dma_wait3A_403 = tpu.memref_slice %arg4[%dma_wait3A_392, %dma_wait3A_401, %dma_wait3A_402] : memref<25600x8x128xf32, #tpu.memory_space<hbm>> -> memref<1x8x128xf32, #tpu.memory_space<hbm>>
    %dma_wait3A_404 = tpu.memref_squeeze %dma_wait3A_403 : memref<1x8x128xf32, #tpu.memory_space<hbm>> -> memref<8x128xf32, #tpu.memory_space<hbm>>
    %dma_wait3A_405 = arith.constant 8 : i32
    %dma_wait3A_406 = arith.constant 0 : i32
    %dma_wait3A_407 = tpu.memref_slice %arg7[%dma_wait3A_390, %dma_wait3A_391, %dma_wait3A_405, %dma_wait3A_406] : memref<2x4x32x129xf32, #tpu.memory_space<vmem>> -> memref<1x1x8x128xf32, #tpu.memory_space<vmem>>
    %dma_wait3A_408 = tpu.memref_squeeze %dma_wait3A_407 : memref<1x1x8x128xf32, #tpu.memory_space<vmem>> -> memref<8x128xf32, #tpu.memory_space<vmem>>
    tpu.wait_dma2 semaphore(%arg9 : memref<!tpu.dma_semaphore, #tpu.memory_space<semaphore_mem>>) src(%dma_wait3A_408 : memref<8x128xf32, #tpu.memory_space<vmem>>) dst(%dma_wait3A_404 : memref<8x128xf32, #tpu.memory_space<hbm>>)
    %dma_wait3A_409 = arith.constant 1 : i32
    %dma_wait3A_410 = arith.constant 1 : i32
    %dma_wait3A_411 = arith.constant 0 : i32
    %dma_wait3A_412 = arith.constant 8 : i32
    %dma_wait3A_413 = arith.constant 0 : i32
    %dma_wait3A_414 = tpu.memref_slice %arg7[%dma_wait3A_409, %dma_wait3A_410, %dma_wait3A_412, %dma_wait3A_413] : memref<2x4x32x129xf32, #tpu.memory_space<vmem>> -> memref<1x1x8x128xf32, #tpu.memory_space<vmem>>
    %dma_wait3A_415 = tpu.memref_squeeze %dma_wait3A_414 : memref<1x1x8x128xf32, #tpu.memory_space<vmem>> -> memref<8x128xf32, #tpu.memory_space<vmem>>
    %dma_wait3A_416 = arith.constant 0 : i32
    %dma_wait3A_417 = arith.constant 0 : i32
    %dma_wait3A_418 = tpu.memref_slice %arg4[%dma_wait3A_411, %dma_wait3A_416, %dma_wait3A_417] : memref<25600x8x128xf32, #tpu.memory_space<hbm>> -> memref<1x8x128xf32, #tpu.memory_space<hbm>>
    %dma_wait3A_419 = tpu.memref_squeeze %dma_wait3A_418 : memref<1x8x128xf32, #tpu.memory_space<hbm>> -> memref<8x128xf32, #tpu.memory_space<hbm>>
    %dma_wait3A_420 = arith.constant 0 : i32
    %dma_wait3A_421 = arith.constant 0 : i32
    %dma_wait3A_422 = tpu.memref_slice %arg4[%dma_wait3A_411, %dma_wait3A_420, %dma_wait3A_421] : memref<25600x8x128xf32, #tpu.memory_space<hbm>> -> memref<1x8x128xf32, #tpu.memory_space<hbm>>
    %dma_wait3A_423 = tpu.memref_squeeze %dma_wait3A_422 : memref<1x8x128xf32, #tpu.memory_space<hbm>> -> memref<8x128xf32, #tpu.memory_space<hbm>>
    %dma_wait3A_424 = arith.constant 8 : i32
    %dma_wait3A_425 = arith.constant 0 : i32
    %dma_wait3A_426 = tpu.memref_slice %arg7[%dma_wait3A_409, %dma_wait3A_410, %dma_wait3A_424, %dma_wait3A_425] : memref<2x4x32x129xf32, #tpu.memory_space<vmem>> -> memref<1x1x8x128xf32, #tpu.memory_space<vmem>>
    %dma_wait3A_427 = tpu.memref_squeeze %dma_wait3A_426 : memref<1x1x8x128xf32, #tpu.memory_space<vmem>> -> memref<8x128xf32, #tpu.memory_space<vmem>>
    tpu.wait_dma2 semaphore(%arg9 : memref<!tpu.dma_semaphore, #tpu.memory_space<semaphore_mem>>) src(%dma_wait3A_427 : memref<8x128xf32, #tpu.memory_space<vmem>>) dst(%dma_wait3A_423 : memref<8x128xf32, #tpu.memory_space<hbm>>)
    %dma_wait3A_428 = arith.constant 1 : i32
    %dma_wait3A_429 = arith.constant 2 : i32
    %dma_wait3A_430 = arith.constant 0 : i32
    %dma_wait3A_431 = arith.constant 8 : i32
    %dma_wait3A_432 = arith.constant 0 : i32
    %dma_wait3A_433 = tpu.memref_slice %arg7[%dma_wait3A_428, %dma_wait3A_429, %dma_wait3A_431, %dma_wait3A_432] : memref<2x4x32x129xf32, #tpu.memory_space<vmem>> -> memref<1x1x8x128xf32, #tpu.memory_space<vmem>>
    %dma_wait3A_434 = tpu.memref_squeeze %dma_wait3A_433 : memref<1x1x8x128xf32, #tpu.memory_space<vmem>> -> memref<8x128xf32, #tpu.memory_space<vmem>>
    %dma_wait3A_435 = arith.constant 0 : i32
    %dma_wait3A_436 = arith.constant 0 : i32
    %dma_wait3A_437 = tpu.memref_slice %arg4[%dma_wait3A_430, %dma_wait3A_435, %dma_wait3A_436] : memref<25600x8x128xf32, #tpu.memory_space<hbm>> -> memref<1x8x128xf32, #tpu.memory_space<hbm>>
    %dma_wait3A_438 = tpu.memref_squeeze %dma_wait3A_437 : memref<1x8x128xf32, #tpu.memory_space<hbm>> -> memref<8x128xf32, #tpu.memory_space<hbm>>
    %dma_wait3A_439 = arith.constant 0 : i32
    %dma_wait3A_440 = arith.constant 0 : i32
    %dma_wait3A_441 = tpu.memref_slice %arg4[%dma_wait3A_430, %dma_wait3A_439, %dma_wait3A_440] : memref<25600x8x128xf32, #tpu.memory_space<hbm>> -> memref<1x8x128xf32, #tpu.memory_space<hbm>>
    %dma_wait3A_442 = tpu.memref_squeeze %dma_wait3A_441 : memref<1x8x128xf32, #tpu.memory_space<hbm>> -> memref<8x128xf32, #tpu.memory_space<hbm>>
    %dma_wait3A_443 = arith.constant 8 : i32
    %dma_wait3A_444 = arith.constant 0 : i32
    %dma_wait3A_445 = tpu.memref_slice %arg7[%dma_wait3A_428, %dma_wait3A_429, %dma_wait3A_443, %dma_wait3A_444] : memref<2x4x32x129xf32, #tpu.memory_space<vmem>> -> memref<1x1x8x128xf32, #tpu.memory_space<vmem>>
    %dma_wait3A_446 = tpu.memref_squeeze %dma_wait3A_445 : memref<1x1x8x128xf32, #tpu.memory_space<vmem>> -> memref<8x128xf32, #tpu.memory_space<vmem>>
    tpu.wait_dma2 semaphore(%arg9 : memref<!tpu.dma_semaphore, #tpu.memory_space<semaphore_mem>>) src(%dma_wait3A_446 : memref<8x128xf32, #tpu.memory_space<vmem>>) dst(%dma_wait3A_442 : memref<8x128xf32, #tpu.memory_space<hbm>>)
    %dma_wait3A_447 = arith.constant 1 : i32
    %dma_wait3A_448 = arith.constant 3 : i32
    %dma_wait3A_449 = arith.constant 0 : i32
    %dma_wait3A_450 = arith.constant 8 : i32
    %dma_wait3A_451 = arith.constant 0 : i32
    %dma_wait3A_452 = tpu.memref_slice %arg7[%dma_wait3A_447, %dma_wait3A_448, %dma_wait3A_450, %dma_wait3A_451] : memref<2x4x32x129xf32, #tpu.memory_space<vmem>> -> memref<1x1x8x128xf32, #tpu.memory_space<vmem>>
    %dma_wait3A_453 = tpu.memref_squeeze %dma_wait3A_452 : memref<1x1x8x128xf32, #tpu.memory_space<vmem>> -> memref<8x128xf32, #tpu.memory_space<vmem>>
    %dma_wait3A_454 = arith.constant 0 : i32
    %dma_wait3A_455 = arith.constant 0 : i32
    %dma_wait3A_456 = tpu.memref_slice %arg4[%dma_wait3A_449, %dma_wait3A_454, %dma_wait3A_455] : memref<25600x8x128xf32, #tpu.memory_space<hbm>> -> memref<1x8x128xf32, #tpu.memory_space<hbm>>
    %dma_wait3A_457 = tpu.memref_squeeze %dma_wait3A_456 : memref<1x8x128xf32, #tpu.memory_space<hbm>> -> memref<8x128xf32, #tpu.memory_space<hbm>>
    %dma_wait3A_458 = arith.constant 0 : i32
    %dma_wait3A_459 = arith.constant 0 : i32
    %dma_wait3A_460 = tpu.memref_slice %arg4[%dma_wait3A_449, %dma_wait3A_458, %dma_wait3A_459] : memref<25600x8x128xf32, #tpu.memory_space<hbm>> -> memref<1x8x128xf32, #tpu.memory_space<hbm>>
    %dma_wait3A_461 = tpu.memref_squeeze %dma_wait3A_460 : memref<1x8x128xf32, #tpu.memory_space<hbm>> -> memref<8x128xf32, #tpu.memory_space<hbm>>
    %dma_wait3A_462 = arith.constant 8 : i32
    %dma_wait3A_463 = arith.constant 0 : i32
    %dma_wait3A_464 = tpu.memref_slice %arg7[%dma_wait3A_447, %dma_wait3A_448, %dma_wait3A_462, %dma_wait3A_463] : memref<2x4x32x129xf32, #tpu.memory_space<vmem>> -> memref<1x1x8x128xf32, #tpu.memory_space<vmem>>
    %dma_wait3A_465 = tpu.memref_squeeze %dma_wait3A_464 : memref<1x1x8x128xf32, #tpu.memory_space<vmem>> -> memref<8x128xf32, #tpu.memory_space<vmem>>
    tpu.wait_dma2 semaphore(%arg9 : memref<!tpu.dma_semaphore, #tpu.memory_space<semaphore_mem>>) src(%dma_wait3A_465 : memref<8x128xf32, #tpu.memory_space<vmem>>) dst(%dma_wait3A_461 : memref<8x128xf32, #tpu.memory_space<hbm>>)
    %dma_wait3A_466 = arith.constant 1 : i32
    %dma_wait3A_467 = arith.constant 0 : i32
    %dma_wait3A_468 = arith.constant 0 : i32
    %dma_wait3A_469 = arith.constant 16 : i32
    %dma_wait3A_470 = arith.constant 0 : i32
    %dma_wait3A_471 = tpu.memref_slice %arg7[%dma_wait3A_466, %dma_wait3A_467, %dma_wait3A_469, %dma_wait3A_470] : memref<2x4x32x129xf32, #tpu.memory_space<vmem>> -> memref<1x1x8x128xf32, #tpu.memory_space<vmem>>
    %dma_wait3A_472 = tpu.memref_squeeze %dma_wait3A_471 : memref<1x1x8x128xf32, #tpu.memory_space<vmem>> -> memref<8x128xf32, #tpu.memory_space<vmem>>
    %dma_wait3A_473 = arith.constant 0 : i32
    %dma_wait3A_474 = arith.constant 0 : i32
    %dma_wait3A_475 = tpu.memref_slice %arg4[%dma_wait3A_468, %dma_wait3A_473, %dma_wait3A_474] : memref<25600x8x128xf32, #tpu.memory_space<hbm>> -> memref<1x8x128xf32, #tpu.memory_space<hbm>>
    %dma_wait3A_476 = tpu.memref_squeeze %dma_wait3A_475 : memref<1x8x128xf32, #tpu.memory_space<hbm>> -> memref<8x128xf32, #tpu.memory_space<hbm>>
    %dma_wait3A_477 = arith.constant 0 : i32
    %dma_wait3A_478 = arith.constant 0 : i32
    %dma_wait3A_479 = tpu.memref_slice %arg4[%dma_wait3A_468, %dma_wait3A_477, %dma_wait3A_478] : memref<25600x8x128xf32, #tpu.memory_space<hbm>> -> memref<1x8x128xf32, #tpu.memory_space<hbm>>
    %dma_wait3A_480 = tpu.memref_squeeze %dma_wait3A_479 : memref<1x8x128xf32, #tpu.memory_space<hbm>> -> memref<8x128xf32, #tpu.memory_space<hbm>>
    %dma_wait3A_481 = arith.constant 16 : i32
    %dma_wait3A_482 = arith.constant 0 : i32
    %dma_wait3A_483 = tpu.memref_slice %arg7[%dma_wait3A_466, %dma_wait3A_467, %dma_wait3A_481, %dma_wait3A_482] : memref<2x4x32x129xf32, #tpu.memory_space<vmem>> -> memref<1x1x8x128xf32, #tpu.memory_space<vmem>>
    %dma_wait3A_484 = tpu.memref_squeeze %dma_wait3A_483 : memref<1x1x8x128xf32, #tpu.memory_space<vmem>> -> memref<8x128xf32, #tpu.memory_space<vmem>>
    tpu.wait_dma2 semaphore(%arg9 : memref<!tpu.dma_semaphore, #tpu.memory_space<semaphore_mem>>) src(%dma_wait3A_484 : memref<8x128xf32, #tpu.memory_space<vmem>>) dst(%dma_wait3A_480 : memref<8x128xf32, #tpu.memory_space<hbm>>)
    %dma_wait3A_485 = arith.constant 1 : i32
    %dma_wait3A_486 = arith.constant 1 : i32
    %dma_wait3A_487 = arith.constant 0 : i32
    %dma_wait3A_488 = arith.constant 16 : i32
    %dma_wait3A_489 = arith.constant 0 : i32
    %dma_wait3A_490 = tpu.memref_slice %arg7[%dma_wait3A_485, %dma_wait3A_486, %dma_wait3A_488, %dma_wait3A_489] : memref<2x4x32x129xf32, #tpu.memory_space<vmem>> -> memref<1x1x8x128xf32, #tpu.memory_space<vmem>>
    %dma_wait3A_491 = tpu.memref_squeeze %dma_wait3A_490 : memref<1x1x8x128xf32, #tpu.memory_space<vmem>> -> memref<8x128xf32, #tpu.memory_space<vmem>>
    %dma_wait3A_492 = arith.constant 0 : i32
    %dma_wait3A_493 = arith.constant 0 : i32
    %dma_wait3A_494 = tpu.memref_slice %arg4[%dma_wait3A_487, %dma_wait3A_492, %dma_wait3A_493] : memref<25600x8x128xf32, #tpu.memory_space<hbm>> -> memref<1x8x128xf32, #tpu.memory_space<hbm>>
    %dma_wait3A_495 = tpu.memref_squeeze %dma_wait3A_494 : memref<1x8x128xf32, #tpu.memory_space<hbm>> -> memref<8x128xf32, #tpu.memory_space<hbm>>
    %dma_wait3A_496 = arith.constant 0 : i32
    %dma_wait3A_497 = arith.constant 0 : i32
    %dma_wait3A_498 = tpu.memref_slice %arg4[%dma_wait3A_487, %dma_wait3A_496, %dma_wait3A_497] : memref<25600x8x128xf32, #tpu.memory_space<hbm>> -> memref<1x8x128xf32, #tpu.memory_space<hbm>>
    %dma_wait3A_499 = tpu.memref_squeeze %dma_wait3A_498 : memref<1x8x128xf32, #tpu.memory_space<hbm>> -> memref<8x128xf32, #tpu.memory_space<hbm>>
    %dma_wait3A_500 = arith.constant 16 : i32
    %dma_wait3A_501 = arith.constant 0 : i32
    %dma_wait3A_502 = tpu.memref_slice %arg7[%dma_wait3A_485, %dma_wait3A_486, %dma_wait3A_500, %dma_wait3A_501] : memref<2x4x32x129xf32, #tpu.memory_space<vmem>> -> memref<1x1x8x128xf32, #tpu.memory_space<vmem>>
    %dma_wait3A_503 = tpu.memref_squeeze %dma_wait3A_502 : memref<1x1x8x128xf32, #tpu.memory_space<vmem>> -> memref<8x128xf32, #tpu.memory_space<vmem>>
    tpu.wait_dma2 semaphore(%arg9 : memref<!tpu.dma_semaphore, #tpu.memory_space<semaphore_mem>>) src(%dma_wait3A_503 : memref<8x128xf32, #tpu.memory_space<vmem>>) dst(%dma_wait3A_499 : memref<8x128xf32, #tpu.memory_space<hbm>>)
    %dma_wait3A_504 = arith.constant 1 : i32
    %dma_wait3A_505 = arith.constant 2 : i32
    %dma_wait3A_506 = arith.constant 0 : i32
    %dma_wait3A_507 = arith.constant 16 : i32
    %dma_wait3A_508 = arith.constant 0 : i32
    %dma_wait3A_509 = tpu.memref_slice %arg7[%dma_wait3A_504, %dma_wait3A_505, %dma_wait3A_507, %dma_wait3A_508] : memref<2x4x32x129xf32, #tpu.memory_space<vmem>> -> memref<1x1x8x128xf32, #tpu.memory_space<vmem>>
    %dma_wait3A_510 = tpu.memref_squeeze %dma_wait3A_509 : memref<1x1x8x128xf32, #tpu.memory_space<vmem>> -> memref<8x128xf32, #tpu.memory_space<vmem>>
    %dma_wait3A_511 = arith.constant 0 : i32
    %dma_wait3A_512 = arith.constant 0 : i32
    %dma_wait3A_513 = tpu.memref_slice %arg4[%dma_wait3A_506, %dma_wait3A_511, %dma_wait3A_512] : memref<25600x8x128xf32, #tpu.memory_space<hbm>> -> memref<1x8x128xf32, #tpu.memory_space<hbm>>
    %dma_wait3A_514 = tpu.memref_squeeze %dma_wait3A_513 : memref<1x8x128xf32, #tpu.memory_space<hbm>> -> memref<8x128xf32, #tpu.memory_space<hbm>>
    %dma_wait3A_515 = arith.constant 0 : i32
    %dma_wait3A_516 = arith.constant 0 : i32
    %dma_wait3A_517 = tpu.memref_slice %arg4[%dma_wait3A_506, %dma_wait3A_515, %dma_wait3A_516] : memref<25600x8x128xf32, #tpu.memory_space<hbm>> -> memref<1x8x128xf32, #tpu.memory_space<hbm>>
    %dma_wait3A_518 = tpu.memref_squeeze %dma_wait3A_517 : memref<1x8x128xf32, #tpu.memory_space<hbm>> -> memref<8x128xf32, #tpu.memory_space<hbm>>
    %dma_wait3A_519 = arith.constant 16 : i32
    %dma_wait3A_520 = arith.constant 0 : i32
    %dma_wait3A_521 = tpu.memref_slice %arg7[%dma_wait3A_504, %dma_wait3A_505, %dma_wait3A_519, %dma_wait3A_520] : memref<2x4x32x129xf32, #tpu.memory_space<vmem>> -> memref<1x1x8x128xf32, #tpu.memory_space<vmem>>
    %dma_wait3A_522 = tpu.memref_squeeze %dma_wait3A_521 : memref<1x1x8x128xf32, #tpu.memory_space<vmem>> -> memref<8x128xf32, #tpu.memory_space<vmem>>
    tpu.wait_dma2 semaphore(%arg9 : memref<!tpu.dma_semaphore, #tpu.memory_space<semaphore_mem>>) src(%dma_wait3A_522 : memref<8x128xf32, #tpu.memory_space<vmem>>) dst(%dma_wait3A_518 : memref<8x128xf32, #tpu.memory_space<hbm>>)
    %dma_wait3A_523 = arith.constant 1 : i32
    %dma_wait3A_524 = arith.constant 3 : i32
    %dma_wait3A_525 = arith.constant 0 : i32
    %dma_wait3A_526 = arith.constant 16 : i32
    %dma_wait3A_527 = arith.constant 0 : i32
    %dma_wait3A_528 = tpu.memref_slice %arg7[%dma_wait3A_523, %dma_wait3A_524, %dma_wait3A_526, %dma_wait3A_527] : memref<2x4x32x129xf32, #tpu.memory_space<vmem>> -> memref<1x1x8x128xf32, #tpu.memory_space<vmem>>
    %dma_wait3A_529 = tpu.memref_squeeze %dma_wait3A_528 : memref<1x1x8x128xf32, #tpu.memory_space<vmem>> -> memref<8x128xf32, #tpu.memory_space<vmem>>
    %dma_wait3A_530 = arith.constant 0 : i32
    %dma_wait3A_531 = arith.constant 0 : i32
    %dma_wait3A_532 = tpu.memref_slice %arg4[%dma_wait3A_525, %dma_wait3A_530, %dma_wait3A_531] : memref<25600x8x128xf32, #tpu.memory_space<hbm>> -> memref<1x8x128xf32, #tpu.memory_space<hbm>>
    %dma_wait3A_533 = tpu.memref_squeeze %dma_wait3A_532 : memref<1x8x128xf32, #tpu.memory_space<hbm>> -> memref<8x128xf32, #tpu.memory_space<hbm>>
    %dma_wait3A_534 = arith.constant 0 : i32
    %dma_wait3A_535 = arith.constant 0 : i32
    %dma_wait3A_536 = tpu.memref_slice %arg4[%dma_wait3A_525, %dma_wait3A_534, %dma_wait3A_535] : memref<25600x8x128xf32, #tpu.memory_space<hbm>> -> memref<1x8x128xf32, #tpu.memory_space<hbm>>
    %dma_wait3A_537 = tpu.memref_squeeze %dma_wait3A_536 : memref<1x8x128xf32, #tpu.memory_space<hbm>> -> memref<8x128xf32, #tpu.memory_space<hbm>>
    %dma_wait3A_538 = arith.constant 16 : i32
    %dma_wait3A_539 = arith.constant 0 : i32
    %dma_wait3A_540 = tpu.memref_slice %arg7[%dma_wait3A_523, %dma_wait3A_524, %dma_wait3A_538, %dma_wait3A_539] : memref<2x4x32x129xf32, #tpu.memory_space<vmem>> -> memref<1x1x8x128xf32, #tpu.memory_space<vmem>>
    %dma_wait3A_541 = tpu.memref_squeeze %dma_wait3A_540 : memref<1x1x8x128xf32, #tpu.memory_space<vmem>> -> memref<8x128xf32, #tpu.memory_space<vmem>>
    tpu.wait_dma2 semaphore(%arg9 : memref<!tpu.dma_semaphore, #tpu.memory_space<semaphore_mem>>) src(%dma_wait3A_541 : memref<8x128xf32, #tpu.memory_space<vmem>>) dst(%dma_wait3A_537 : memref<8x128xf32, #tpu.memory_space<hbm>>)
    %dma_wait3A_542 = arith.constant 1 : i32
    %dma_wait3A_543 = arith.constant 0 : i32
    %dma_wait3A_544 = arith.constant 0 : i32
    %dma_wait3A_545 = arith.constant 24 : i32
    %dma_wait3A_546 = arith.constant 0 : i32
    %dma_wait3A_547 = tpu.memref_slice %arg7[%dma_wait3A_542, %dma_wait3A_543, %dma_wait3A_545, %dma_wait3A_546] : memref<2x4x32x129xf32, #tpu.memory_space<vmem>> -> memref<1x1x8x128xf32, #tpu.memory_space<vmem>>
    %dma_wait3A_548 = tpu.memref_squeeze %dma_wait3A_547 : memref<1x1x8x128xf32, #tpu.memory_space<vmem>> -> memref<8x128xf32, #tpu.memory_space<vmem>>
    %dma_wait3A_549 = arith.constant 0 : i32
    %dma_wait3A_550 = arith.constant 0 : i32
    %dma_wait3A_551 = tpu.memref_slice %arg4[%dma_wait3A_544, %dma_wait3A_549, %dma_wait3A_550] : memref<25600x8x128xf32, #tpu.memory_space<hbm>> -> memref<1x8x128xf32, #tpu.memory_space<hbm>>
    %dma_wait3A_552 = tpu.memref_squeeze %dma_wait3A_551 : memref<1x8x128xf32, #tpu.memory_space<hbm>> -> memref<8x128xf32, #tpu.memory_space<hbm>>
    %dma_wait3A_553 = arith.constant 0 : i32
    %dma_wait3A_554 = arith.constant 0 : i32
    %dma_wait3A_555 = tpu.memref_slice %arg4[%dma_wait3A_544, %dma_wait3A_553, %dma_wait3A_554] : memref<25600x8x128xf32, #tpu.memory_space<hbm>> -> memref<1x8x128xf32, #tpu.memory_space<hbm>>
    %dma_wait3A_556 = tpu.memref_squeeze %dma_wait3A_555 : memref<1x8x128xf32, #tpu.memory_space<hbm>> -> memref<8x128xf32, #tpu.memory_space<hbm>>
    %dma_wait3A_557 = arith.constant 24 : i32
    %dma_wait3A_558 = arith.constant 0 : i32
    %dma_wait3A_559 = tpu.memref_slice %arg7[%dma_wait3A_542, %dma_wait3A_543, %dma_wait3A_557, %dma_wait3A_558] : memref<2x4x32x129xf32, #tpu.memory_space<vmem>> -> memref<1x1x8x128xf32, #tpu.memory_space<vmem>>
    %dma_wait3A_560 = tpu.memref_squeeze %dma_wait3A_559 : memref<1x1x8x128xf32, #tpu.memory_space<vmem>> -> memref<8x128xf32, #tpu.memory_space<vmem>>
    tpu.wait_dma2 semaphore(%arg9 : memref<!tpu.dma_semaphore, #tpu.memory_space<semaphore_mem>>) src(%dma_wait3A_560 : memref<8x128xf32, #tpu.memory_space<vmem>>) dst(%dma_wait3A_556 : memref<8x128xf32, #tpu.memory_space<hbm>>)
    %dma_wait3A_561 = arith.constant 1 : i32
    %dma_wait3A_562 = arith.constant 1 : i32
    %dma_wait3A_563 = arith.constant 0 : i32
    %dma_wait3A_564 = arith.constant 24 : i32
    %dma_wait3A_565 = arith.constant 0 : i32
    %dma_wait3A_566 = tpu.memref_slice %arg7[%dma_wait3A_561, %dma_wait3A_562, %dma_wait3A_564, %dma_wait3A_565] : memref<2x4x32x129xf32, #tpu.memory_space<vmem>> -> memref<1x1x8x128xf32, #tpu.memory_space<vmem>>
    %dma_wait3A_567 = tpu.memref_squeeze %dma_wait3A_566 : memref<1x1x8x128xf32, #tpu.memory_space<vmem>> -> memref<8x128xf32, #tpu.memory_space<vmem>>
    %dma_wait3A_568 = arith.constant 0 : i32
    %dma_wait3A_569 = arith.constant 0 : i32
    %dma_wait3A_570 = tpu.memref_slice %arg4[%dma_wait3A_563, %dma_wait3A_568, %dma_wait3A_569] : memref<25600x8x128xf32, #tpu.memory_space<hbm>> -> memref<1x8x128xf32, #tpu.memory_space<hbm>>
    %dma_wait3A_571 = tpu.memref_squeeze %dma_wait3A_570 : memref<1x8x128xf32, #tpu.memory_space<hbm>> -> memref<8x128xf32, #tpu.memory_space<hbm>>
    %dma_wait3A_572 = arith.constant 0 : i32
    %dma_wait3A_573 = arith.constant 0 : i32
    %dma_wait3A_574 = tpu.memref_slice %arg4[%dma_wait3A_563, %dma_wait3A_572, %dma_wait3A_573] : memref<25600x8x128xf32, #tpu.memory_space<hbm>> -> memref<1x8x128xf32, #tpu.memory_space<hbm>>
    %dma_wait3A_575 = tpu.memref_squeeze %dma_wait3A_574 : memref<1x8x128xf32, #tpu.memory_space<hbm>> -> memref<8x128xf32, #tpu.memory_space<hbm>>
    %dma_wait3A_576 = arith.constant 24 : i32
    %dma_wait3A_577 = arith.constant 0 : i32
    %dma_wait3A_578 = tpu.memref_slice %arg7[%dma_wait3A_561, %dma_wait3A_562, %dma_wait3A_576, %dma_wait3A_577] : memref<2x4x32x129xf32, #tpu.memory_space<vmem>> -> memref<1x1x8x128xf32, #tpu.memory_space<vmem>>
    %dma_wait3A_579 = tpu.memref_squeeze %dma_wait3A_578 : memref<1x1x8x128xf32, #tpu.memory_space<vmem>> -> memref<8x128xf32, #tpu.memory_space<vmem>>
    tpu.wait_dma2 semaphore(%arg9 : memref<!tpu.dma_semaphore, #tpu.memory_space<semaphore_mem>>) src(%dma_wait3A_579 : memref<8x128xf32, #tpu.memory_space<vmem>>) dst(%dma_wait3A_575 : memref<8x128xf32, #tpu.memory_space<hbm>>)
    %dma_wait3A_580 = arith.constant 1 : i32
    %dma_wait3A_581 = arith.constant 2 : i32
    %dma_wait3A_582 = arith.constant 0 : i32
    %dma_wait3A_583 = arith.constant 24 : i32
    %dma_wait3A_584 = arith.constant 0 : i32
    %dma_wait3A_585 = tpu.memref_slice %arg7[%dma_wait3A_580, %dma_wait3A_581, %dma_wait3A_583, %dma_wait3A_584] : memref<2x4x32x129xf32, #tpu.memory_space<vmem>> -> memref<1x1x8x128xf32, #tpu.memory_space<vmem>>
    %dma_wait3A_586 = tpu.memref_squeeze %dma_wait3A_585 : memref<1x1x8x128xf32, #tpu.memory_space<vmem>> -> memref<8x128xf32, #tpu.memory_space<vmem>>
    %dma_wait3A_587 = arith.constant 0 : i32
    %dma_wait3A_588 = arith.constant 0 : i32
    %dma_wait3A_589 = tpu.memref_slice %arg4[%dma_wait3A_582, %dma_wait3A_587, %dma_wait3A_588] : memref<25600x8x128xf32, #tpu.memory_space<hbm>> -> memref<1x8x128xf32, #tpu.memory_space<hbm>>
    %dma_wait3A_590 = tpu.memref_squeeze %dma_wait3A_589 : memref<1x8x128xf32, #tpu.memory_space<hbm>> -> memref<8x128xf32, #tpu.memory_space<hbm>>
    %dma_wait3A_591 = arith.constant 0 : i32
    %dma_wait3A_592 = arith.constant 0 : i32
    %dma_wait3A_593 = tpu.memref_slice %arg4[%dma_wait3A_582, %dma_wait3A_591, %dma_wait3A_592] : memref<25600x8x128xf32, #tpu.memory_space<hbm>> -> memref<1x8x128xf32, #tpu.memory_space<hbm>>
    %dma_wait3A_594 = tpu.memref_squeeze %dma_wait3A_593 : memref<1x8x128xf32, #tpu.memory_space<hbm>> -> memref<8x128xf32, #tpu.memory_space<hbm>>
    %dma_wait3A_595 = arith.constant 24 : i32
    %dma_wait3A_596 = arith.constant 0 : i32
    %dma_wait3A_597 = tpu.memref_slice %arg7[%dma_wait3A_580, %dma_wait3A_581, %dma_wait3A_595, %dma_wait3A_596] : memref<2x4x32x129xf32, #tpu.memory_space<vmem>> -> memref<1x1x8x128xf32, #tpu.memory_space<vmem>>
    %dma_wait3A_598 = tpu.memref_squeeze %dma_wait3A_597 : memref<1x1x8x128xf32, #tpu.memory_space<vmem>> -> memref<8x128xf32, #tpu.memory_space<vmem>>
    tpu.wait_dma2 semaphore(%arg9 : memref<!tpu.dma_semaphore, #tpu.memory_space<semaphore_mem>>) src(%dma_wait3A_598 : memref<8x128xf32, #tpu.memory_space<vmem>>) dst(%dma_wait3A_594 : memref<8x128xf32, #tpu.memory_space<hbm>>)
    %dma_wait3A_599 = arith.constant 1 : i32
    %dma_wait3A_600 = arith.constant 3 : i32
    %dma_wait3A_601 = arith.constant 0 : i32
    %dma_wait3A_602 = arith.constant 24 : i32
    %dma_wait3A_603 = arith.constant 0 : i32
    %dma_wait3A_604 = tpu.memref_slice %arg7[%dma_wait3A_599, %dma_wait3A_600, %dma_wait3A_602, %dma_wait3A_603] : memref<2x4x32x129xf32, #tpu.memory_space<vmem>> -> memref<1x1x8x128xf32, #tpu.memory_space<vmem>>
    %dma_wait3A_605 = tpu.memref_squeeze %dma_wait3A_604 : memref<1x1x8x128xf32, #tpu.memory_space<vmem>> -> memref<8x128xf32, #tpu.memory_space<vmem>>
    %dma_wait3A_606 = arith.constant 0 : i32
    %dma_wait3A_607 = arith.constant 0 : i32
    %dma_wait3A_608 = tpu.memref_slice %arg4[%dma_wait3A_601, %dma_wait3A_606, %dma_wait3A_607] : memref<25600x8x128xf32, #tpu.memory_space<hbm>> -> memref<1x8x128xf32, #tpu.memory_space<hbm>>
    %dma_wait3A_609 = tpu.memref_squeeze %dma_wait3A_608 : memref<1x8x128xf32, #tpu.memory_space<hbm>> -> memref<8x128xf32, #tpu.memory_space<hbm>>
    %dma_wait3A_610 = arith.constant 0 : i32
    %dma_wait3A_611 = arith.constant 0 : i32
    %dma_wait3A_612 = tpu.memref_slice %arg4[%dma_wait3A_601, %dma_wait3A_610, %dma_wait3A_611] : memref<25600x8x128xf32, #tpu.memory_space<hbm>> -> memref<1x8x128xf32, #tpu.memory_space<hbm>>
    %dma_wait3A_613 = tpu.memref_squeeze %dma_wait3A_612 : memref<1x8x128xf32, #tpu.memory_space<hbm>> -> memref<8x128xf32, #tpu.memory_space<hbm>>
    %dma_wait3A_614 = arith.constant 24 : i32
    %dma_wait3A_615 = arith.constant 0 : i32
    %dma_wait3A_616 = tpu.memref_slice %arg7[%dma_wait3A_599, %dma_wait3A_600, %dma_wait3A_614, %dma_wait3A_615] : memref<2x4x32x129xf32, #tpu.memory_space<vmem>> -> memref<1x1x8x128xf32, #tpu.memory_space<vmem>>
    %dma_wait3A_617 = tpu.memref_squeeze %dma_wait3A_616 : memref<1x1x8x128xf32, #tpu.memory_space<vmem>> -> memref<8x128xf32, #tpu.memory_space<vmem>>
    tpu.wait_dma2 semaphore(%arg9 : memref<!tpu.dma_semaphore, #tpu.memory_space<semaphore_mem>>) src(%dma_wait3A_617 : memref<8x128xf32, #tpu.memory_space<vmem>>) dst(%dma_wait3A_613 : memref<8x128xf32, #tpu.memory_space<hbm>>)
    return
  }
}

</mosaic_0001>

<sc_bundles>
// kernel: kernel.3.cloned.1.call-start
scs
__scs_entry_jumppad:
0x0: {  	(pc) =	sbr.rel $0x88, $3  }
0x1: {  	(tag) =	ssettag $0x0;
	lr =	simm.s32 $0x1  }
0x2: {  	[smem:$0x3F9F] =	sst lr;
	_ =	strace $0xD0000000  }
0x3: {  	_ = 	snop  }
0x4: {  	_ = 	snop  }
0x5: {  	_ = 	snop  }
0x6: {  	_ = 	snop  }
0x7: {  	_ = 	snop  }
__scs_overlays_trampoline_lowered:
0x8: {  	[smem:$0x3FAE] =	sst s0  }
0x9: {  	[smem:$0x3FAF] =	sst s1  }
0xa: {  	[smem:$0x3FB0] =	sst s2  }
0xb: {  	[smem:$0x3FB1] =	sst s3  }
0xc: {  	[smem:$0x3FB2] =	sst s4  }
0xd: {  	[smem:$0x3FB3] =	sst s5  }
0xe: {  	[smem:$0x3FB4] =	sst s6  }
0xf: {  	[smem:$0x3FB5] =	sst s7  }
0x10: {  	[smem:$0x3FB6] =	sst s8  }
0x11: {  	[smem:$0x3FB7] =	sst s9;
	s0 =	simm.s32 @!p0 $0x0  }
0x12: {  	s1 =	sld [smem:$0x3F9D];
	s0 =	simm.s32 @p0 $0x1  }
0x13: {  	[smem:$0x3FB8] =	sst s0;
	s0 =	simm.s32 @!p1 $0x0  }
0x14: {  	s2 =	sld [smem:$0x3F9C];
	s0 =	simm.s32 @p1 $0x1  }
0x15: {  	[smem:$0x3FB9] =	sst s0;
	s0 =	simm.s32 @!p2 $0x0  }
0x16: {  	s3 =	sld [smem:$0x3FDB];
	s0 =	simm.s32 @p2 $0x1  }
0x17: {  	s4 =	simm.s32 $0x1BF5;
	[smem:$0x3FBB] =	sst s0  }
0x18: {  	s0 =	sld [smem:$0x3F9E];
	_ =	swait.ge [sflag:s4], $0x0  }
0x19: {  	s7 =	sld [smem:$0x3F9F]  }
0x1a: {  	s8 =	sadd.s32 $0xFFFFE003, lr  }
0x1b: {  	s9 =	sadd.s32 $0xFFFFFEF7, lr;
	s5 =	simm.s32 $0xFFFFFFFF;
	p2 =	slt.u32 s8, $0xFFFFF086  }
0x1c: {  	p1 =	slt.u32 s9, $0xF7A;
	s5 =	simm.s32 @!p2 $0x0  }
0x1d: {  	s5 =	simm.s32 @p1 $0x1;
	p0 =	seq.s32 s7, s2  }
0x1e: {  	s7 =	smul.u32 @!p0 $0xF7A, s2;
	p2 =	seq.s32 @!p0 s5, $0x0  }
0x1f: {  	s9 =	smul.u32 $0xF7A, s1;
	s8 =	simm.s32 @!p0 $0x1BF5;
	p2 =	por !p2, p0  }
0x20: {  	[sflag:s8] =	ssyncset.s32 @!p0 $0xFFFFF086;
	s6 =	sadd.s32 @!p0 s3, s7;
	s7 =	simm.s32 @!p0 $0x108  }
0x21: {  	s3 =	sadd.s32 s3, s9;
	s6 =	sadd.s32 @!p0 $0x88, s6;
	s7 =	simm.s32 @p2 $0x1082  }
0x22: {  	[simem:s7], [sflag:s8] =	dma.local @!p0 [hbm:s6], $0xF7A  }
0x23: {  	s9 =	sor.u32 $0xD0000000, s2;
	s6 =	simm.s32 $0x108;
	_ =	swait.ge @!p0 [sflag:s8], $0x0  }
0x24: {  	s3 =	sadd.s32 $0x88, s3;
	s6 =	simm.s32 @!p1 $0x1082;
	[sflag:s4] =	ssyncset.s32 $0xFFFFF086  }
0x25: {  	[simem:s6], [sflag:s4] =	dma.local [hbm:s3], $0xF7A  }
0x26: {  	[smem:$0x3F9F] =	sst s1;
	(tag) =	ssettag s2;
	_ =	strace s9  }
0x27: {  	s1 =	sld [smem:$0x3FAF]  }
0x28: {  	s2 =	sld [smem:$0x3FB0]  }
0x29: {  	s4 =	sld [smem:$0x3FB2]  }
0x2a: {  	p0 =	seq.s32 s5, $0x0;
	s5 =	sld [smem:$0x3FB3]  }
0x2b: {  	s6 =	sld [smem:$0x3FB4]  }
0x2c: {  	s7 =	sld [smem:$0x3FB5]  }
0x2d: {  	s3 =	simm.s32 $0x108;
	s8 =	sld [smem:$0x3FB6]  }
0x2e: {  	s3 =	simm.s32 @!p0 $0x1082;
	s9 =	sld [smem:$0x3FB7]  }
0x2f: {  	lr =	sadd.s32 s0, s3;
	s0 =	sld [smem:$0x3FAE]  }
0x30: {  	s3 =	sld [smem:$0x3FB1]  }
0x31: {  	[smem:$0x3FBA] =	sst s10  }
0x32: {  	s10 =	sld [smem:$0x3FB8];
	_ =	sdelay $0x3  }
0x33: {  	p0 =	seq.s32 s10, $0x1;
	s10 =	sld [smem:$0x3FBA];
	_ =	sdelay $0x3  }
0x34: {  	[smem:$0x3FBA] =	sst s10  }
0x35: {  	s10 =	sld [smem:$0x3FB9];
	_ =	sdelay $0x3  }
0x36: {  	p1 =	seq.s32 s10, $0x1;
	s10 =	sld [smem:$0x3FBA];
	_ =	sdelay $0x3  }
0x37: {  	[smem:$0x3FBA] =	sst s10  }
0x38: {  	s10 =	sld [smem:$0x3FBB]  }
0x39: {  	_ = 	snop;
	(pc) =	sbr.ind lr, $3  }
0x3a: {  	_ = 	snop  }
0x3b: {  	_ = 	snop  }
0x3c: {  	p2 =	seq.s32 s10, $0x1;
	s10 =	sld [smem:$0x3FBA]  }
0x3d: {  	_ =	shalt  }
0x3e: {  	_ =	shalt  }
0x3f: {  	_ =	shalt  }
0x40: {  	_ =	shalt  }
0x41: {  	_ =	shalt  }
0x42: {  	_ =	shalt  }
0x43: {  	_ =	shalt  }
0x44: {  	_ =	shalt  }
0x45: {  	_ =	shalt  }
0x46: {  	_ =	shalt  }
0x47: {  	_ =	shalt  }
0x48: {  	_ =	shalt  }
0x49: {  	_ =	shalt  }
0x4a: {  	_ =	shalt  }
0x4b: {  	_ =	shalt  }
0x4c: {  	_ =	shalt  }
0x4d: {  	_ =	shalt  }
0x4e: {  	_ =	shalt  }
0x4f: {  	_ =	shalt  }
0x50: {  	_ =	shalt  }
0x51: {  	_ =	shalt  }
0x52: {  	_ =	shalt  }
0x53: {  	_ =	shalt  }
0x54: {  	_ =	shalt  }
0x55: {  	_ =	shalt  }
0x56: {  	_ =	shalt  }
0x57: {  	_ =	shalt  }
0x58: {  	_ =	shalt  }
0x59: {  	_ =	shalt  }
0x5a: {  	_ =	shalt  }
0x5b: {  	_ =	shalt  }
0x5c: {  	_ =	shalt  }
0x5d: {  	_ =	shalt  }
0x5e: {  	_ =	shalt  }
0x5f: {  	_ =	shalt  }
0x60: {  	_ =	shalt  }
0x61: {  	_ =	shalt  }
0x62: {  	_ =	shalt  }
0x63: {  	_ =	shalt  }
0x64: {  	_ =	shalt  }
0x65: {  	_ =	shalt  }
0x66: {  	_ =	shalt  }
0x67: {  	_ =	shalt  }
0x68: {  	_ =	shalt  }
0x69: {  	_ =	shalt  }
0x6a: {  	_ =	shalt  }
0x6b: {  	_ =	shalt  }
0x6c: {  	_ =	shalt  }
0x6d: {  	_ =	shalt  }
0x6e: {  	_ =	shalt  }
0x6f: {  	_ =	shalt  }
0x70: {  	_ =	shalt  }
0x71: {  	_ =	shalt  }
0x72: {  	_ =	shalt  }
0x73: {  	_ =	shalt  }
0x74: {  	_ =	shalt  }
0x75: {  	_ =	shalt  }
0x76: {  	_ =	shalt  }
0x77: {  	_ =	shalt  }
0x78: {  	_ =	shalt  }
0x79: {  	_ =	shalt  }
0x7a: {  	_ =	shalt  }
0x7b: {  	_ =	shalt  }
0x7c: {  	_ =	shalt  }
0x7d: {  	_ =	shalt  }
0x7e: {  	_ =	shalt  }
0x7f: {  	_ =	shalt  }
0x80: {  	_ =	shalt  }
0x81: {  	_ =	shalt  }
0x82: {  	_ =	shalt  }
0x83: {  	_ =	shalt  }
0x84: {  	_ =	shalt  }
0x85: {  	_ =	shalt  }
0x86: {  	_ =	shalt  }
0x87: {  	_ =	shalt  }
.Lfunc_end0:
.L_simem_size_0:
called_computation.1_lowered:
.L_overlay_start_0:
0x88: {  	s2 =	sld [smem:$0x3FD9]  }
0x89: {  	s3 =	sld [smem:$0x3FFE];
	_ =	sdelay $0x1  }
0x8a: {  	s1 =	srdreg.scid  }
0x8b: {  	s0 =	sand.u32 $0x1, s1  }
0x8c: {  	s17 =	sshll.u32 s0, $0xA;
	s2 =	sadd.s32 s3, s2  }
0x8d: {  	s2 =	sadd.s32 s2, s17  }
0x8e: {  	[smem:$0x3FC6] =	sst s2  }
0x8f: {  	_ = 	snop  }
0x90: {  	s2 =	sld [smem:$0x3FD0];
	(tm) =	ssettm $0x1  }
0x91: {  	s18 =	sld [smem:$0x3FFB];
	_ =	sdelay $0x3  }
0x92: {  	_ =	strace s18  }
0x93: {  	s3 =	sld [smem:$0x3FFC];
	_ =	sdelay $0x3  }
0x94: {  	_ =	strace s3  }
0x95: {  	s3 =	sld [smem:$0x3FFD];
	_ =	sdelay $0x3  }
0x96: {  	_ =	strace s3  }
0x97: {  	_ =	strace $0x8FFFFFFF  }
0x98: {  	s19 =	sld [smem:$0x3FDB];
	_ =	sdelay $0x1  }
0x99: {  	s4 =	simm.s32 $_scs_section_size  }
0x9a: {  	s5 =	simm.s32 $_size__tile_overlayer_lowered;
	s6 =	simm.s32 $_tile_overlayer_lowered  }
0x9b: {  	s22 =	simm.s32 $0x1BFF;
	s21 =	sshll.u32 s6, $0x1;
	s3 =	sadd.s32 s4, s19  }
0x9c: {  	s7 =	simm.s32 $0x0;
	s20 =	sshll.u32 s5, $0x1;
	s5 =	sadd.s32 s21, s3  }
0x9d: {  	[timem:s7], [sflag:s22] =	dma.local [hbm:s5], s20  }
0x9e: {  	_ =	swait.ge [sflag:s22], s20  }
0x9f: {  	s4 =	ssub.s32 $0x0, s20;
	[sflag:s22] =	ssyncset.done $0x0  }
0xa0: {  	[sflag:s22] =	ssyncadd.s32 s4;
	_ =	sdelay $0x1  }
0xa1: {  	s23 =	simm.s32 $0x1B8B  }
0xa2: {  	_ =	swait.ge [sflag:s23], $0x1  }
0xa3: {  	[sflag:s23] =	ssyncset.done $0x0  }
0xa4: {  	s25 =	simm.s32 $0x1B8E;
	s24 =	sld [smem:$0x3FFE];
	[sflag:s23] =	ssyncadd.s32 $0xFFFFFFFF  }
0xa5: {  	s26 =	simm.s32 $execute0_lowered;
	[smem:$0x3FD2] =	sst s25  }
0xa6: {  	s5 =	sshll.u32 s26, $0x1;
	_ =	strace $0x80000049;
	[dreg:$0x1] =	wrdreg $0xFFFFFFFF  }
0xa7: {  	s28 =	simm.s32 $_size_execute0_lowered;
	s3 =	sadd.s32 s3, s5;
	[dreg:$0x0] =	wrdreg $0x0  }
0xa8: {  	s5 =	sshll.u32 s28, $0x1;
	[dreg:$0x2] =	wrdreg s3  }
0xa9: {  	[dreg:$0x3] =	wrdreg s5  }
0xaa: {  	[dreg:$0x4] =	wrdreg $0xC0  }
0xab: {  	_ =	task [dreg:s7], $0x5FFFF  }
0xac: {  	[dreg:$0x1] =	wrdreg $0xFFFFFFFF  }
0xad: {  	[dreg:$0x0] =	wrdreg $0x60  }
0xae: {  	[dreg:$0x2] =	wrdreg s24  }
0xaf: {  	[dreg:$0x3] =	wrdreg s2  }
0xb0: {  	[dreg:$0x4] =	wrdreg $0x9  }
0xb1: {  	_ =	task.clear_ibuf [dreg:s7], $0x5FFFF;
	_ =	strace $0x90000049  }
0xb2: {  	s29 =	simm.s32 $0x9;
	_ =	strace $0x8000004B  }
0xb3: {  	_ =	swait.ge [sflag:s29], $0x1  }
0xb4: {  	[sflag:s29] =	ssyncadd.s32 $0xFFFFFFFF  }
0xb5: {  	_ =	strace $0x9000004B  }
0xb6: {  	_ =	sfence  }
0xb7: {  	s30 =	sld [smem:$0x0];
	_ =	sdelay $0x2  }
0xb8: {  	s31 =	sshll.u32 s1, $0xD;
	s1 =	sshrl.u32 s1, $0x2  }
0xb9: {  	s3 =	sand.u32 $0x4000, s31;
	s1 =	sadd.s32 s1, s30  }
0xba: {  	s0 =	sor.u32 s3, s0;
	s1 =	sshll.u32 s1, $0x11  }
0xbb: {  	s0 =	sor.u32 s1, s0  }
0xbc: {  	s0 =	sadd.s32 $0x8F2B, s0  }
0xbd: {  	[sflag:s0] =	ssyncadd.remote.s32 $0x1  }
0xbe: {  	_ =	sfence.sel $0xFFFF  }
0xbf: {  	[dreg:$0x0] =	wrdreg $0xFFFFFFFF;
	(pc) =	sbr.abs _section_cstart, $3  }
0xc0: {  	[dreg:$0x1] =	wrdreg $0xFFFFFFFF  }
0xc1: {  	_ =	task.clear_ibuf [dreg:s7], $0x2FFFF;
	_ =	strace $0x9FFFFFFF  }
0xc2: {  	(tm) =	ssettm $0x7FFFFFFF  }
0xc3: {  	_ =	shalt  }
tec
execute0_lowered:
.L_overlay_start_1:
0x0: {  	(tag) =	ssettag $0x1  }
0x1: {  	v0 =	vlaneseq.u32  }
0x2: {  	v0 =	vmul.u32 $0x88, v0  }
0x3: {  	s4 =	rddreg [dreg:$0x0]  }
0x4: {  	s2 =	rddreg [dreg:$0x1];
	v1 =	vadd.s32 $0x880, v0  }
0x5: {  	s3 =	srdreg.scid;
	s1 =	stileid.u32;
	s11 =	simm.s32 $0x200;
	v2 =	vor.u32 $0x1, v0;
	v3 =	vadd.s32 $0x881, v0;
	v4 =	vor.u32 $0x2, v0  }
0x6: {  	s12 =	simm.s32 $0x4000;
	s13 =	simm.s32 $0x3;
	s14 =	simm.s32 $0x1;
	v5 =	vadd.s32 $0x882, v0;
	v6 =	vor.u32 $0x3, v0;
	v7 =	vadd.s32 $0x883, v0  }
0x7: {  	s15 =	simm.s32 $0x2;
	s16 =	simm.s32 $0x0;
	s6 =	sand.u32 $0x1, s3;
	v8 =	vor.u32 $0x4, v0;
	v9 =	vadd.s32 $0x884, v0;
	v10 =	vor.u32 $0x5, v0  }
0x8: {  	s3 =	simm.s32 $0x0;
	s5 =	sshll.u32 s1, $0x7;
	s31 =	sshll.u32 s1, $0xA;
	v11 =	vadd.s32 $0x885, v0;
	v12 =	vor.u32 $0x6, v0;
	v13 =	vadd.s32 $0x886, v0  }
0x9: {  	s7 =	sshll.u32 s6, $0x6;
	[smem:$0x7FF] =	sst s3;
	s30 =	ssub.s32 $0x2, s6;
	v14 =	vor.u32 $0x7, v0;
	v15 =	vadd.s32 $0x887, v0;
	v16 =	vadd.s32 $0x8, v0  }
.Ltmp0:
0xa: {  	s10 =	sshll.u32 s6, $0x9;
	s6 =	sadd.s32 $0x4000, s2;
	v17 =	vadd.s32 $0x888, v0;
	v18 =	vadd.s32 $0x9, v0;
	v19 =	vadd.s32 $0x889, v0;
	(pc) =	sbr.rel .LBB2_1-.Ltmp0, $4  }
0xb: {  	s5 =	sor.u32 s7, s5;
	_ =	strace $0x8000004A;
	s8 =	sshrl.u32 s30, $0x1;
	v20 =	vadd.s32 $0xA, v0;
	v21 =	vadd.s32 $0x88A, v0;
	v22 =	vadd.s32 $0xB, v0  }
0xc: {  	s7 =	sadd.s32 $0x8000, s2;
	s10 =	sor.u32 s10, s31;
	v23 =	vadd.s32 $0x88B, v0;
	v24 =	vadd.s32 $0xC, v0;
	v25 =	vadd.s32 $0x88C, v0;
	s5 =	sadd.s32 s5, s4  }
0xd: {  	v26 =	vadd.s32 $0xD, v0;
	v27 =	vadd.s32 $0x88D, v0;
	v28 =	vadd.s32 $0xE, v0;
	s4 =	sadd.s32 $0xF5BE00, s4;
	s9 =	ssub.s32 s30, s8;
	s8 =	sadd.s32 $0xC000, s2  }
0xe: {  	v29 =	vadd.s32 $0x88E, v0;
	v30 =	vadd.s32 $0xF, v0;
	v31 =	vadd.s32 $0x88F, v0;
	s10 =	sor.u32 $0xFFFF0000, s10;
	s5 =	sadd.s32 $0xF42E00, s5;
	s9 =	smax.u32 s9, $0x1  }
.LBB2_17:
0xf: {  	_ =	swait.ge [sflag:s15], $0x400  }
0x10: {  	[sflag:s15] =	ssyncset.done $0x0  }
0x11: {  	[sflag:s15] =	ssyncadd.s32 $0xFFFFFC00  }
0x12: {  	_ =	swait.ge [sflag:s15], $0x400  }
0x13: {  	[sflag:s15] =	ssyncset.done $0x0  }
0x14: {  	[sflag:s15] =	ssyncadd.s32 $0xFFFFFC00  }
0x15: {  	_ =	swait.ge [sflag:s15], $0x400  }
0x16: {  	[sflag:s15] =	ssyncset.done $0x0  }
0x17: {  	[sflag:s15] =	ssyncadd.s32 $0xFFFFFC00  }
0x18: {  	_ =	swait.ge [sflag:s15], $0x400  }
0x19: {  	[sflag:s15] =	ssyncset.done $0x0  }
0x1a: {  	[sflag:s15] =	ssyncadd.s32 $0xFFFFFC00  }
0x1b: {  	_ =	swait.ge [sflag:s15], $0x400  }
0x1c: {  	[sflag:s15] =	ssyncset.done $0x0  }
0x1d: {  	[sflag:s15] =	ssyncadd.s32 $0xFFFFFC00  }
0x1e: {  	_ =	swait.ge [sflag:s15], $0x400  }
0x1f: {  	[sflag:s15] =	ssyncset.done $0x0  }
0x20: {  	[sflag:s15] =	ssyncadd.s32 $0xFFFFFC00  }
0x21: {  	_ =	swait.ge [sflag:s15], $0x400  }
0x22: {  	[sflag:s15] =	ssyncset.done $0x0  }
0x23: {  	[sflag:s15] =	ssyncadd.s32 $0xFFFFFC00  }
0x24: {  	_ =	swait.ge [sflag:s15], $0x400  }
0x25: {  	[sflag:s15] =	ssyncset.done $0x0  }
0x26: {  	[sflag:s15] =	ssyncadd.s32 $0xFFFFFC00  }
0x27: {  	_ =	swait.ge [sflag:s15], $0x400  }
0x28: {  	[sflag:s15] =	ssyncset.done $0x0  }
0x29: {  	[sflag:s15] =	ssyncadd.s32 $0xFFFFFC00  }
0x2a: {  	_ =	swait.ge [sflag:s15], $0x400  }
0x2b: {  	[sflag:s15] =	ssyncset.done $0x0  }
0x2c: {  	[sflag:s15] =	ssyncadd.s32 $0xFFFFFC00  }
0x2d: {  	_ =	swait.ge [sflag:s15], $0x400  }
0x2e: {  	[sflag:s15] =	ssyncset.done $0x0  }
0x2f: {  	[sflag:s15] =	ssyncadd.s32 $0xFFFFFC00  }
0x30: {  	_ =	swait.ge [sflag:s15], $0x400  }
0x31: {  	[sflag:s15] =	ssyncset.done $0x0  }
0x32: {  	[sflag:s15] =	ssyncadd.s32 $0xFFFFFC00  }
0x33: {  	_ =	swait.ge [sflag:s15], $0x400  }
0x34: {  	[sflag:s15] =	ssyncset.done $0x0  }
0x35: {  	[sflag:s15] =	ssyncadd.s32 $0xFFFFFC00  }
0x36: {  	_ =	swait.ge [sflag:s15], $0x400  }
0x37: {  	[sflag:s15] =	ssyncset.done $0x0  }
0x38: {  	[sflag:s15] =	ssyncadd.s32 $0xFFFFFC00  }
0x39: {  	_ =	swait.ge [sflag:s15], $0x400  }
0x3a: {  	[sflag:s15] =	ssyncset.done $0x0  }
0x3b: {  	[sflag:s15] =	ssyncadd.s32 $0xFFFFFC00  }
0x3c: {  	_ =	swait.ge [sflag:s15], $0x400  }
0x3d: {  	[sflag:s15] =	ssyncset.done $0x0  }
0x3e: {  	[sflag:s15] =	ssyncadd.s32 $0xFFFFFC00  }
0x3f: {  	_ =	swait.ge [sflag:s15], $0x400  }
0x40: {  	[sflag:s15] =	ssyncset.done $0x0  }
0x41: {  	[sflag:s15] =	ssyncadd.s32 $0xFFFFFC00  }
0x42: {  	_ =	swait.ge [sflag:s15], $0x400  }
0x43: {  	[sflag:s15] =	ssyncset.done $0x0  }
0x44: {  	[sflag:s15] =	ssyncadd.s32 $0xFFFFFC00  }
0x45: {  	_ =	swait.ge [sflag:s15], $0x400  }
0x46: {  	[sflag:s15] =	ssyncset.done $0x0  }
0x47: {  	[sflag:s15] =	ssyncadd.s32 $0xFFFFFC00  }
0x48: {  	_ =	swait.ge [sflag:s15], $0x400  }
0x49: {  	[sflag:s15] =	ssyncset.done $0x0  }
0x4a: {  	[sflag:s15] =	ssyncadd.s32 $0xFFFFFC00  }
0x4b: {  	_ =	swait.ge [sflag:s15], $0x400  }
0x4c: {  	[sflag:s15] =	ssyncset.done $0x0  }
0x4d: {  	[sflag:s15] =	ssyncadd.s32 $0xFFFFFC00  }
0x4e: {  	_ =	swait.ge [sflag:s15], $0x400  }
0x4f: {  	[sflag:s15] =	ssyncset.done $0x0  }
0x50: {  	[sflag:s15] =	ssyncadd.s32 $0xFFFFFC00  }
0x51: {  	_ =	swait.ge [sflag:s15], $0x400  }
0x52: {  	[sflag:s15] =	ssyncset.done $0x0  }
0x53: {  	[sflag:s15] =	ssyncadd.s32 $0xFFFFFC00  }
0x54: {  	_ =	swait.ge [sflag:s15], $0x400  }
0x55: {  	[sflag:s15] =	ssyncset.done $0x0  }
0x56: {  	[sflag:s15] =	ssyncadd.s32 $0xFFFFFC00  }
0x57: {  	_ =	swait.ge [sflag:s15], $0x400  }
0x58: {  	[sflag:s15] =	ssyncset.done $0x0  }
0x59: {  	[sflag:s15] =	ssyncadd.s32 $0xFFFFFC00  }
0x5a: {  	_ =	swait.ge [sflag:s15], $0x400  }
0x5b: {  	[sflag:s15] =	ssyncset.done $0x0  }
0x5c: {  	[sflag:s15] =	ssyncadd.s32 $0xFFFFFC00  }
0x5d: {  	_ =	swait.ge [sflag:s15], $0x400  }
0x5e: {  	[sflag:s15] =	ssyncset.done $0x0  }
0x5f: {  	[sflag:s15] =	ssyncadd.s32 $0xFFFFFC00  }
0x60: {  	_ =	swait.ge [sflag:s15], $0x400  }
0x61: {  	[sflag:s15] =	ssyncset.done $0x0  }
0x62: {  	[sflag:s15] =	ssyncadd.s32 $0xFFFFFC00  }
0x63: {  	_ =	swait.ge [sflag:s15], $0x400  }
0x64: {  	[sflag:s15] =	ssyncset.done $0x0  }
0x65: {  	[sflag:s15] =	ssyncadd.s32 $0xFFFFFC00  }
0x66: {  	_ =	swait.ge [sflag:s15], $0x400  }
0x67: {  	[sflag:s15] =	ssyncset.done $0x0  }
0x68: {  	s16 =	sadd.s32 $0x1, s16;
	[sflag:s15] =	ssyncadd.s32 $0xFFFFFC00  }
0x69: {  	p0 =	sne.s32 s16, s9;
	_ =	swait.ge [sflag:s15], $0x400  }
.Ltmp1:
0x6a: {  	[sflag:s15] =	ssyncset.done $0x0;
	(pc) =	sbr.rel @!p0 .LBB2_18-.Ltmp1, $4  }
0x6b: {  	[sflag:s15] =	ssyncadd.s32 $0xFFFFFC00  }
0x6c: {  	_ =	swait.ge [sflag:s15], $0x400  }
0x6d: {  	[sflag:s15] =	ssyncset.done $0x0  }
0x6e: {  	[sflag:s15] =	ssyncadd.s32 $0xFFFFFC00  }
.LBB2_1:
.Ltmp2:
0x6f: {  	(pc) =	sbr.rel .LBB2_2-.Ltmp2, $4  }
0x70: {  	[tilespmem:s3], [sflag:$0x3] =	stream.strided.gather [hbm4b:s5+s11], $0x6400, s12, s11, $0x38;
	[tilespmem:$0x16C00] =	vst v63  }
0x71: {  	_ =	swait.ge [sflag:s13], $0x6400  }
0x72: {  	p0 =	por $0x1, $0x1;
	[sflag:s13] =	ssyncset.done $0x0  }
0x73: {  	s17 =	smov.u32 s10;
	s18 =	simm.s32 $0x0;
	[sflag:s13] =	ssyncadd.s32 $0xFFFF9C00  }
.LBB2_16:
0x74: {  	s18 =	sadd.s32 $0x1, s18  }
0x75: {  	p1 =	sne.s32 s18, $0x33  }
.Ltmp3:
0x76: {  	_ = 	snop;
	(pc) =	sbr.rel @!p1 .LBB2_17-.Ltmp3, $2  }
0x77: {  	_ =	sdelay $0x2  }
0x78: {  	p0 =	por !p0, !p0;
	s17 =	sadd.s32 $0x10000, s17  }
.LBB2_2:
0x79: {  	p1 =	seq.s32 s18, $0x32  }
0x7a: {  	s19 =	sshll.u32 @!p1 s18, $0xE  }
0x7b: {  	s20 =	sshll.u32 @!p1 s18, $0x9;
	s19 =	sand.u32 @!p1 $0x4000, s19  }
0x7c: {  	s22 =	simm.s32 @!p1 $0x80;
	s20 =	sand.u32 @!p1 $0x3FFFFE00, s20;
	s21 =	sadd.s32 @!p1 $0x6400, s19  }
0x7d: {  	[tilespmem:s21], [sflag:$0x1] =	stream.indirect.gather @!p1 [hbm4b:s4+s22], $0x20, s20, s22, $0xb8;
	[tilespmem:$0x16C00] =	vst v63  }
0x7e: {  	s23 =	sor.u32 @!p1 $0x80, s20;
	s21 =	sadd.s32 @!p1 $0x7400, s19  }
0x7f: {  	[tilespmem:s21], [sflag:$0x1] =	stream.indirect.gather @!p1 [hbm4b:s4+s22], $0x20, s23, s22, $0xb8;
	[tilespmem:$0x16C00] =	vst v63  }
0x80: {  	s21 =	sor.u32 @!p1 $0x8400, s19;
	s23 =	sor.u32 @!p1 $0x100, s20  }
0x81: {  	[tilespmem:s21], [sflag:$0x1] =	stream.indirect.gather @!p1 [hbm4b:s4+s22], $0x20, s23, s22, $0xb8;
	[tilespmem:$0x16C00] =	vst v63  }
0x82: {  	p2 =	seq.s32 @!p1 s18, $0x0;
	s19 =	sor.u32 @!p1 $0x9400, s19;
	s20 =	sor.u32 @!p1 $0x180, s20  }
0x83: {  	[tilespmem:s19], [sflag:$0x1] =	stream.indirect.gather @!p1 [hbm4b:s4+s22], $0x20, s20, s22, $0xb8;
	[tilespmem:$0x16C00] =	vst v63  }
0x84: {  	p1 =	por p1, !p2  }
.Ltmp4:
0x85: {  	_ = 	snop;
	(pc) =	sbr.rel @!p1 .LBB2_16-.Ltmp4, $1  }
0x86: {  	_ =	sdelay $0x3  }
0x87: {  	_ =	swait.ge [sflag:s14], $0x1000  }
0x88: {  	[sflag:s14] =	ssyncset.done $0x0  }
0x89: {  	[sflag:s14] =	ssyncadd.s32 $0xFFFFF000  }
0x8a: {  	_ =	swait.ge [sflag:s14], $0x1000  }
0x8b: {  	[sflag:s14] =	ssyncset.done $0x0  }
0x8c: {  	[sflag:s14] =	ssyncadd.s32 $0xFFFFF000  }
0x8d: {  	_ =	swait.ge [sflag:s14], $0x1000  }
0x8e: {  	[sflag:s14] =	ssyncset.done $0x0  }
0x8f: {  	[sflag:s14] =	ssyncadd.s32 $0xFFFFF000  }
0x90: {  	_ =	swait.ge [sflag:s14], $0x1000  }
0x91: {  	p1 =	slt.u32 s18, $0x3;
	[sflag:s14] =	ssyncset.done $0x0  }
0x92: {  	s21 =	simm.s32 @!p1 $0x2;
	[sflag:s14] =	ssyncadd.s32 $0xFFFFF000  }
0x93: {  	_ =	swait.ge @!p1 [sflag:s21], $0x400  }
0x94: {  	[sflag:s21] =	ssyncset.done @!p1 $0x0  }
0x95: {  	[sflag:s21] =	ssyncadd.s32 @!p1 $0xFFFFFC00  }
0x96: {  	_ =	swait.ge @!p1 [sflag:s21], $0x400  }
0x97: {  	[sflag:s21] =	ssyncset.done @!p1 $0x0  }
0x98: {  	[sflag:s21] =	ssyncadd.s32 @!p1 $0xFFFFFC00  }
0x99: {  	_ =	swait.ge @!p1 [sflag:s21], $0x400  }
0x9a: {  	[sflag:s21] =	ssyncset.done @!p1 $0x0  }
0x9b: {  	[sflag:s21] =	ssyncadd.s32 @!p1 $0xFFFFFC00  }
0x9c: {  	_ =	swait.ge @!p1 [sflag:s21], $0x400  }
0x9d: {  	[sflag:s21] =	ssyncset.done @!p1 $0x0  }
0x9e: {  	[sflag:s21] =	ssyncadd.s32 @!p1 $0xFFFFFC00  }
0x9f: {  	_ =	swait.ge @!p1 [sflag:s21], $0x400  }
0xa0: {  	[sflag:s21] =	ssyncset.done @!p1 $0x0  }
0xa1: {  	[sflag:s21] =	ssyncadd.s32 @!p1 $0xFFFFFC00  }
0xa2: {  	_ =	swait.ge @!p1 [sflag:s21], $0x400  }
0xa3: {  	[sflag:s21] =	ssyncset.done @!p1 $0x0  }
0xa4: {  	[sflag:s21] =	ssyncadd.s32 @!p1 $0xFFFFFC00  }
0xa5: {  	_ =	swait.ge @!p1 [sflag:s21], $0x400  }
0xa6: {  	[sflag:s21] =	ssyncset.done @!p1 $0x0  }
0xa7: {  	[sflag:s21] =	ssyncadd.s32 @!p1 $0xFFFFFC00  }
0xa8: {  	_ =	swait.ge @!p1 [sflag:s21], $0x400  }
0xa9: {  	[sflag:s21] =	ssyncset.done @!p1 $0x0  }
0xaa: {  	[sflag:s21] =	ssyncadd.s32 @!p1 $0xFFFFFC00  }
0xab: {  	_ =	swait.ge @!p1 [sflag:s21], $0x400  }
0xac: {  	[sflag:s21] =	ssyncset.done @!p1 $0x0  }
0xad: {  	[sflag:s21] =	ssyncadd.s32 @!p1 $0xFFFFFC00  }
0xae: {  	_ =	swait.ge @!p1 [sflag:s21], $0x400  }
0xaf: {  	[sflag:s21] =	ssyncset.done @!p1 $0x0  }
0xb0: {  	[sflag:s21] =	ssyncadd.s32 @!p1 $0xFFFFFC00  }
0xb1: {  	_ =	swait.ge @!p1 [sflag:s21], $0x400  }
0xb2: {  	[sflag:s21] =	ssyncset.done @!p1 $0x0  }
0xb3: {  	[sflag:s21] =	ssyncadd.s32 @!p1 $0xFFFFFC00  }
0xb4: {  	_ =	swait.ge @!p1 [sflag:s21], $0x400  }
0xb5: {  	[sflag:s21] =	ssyncset.done @!p1 $0x0  }
0xb6: {  	[sflag:s21] =	ssyncadd.s32 @!p1 $0xFFFFFC00  }
0xb7: {  	_ =	swait.ge @!p1 [sflag:s21], $0x400  }
0xb8: {  	[sflag:s21] =	ssyncset.done @!p1 $0x0  }
0xb9: {  	[sflag:s21] =	ssyncadd.s32 @!p1 $0xFFFFFC00  }
0xba: {  	_ =	swait.ge @!p1 [sflag:s21], $0x400  }
0xbb: {  	[sflag:s21] =	ssyncset.done @!p1 $0x0  }
0xbc: {  	s20 =	simm.s32 $0x1;
	s22 =	sadd.s32 $0xFFFFFFFF, s18;
	[sflag:s21] =	ssyncadd.s32 @!p1 $0xFFFFFC00  }
0xbd: {  	s23 =	simm.s32 $0x0;
	s20 =	simm.s32 @!p0 $0x0;
	_ =	swait.ge @!p1 [sflag:s21], $0x400  }
0xbe: {  	s22 =	sand.u32 $0x1, s22;
	s19 =	smul.u32 $0x11000, s20;
	[sflag:s21] =	ssyncset.done @!p1 $0x0  }
0xbf: {  	s22 =	smul.u32 $0x11000, s22;
	s20 =	sshll.u32 s20, $0xE;
	[sflag:s21] =	ssyncadd.s32 @!p1 $0xFFFFFC00  }
0xc0: {  	s20 =	sadd.s32 $0x6500, s20;
	s19 =	sshrl.u32 s19, $0x2;
	_ =	swait.ge @!p1 [sflag:s21], $0x400  }
0xc1: {  	s31 =	sshrl.u32 s22, $0x2;
	s22 =	simm.s32 $0x0;
	[sflag:s21] =	ssyncset.done @!p1 $0x0  }
0xc2: {  	s19 =	sadd.s32 $0xE400, s19;
	[sflag:s21] =	ssyncadd.s32 @!p1 $0xFFFFFC00;
	s21 =	sadd.s32 $0xE400, s31  }
.LBB2_4:
0xc3: {  	v32 =	vld [tilespmem:s20+$0xFFFFFF00];
	v33 =	vadd.s32 s22, v0  }
0xc4: {  	s24 =	smul.u32 $0x4400, s23;
	v34 =	vld [tilespmem:s20+$0xFFFFFF10];
	v35 =	vadd.s32 s22, v1;
	_ =	sdelay $0x1  }
0xc5: {  	s24 =	sshra.s32 s24, $0x2  }
0xc6: {  	s24 =	sadd.s32 s24, s21  }
0xc7: {  	[tilespmem:v33+s24+$0x0] =	vst.idx.msk $0xffff, v32  }
0xc8: {  	[tilespmem:v35+s24+$0x0] =	vst.idx.msk $0xffff, v34  }
0xc9: {  	v63 =	vadd.s32 s22, v2;
	v32 =	vld [tilespmem:s20+$0xFFFFFF20]  }
0xca: {  	v36 =	vadd.s32 s22, v3;
	v34 =	vld [tilespmem:s20+$0xFFFFFF30];
	_ =	sdelay $0x3  }
0xcb: {  	[tilespmem:v63+s24+$0x0] =	vst.idx.msk $0xffff, v32  }
0xcc: {  	[tilespmem:v36+s24+$0x0] =	vst.idx.msk $0xffff, v34  }
0xcd: {  	v37 =	vadd.s32 s22, v4;
	v32 =	vld [tilespmem:s20+$0xFFFFFF40]  }
0xce: {  	v38 =	vadd.s32 s22, v5;
	v34 =	vld [tilespmem:s20+$0xFFFFFF50];
	_ =	sdelay $0x3  }
0xcf: {  	[tilespmem:v37+s24+$0x0] =	vst.idx.msk $0xffff, v32  }
0xd0: {  	[tilespmem:v38+s24+$0x0] =	vst.idx.msk $0xffff, v34  }
0xd1: {  	v39 =	vadd.s32 s22, v6;
	v32 =	vld [tilespmem:s20+$0xFFFFFF60]  }
0xd2: {  	v40 =	vadd.s32 s22, v7;
	v34 =	vld [tilespmem:s20+$0xFFFFFF70];
	_ =	sdelay $0x3  }
0xd3: {  	[tilespmem:v39+s24+$0x0] =	vst.idx.msk $0xffff, v32  }
0xd4: {  	[tilespmem:v40+s24+$0x0] =	vst.idx.msk $0xffff, v34  }
0xd5: {  	v41 =	vadd.s32 s22, v8;
	v32 =	vld [tilespmem:s20+$0xFFFFFF80]  }
0xd6: {  	v42 =	vadd.s32 s22, v9;
	v34 =	vld [tilespmem:s20+$0xFFFFFF90];
	_ =	sdelay $0x3  }
0xd7: {  	[tilespmem:v41+s24+$0x0] =	vst.idx.msk $0xffff, v32  }
0xd8: {  	[tilespmem:v42+s24+$0x0] =	vst.idx.msk $0xffff, v34  }
0xd9: {  	v43 =	vadd.s32 s22, v10;
	v32 =	vld [tilespmem:s20+$0xFFFFFFA0]  }
0xda: {  	v44 =	vadd.s32 s22, v11;
	v34 =	vld [tilespmem:s20+$0xFFFFFFB0];
	_ =	sdelay $0x3  }
0xdb: {  	[tilespmem:v43+s24+$0x0] =	vst.idx.msk $0xffff, v32  }
0xdc: {  	[tilespmem:v44+s24+$0x0] =	vst.idx.msk $0xffff, v34  }
0xdd: {  	v45 =	vadd.s32 s22, v12;
	v32 =	vld [tilespmem:s20+$0xFFFFFFC0]  }
0xde: {  	v46 =	vadd.s32 s22, v13;
	v34 =	vld [tilespmem:s20+$0xFFFFFFD0];
	_ =	sdelay $0x3  }
0xdf: {  	[tilespmem:v45+s24+$0x0] =	vst.idx.msk $0xffff, v32  }
0xe0: {  	[tilespmem:v46+s24+$0x0] =	vst.idx.msk $0xffff, v34  }
0xe1: {  	v47 =	vadd.s32 s22, v14;
	v32 =	vld [tilespmem:s20+$0xFFFFFFE0]  }
0xe2: {  	v48 =	vadd.s32 s22, v15;
	v34 =	vld [tilespmem:s20+$0xFFFFFFF0];
	_ =	sdelay $0x3  }
0xe3: {  	[tilespmem:v47+s24+$0x0] =	vst.idx.msk $0xffff, v32  }
0xe4: {  	[tilespmem:v48+s24+$0x0] =	vst.idx.msk $0xffff, v34  }
0xe5: {  	v49 =	vadd.s32 s22, v16;
	v32 =	vld [tilespmem:s20+$0x0]  }
0xe6: {  	v50 =	vadd.s32 s22, v17;
	v34 =	vld [tilespmem:s20+$0x10];
	_ =	sdelay $0x3  }
0xe7: {  	[tilespmem:v49+s24+$0x0] =	vst.idx.msk $0xffff, v32  }
0xe8: {  	[tilespmem:v50+s24+$0x0] =	vst.idx.msk $0xffff, v34  }
0xe9: {  	v51 =	vadd.s32 s22, v18;
	v32 =	vld [tilespmem:s20+$0x20]  }
0xea: {  	v52 =	vadd.s32 s22, v19;
	v34 =	vld [tilespmem:s20+$0x30];
	_ =	sdelay $0x3  }
0xeb: {  	[tilespmem:v51+s24+$0x0] =	vst.idx.msk $0xffff, v32  }
0xec: {  	[tilespmem:v52+s24+$0x0] =	vst.idx.msk $0xffff, v34  }
0xed: {  	v53 =	vadd.s32 s22, v20;
	v32 =	vld [tilespmem:s20+$0x40]  }
0xee: {  	v54 =	vadd.s32 s22, v21;
	v34 =	vld [tilespmem:s20+$0x50];
	_ =	sdelay $0x3  }
0xef: {  	[tilespmem:v53+s24+$0x0] =	vst.idx.msk $0xffff, v32  }
0xf0: {  	[tilespmem:v54+s24+$0x0] =	vst.idx.msk $0xffff, v34  }
0xf1: {  	v55 =	vadd.s32 s22, v22;
	v32 =	vld [tilespmem:s20+$0x60]  }
0xf2: {  	v56 =	vadd.s32 s22, v23;
	v34 =	vld [tilespmem:s20+$0x70];
	_ =	sdelay $0x3  }
0xf3: {  	[tilespmem:v55+s24+$0x0] =	vst.idx.msk $0xffff, v32  }
0xf4: {  	[tilespmem:v56+s24+$0x0] =	vst.idx.msk $0xffff, v34  }
0xf5: {  	v57 =	vadd.s32 s22, v24;
	v32 =	vld [tilespmem:s20+$0x80]  }
0xf6: {  	v58 =	vadd.s32 s22, v25;
	v34 =	vld [tilespmem:s20+$0x90];
	_ =	sdelay $0x3  }
0xf7: {  	[tilespmem:v57+s24+$0x0] =	vst.idx.msk $0xffff, v32  }
0xf8: {  	[tilespmem:v58+s24+$0x0] =	vst.idx.msk $0xffff, v34  }
0xf9: {  	v59 =	vadd.s32 s22, v26;
	v32 =	vld [tilespmem:s20+$0xA0]  }
0xfa: {  	v60 =	vadd.s32 s22, v27;
	v34 =	vld [tilespmem:s20+$0xB0];
	_ =	sdelay $0x3  }
0xfb: {  	[tilespmem:v59+s24+$0x0] =	vst.idx.msk $0xffff, v32  }
0xfc: {  	[tilespmem:v60+s24+$0x0] =	vst.idx.msk $0xffff, v34  }
0xfd: {  	v61 =	vadd.s32 s22, v28;
	v32 =	vld [tilespmem:s20+$0xC0]  }
0xfe: {  	v62 =	vadd.s32 s22, v29;
	v34 =	vld [tilespmem:s20+$0xD0];
	_ =	sdelay $0x3  }
0xff: {  	[tilespmem:v61+s24+$0x0] =	vst.idx.msk $0xffff, v32  }
0x100: {  	[tilespmem:v62+s24+$0x0] =	vst.idx.msk $0xffff, v34  }
0x101: {  	v63 =	vadd.s32 s22, v30;
	v34 =	vld [tilespmem:s20+$0xE0];
	_ =	sdelay $0x1  }
0x102: {  	v33 =	vadd.s32 s22, v31;
	v32 =	vld [tilespmem:s20+$0xF0];
	_ =	sdelay $0x2  }
0x103: {  	s25 =	simm.s32 $0x10;
	s26 =	smov.u32 s20;
	[tilespmem:v63+s24+$0x0] =	vst.idx.msk $0xffff, v34  }
.LBB2_5:
0x104: {  	p1 =	sne.s32 s25, $0x70  }
0x105: {  	[tilespmem:v33+s24+$0x0] =	vst.idx.msk $0xffff, v32;
	s26 =	sadd.s32 $0x200, s26;
	s28 =	smov.u32 s25;
	s25 =	sadd.s32 $0x10, s25  }
0x106: {  	v32 =	vld [tilespmem:s26+$0xFFFFFF00];
	v33 =	vadd.s32 s28, v0  }
0x107: {  	v35 =	vadd.s32 s28, v1;
	v34 =	vld [tilespmem:s26+$0xFFFFFF10];
	_ =	sdelay $0x3  }
0x108: {  	[tilespmem:v33+s24+$0x0] =	vst.idx.msk $0xffff, v32  }
0x109: {  	[tilespmem:v35+s24+$0x0] =	vst.idx.msk $0xffff, v34  }
0x10a: {  	v33 =	vadd.s32 s28, v2;
	v32 =	vld [tilespmem:s26+$0xFFFFFF20]  }
0x10b: {  	v35 =	vadd.s32 s28, v3;
	v34 =	vld [tilespmem:s26+$0xFFFFFF30];
	_ =	sdelay $0x3  }
0x10c: {  	[tilespmem:v33+s24+$0x0] =	vst.idx.msk $0xffff, v32  }
0x10d: {  	[tilespmem:v35+s24+$0x0] =	vst.idx.msk $0xffff, v34  }
0x10e: {  	v33 =	vadd.s32 s28, v4;
	v32 =	vld [tilespmem:s26+$0xFFFFFF40]  }
0x10f: {  	v35 =	vadd.s32 s28, v5;
	v34 =	vld [tilespmem:s26+$0xFFFFFF50];
	_ =	sdelay $0x3  }
0x110: {  	[tilespmem:v33+s24+$0x0] =	vst.idx.msk $0xffff, v32  }
0x111: {  	[tilespmem:v35+s24+$0x0] =	vst.idx.msk $0xffff, v34  }
0x112: {  	v33 =	vadd.s32 s28, v6;
	v32 =	vld [tilespmem:s26+$0xFFFFFF60]  }
0x113: {  	v35 =	vadd.s32 s28, v7;
	v34 =	vld [tilespmem:s26+$0xFFFFFF70];
	_ =	sdelay $0x3  }
0x114: {  	[tilespmem:v33+s24+$0x0] =	vst.idx.msk $0xffff, v32  }
0x115: {  	[tilespmem:v35+s24+$0x0] =	vst.idx.msk $0xffff, v34  }
0x116: {  	v33 =	vadd.s32 s28, v8;
	v32 =	vld [tilespmem:s26+$0xFFFFFF80]  }
0x117: {  	v35 =	vadd.s32 s28, v9;
	v34 =	vld [tilespmem:s26+$0xFFFFFF90];
	_ =	sdelay $0x3  }
0x118: {  	[tilespmem:v33+s24+$0x0] =	vst.idx.msk $0xffff, v32  }
0x119: {  	[tilespmem:v35+s24+$0x0] =	vst.idx.msk $0xffff, v34  }
0x11a: {  	v33 =	vadd.s32 s28, v10;
	v32 =	vld [tilespmem:s26+$0xFFFFFFA0]  }
0x11b: {  	v35 =	vadd.s32 s28, v11;
	v34 =	vld [tilespmem:s26+$0xFFFFFFB0];
	_ =	sdelay $0x3  }
0x11c: {  	[tilespmem:v33+s24+$0x0] =	vst.idx.msk $0xffff, v32  }
0x11d: {  	[tilespmem:v35+s24+$0x0] =	vst.idx.msk $0xffff, v34  }
0x11e: {  	v33 =	vadd.s32 s28, v12;
	v32 =	vld [tilespmem:s26+$0xFFFFFFC0]  }
0x11f: {  	v35 =	vadd.s32 s28, v13;
	v34 =	vld [tilespmem:s26+$0xFFFFFFD0];
	_ =	sdelay $0x3  }
0x120: {  	[tilespmem:v33+s24+$0x0] =	vst.idx.msk $0xffff, v32  }
0x121: {  	[tilespmem:v35+s24+$0x0] =	vst.idx.msk $0xffff, v34  }
0x122: {  	v33 =	vadd.s32 s28, v14;
	v32 =	vld [tilespmem:s26+$0xFFFFFFE0]  }
0x123: {  	v35 =	vadd.s32 s28, v15;
	v34 =	vld [tilespmem:s26+$0xFFFFFFF0];
	_ =	sdelay $0x3  }
0x124: {  	[tilespmem:v33+s24+$0x0] =	vst.idx.msk $0xffff, v32  }
0x125: {  	[tilespmem:v35+s24+$0x0] =	vst.idx.msk $0xffff, v34  }
0x126: {  	v33 =	vadd.s32 s28, v16;
	v32 =	vld [tilespmem:s26+$0x0]  }
0x127: {  	v35 =	vadd.s32 s28, v17;
	v34 =	vld [tilespmem:s26+$0x10];
	_ =	sdelay $0x3  }
0x128: {  	[tilespmem:v33+s24+$0x0] =	vst.idx.msk $0xffff, v32  }
0x129: {  	[tilespmem:v35+s24+$0x0] =	vst.idx.msk $0xffff, v34  }
0x12a: {  	v33 =	vadd.s32 s28, v18;
	v32 =	vld [tilespmem:s26+$0x20]  }
0x12b: {  	v35 =	vadd.s32 s28, v19;
	v34 =	vld [tilespmem:s26+$0x30];
	_ =	sdelay $0x3  }
0x12c: {  	[tilespmem:v33+s24+$0x0] =	vst.idx.msk $0xffff, v32  }
0x12d: {  	[tilespmem:v35+s24+$0x0] =	vst.idx.msk $0xffff, v34  }
0x12e: {  	v33 =	vadd.s32 s28, v20;
	v32 =	vld [tilespmem:s26+$0x40]  }
0x12f: {  	v35 =	vadd.s32 s28, v21;
	v34 =	vld [tilespmem:s26+$0x50];
	_ =	sdelay $0x3  }
0x130: {  	[tilespmem:v33+s24+$0x0] =	vst.idx.msk $0xffff, v32  }
0x131: {  	[tilespmem:v35+s24+$0x0] =	vst.idx.msk $0xffff, v34  }
0x132: {  	v33 =	vadd.s32 s28, v22;
	v32 =	vld [tilespmem:s26+$0x60]  }
0x133: {  	v35 =	vadd.s32 s28, v23;
	v34 =	vld [tilespmem:s26+$0x70];
	_ =	sdelay $0x3  }
0x134: {  	[tilespmem:v33+s24+$0x0] =	vst.idx.msk $0xffff, v32  }
0x135: {  	[tilespmem:v35+s24+$0x0] =	vst.idx.msk $0xffff, v34  }
0x136: {  	v33 =	vadd.s32 s28, v24;
	v32 =	vld [tilespmem:s26+$0x80]  }
0x137: {  	v35 =	vadd.s32 s28, v25;
	v34 =	vld [tilespmem:s26+$0x90];
	_ =	sdelay $0x3  }
0x138: {  	[tilespmem:v33+s24+$0x0] =	vst.idx.msk $0xffff, v32  }
0x139: {  	[tilespmem:v35+s24+$0x0] =	vst.idx.msk $0xffff, v34  }
0x13a: {  	v33 =	vadd.s32 s28, v26;
	v32 =	vld [tilespmem:s26+$0xA0]  }
0x13b: {  	v35 =	vadd.s32 s28, v27;
	v34 =	vld [tilespmem:s26+$0xB0];
	_ =	sdelay $0x3  }
0x13c: {  	[tilespmem:v33+s24+$0x0] =	vst.idx.msk $0xffff, v32  }
0x13d: {  	[tilespmem:v35+s24+$0x0] =	vst.idx.msk $0xffff, v34  }
0x13e: {  	v33 =	vadd.s32 s28, v28;
	v32 =	vld [tilespmem:s26+$0xC0]  }
0x13f: {  	v35 =	vadd.s32 s28, v29;
	v34 =	vld [tilespmem:s26+$0xD0];
	_ =	sdelay $0x3  }
0x140: {  	[tilespmem:v33+s24+$0x0] =	vst.idx.msk $0xffff, v32  }
0x141: {  	[tilespmem:v35+s24+$0x0] =	vst.idx.msk $0xffff, v34  }
0x142: {  	v35 =	vadd.s32 s28, v30;
	v34 =	vld [tilespmem:s26+$0xE0]  }
.Ltmp5:
0x143: {  	v33 =	vadd.s32 s28, v31;
	v32 =	vld [tilespmem:s26+$0xF0];
	(pc) =	sbr.rel @p1 .LBB2_5-.Ltmp5, $2  }
0x144: {  	_ =	sdelay $0x2  }
0x145: {  	[tilespmem:v35+s24+$0x0] =	vst.idx.msk $0xffff, v34  }
0x146: {  	s23 =	sadd.s32 $0x1, s23  }
0x147: {  	p1 =	sne.s32 s23, $0x4  }
.Ltmp6:
0x148: {  	_ = 	snop;
	(pc) =	sbr.rel @p1 .LBB2_4-.Ltmp6, $2  }
0x149: {  	_ =	sdelay $0x2  }
0x14a: {  	[tilespmem:v33+s24+$0x0] =	vst.idx.msk $0xffff, v32;
	s20 =	sadd.s32 $0x1000, s20;
	s24 =	simm.s32 $0x0  }
0x14b: {  	s20 =	sand.u32 $0x1FFFFF80, s17  }
0x14c: {  	s22 =	sadd.s32 $0x0, s19;
	s29 =	sadd.s32 s2, s20  }
0x14d: {  	[hbm4b:s29+s24] =	stream.linear.scatter [tilespmem:s22], [sflag:$0x2], $0x80, $0x38;
	[tilespmem:$0x16C00] =	vst v63  }
0x14e: {  	s25 =	sadd.s32 $0x88, s22;
	s21 =	sadd.s32 $0x10, s29  }
0x14f: {  	[hbm4b:s21+s24] =	stream.linear.scatter [tilespmem:s25], [sflag:$0x2], $0x80, $0x38;
	[tilespmem:$0x16C00] =	vst v63  }
0x150: {  	s26 =	sadd.s32 $0x110, s22;
	s30 =	sadd.s32 $0x20, s29  }
0x151: {  	[hbm4b:s30+s24] =	stream.linear.scatter [tilespmem:s26], [sflag:$0x2], $0x80, $0x38;
	[tilespmem:$0x16C00] =	vst v63  }
0x152: {  	s31 =	sadd.s32 $0x198, s22;
	s23 =	sadd.s32 $0x220, s22;
	s0 =	sadd.s32 $0x30, s29  }
0x153: {  	[hbm4b:s0+s24] =	stream.linear.scatter [tilespmem:s31], [sflag:$0x2], $0x80, $0x38;
	[tilespmem:$0x16C00] =	vst v63  }
0x154: {  	s20 =	simm.s32 $0x1100;
	s28 =	sadd.s32 $0x3B8, s22;
	s25 =	sadd.s32 $0x40, s29  }
0x155: {  	[hbm4b:s25+s24] =	stream.linear.scatter [tilespmem:s23], [sflag:$0x2], $0x80, $0x38;
	[tilespmem:$0x16C00] =	vst v63  }
0x156: {  	s21 =	sadd.s32 $0x80, s17;
	s26 =	sadd.s32 $0x2A8, s22;
	s30 =	sadd.s32 $0x50, s29  }
0x157: {  	[hbm4b:s30+s24] =	stream.linear.scatter [tilespmem:s26], [sflag:$0x2], $0x80, $0x38;
	[tilespmem:$0x16C00] =	vst v63  }
0x158: {  	s31 =	sadd.s32 $0x330, s22;
	s23 =	sadd.s32 $0x60, s29;
	s25 =	sand.u32 $0x1FFFFF80, s21  }
0x159: {  	[hbm4b:s23+s24] =	stream.linear.scatter [tilespmem:s31], [sflag:$0x2], $0x80, $0x38;
	[tilespmem:$0x16C00] =	vst v63  }
0x15a: {  	s29 =	sadd.s32 $0x70, s29;
	s26 =	simm.s32 $0x8800;
	s23 =	sadd.s32 $0x80, s21  }
.LBB2_8:
0x15b: {  	[hbm4b:s29+s24] =	stream.linear.scatter [tilespmem:s28], [sflag:$0x2], $0x80, $0x38;
	[tilespmem:$0x16C00] =	vst v63  }
0x15c: {  	s28 =	smov.u32 s26  }
0x15d: {  	s29 =	sadd.s32 s2, s25;
	s28 =	sadd.s32 s20, s19;
	s20 =	sshra.s32 s26, $0x2  }
0x15e: {  	[hbm4b:s29+s24] =	stream.linear.scatter [tilespmem:s28], [sflag:$0x2], $0x80, $0x38;
	[tilespmem:$0x16C00] =	vst v63  }
0x15f: {  	s25 =	sand.u32 $0x1FFFFF80, s23;
	s31 =	sadd.s32 $0x10, s29;
	s30 =	sadd.s32 $0x88, s28  }
0x160: {  	[hbm4b:s31+s24] =	stream.linear.scatter [tilespmem:s30], [sflag:$0x2], $0x80, $0x38;
	[tilespmem:$0x16C00] =	vst v63  }
0x161: {  	s0 =	sadd.s32 $0x20, s29;
	s30 =	sadd.s32 $0x4400, s26;
	s31 =	sadd.s32 $0x110, s28  }
0x162: {  	[hbm4b:s0+s24] =	stream.linear.scatter [tilespmem:s31], [sflag:$0x2], $0x80, $0x38;
	[tilespmem:$0x16C00] =	vst v63  }
0x163: {  	p1 =	sne.s32 s26, $0xCC00;
	s26 =	sadd.s32 $0x30, s29;
	s0 =	sadd.s32 $0x198, s28  }
0x164: {  	[hbm4b:s26+s24] =	stream.linear.scatter [tilespmem:s0], [sflag:$0x2], $0x80, $0x38;
	[tilespmem:$0x16C00] =	vst v63  }
0x165: {  	s0 =	sadd.s32 $0x220, s28;
	s26 =	sadd.s32 $0x40, s29  }
0x166: {  	[hbm4b:s26+s24] =	stream.linear.scatter [tilespmem:s0], [sflag:$0x2], $0x80, $0x38;
	[tilespmem:$0x16C00] =	vst v63  }
.Ltmp7:
0x167: {  	s0 =	sadd.s32 $0x2A8, s28;
	s26 =	sadd.s32 $0x50, s29;
	(pc) =	sbr.rel @p1 .LBB2_8-.Ltmp7, $4  }
0x168: {  	[hbm4b:s26+s24] =	stream.linear.scatter [tilespmem:s0], [sflag:$0x2], $0x80, $0x38;
	[tilespmem:$0x16C00] =	vst v63  }
0x169: {  	s23 =	sadd.s32 $0x80, s23;
	s0 =	sadd.s32 $0x330, s28;
	s26 =	sadd.s32 $0x60, s29  }
0x16a: {  	[hbm4b:s26+s24] =	stream.linear.scatter [tilespmem:s0], [sflag:$0x2], $0x80, $0x38;
	[tilespmem:$0x16C00] =	vst v63  }
0x16b: {  	s28 =	sadd.s32 $0x3B8, s28;
	s29 =	sadd.s32 $0x70, s29;
	s26 =	smov.u32 s30  }
0x16c: {  	[hbm4b:s29+s24] =	stream.linear.scatter [tilespmem:s28], [sflag:$0x2], $0x80, $0x38;
	[tilespmem:$0x16C00] =	vst v63  }
0x16d: {  	s0 =	sadd.s32 s2, s25;
	s20 =	sadd.s32 s20, s19  }
0x16e: {  	[hbm4b:s0+s24] =	stream.linear.scatter [tilespmem:s20], [sflag:$0x2], $0x80, $0x38;
	[tilespmem:$0x16C00] =	vst v63  }
0x16f: {  	s23 =	sadd.s32 $0x88, s20;
	s25 =	sadd.s32 $0x10, s0  }
0x170: {  	[hbm4b:s25+s24] =	stream.linear.scatter [tilespmem:s23], [sflag:$0x2], $0x80, $0x38;
	[tilespmem:$0x16C00] =	vst v63  }
0x171: {  	s28 =	sadd.s32 $0x110, s20;
	s29 =	sadd.s32 $0x20, s0  }
0x172: {  	[hbm4b:s29+s24] =	stream.linear.scatter [tilespmem:s28], [sflag:$0x2], $0x80, $0x38;
	[tilespmem:$0x16C00] =	vst v63  }
0x173: {  	s30 =	sadd.s32 $0x198, s20;
	s31 =	sadd.s32 $0x30, s0  }
0x174: {  	[hbm4b:s31+s24] =	stream.linear.scatter [tilespmem:s30], [sflag:$0x2], $0x80, $0x38;
	[tilespmem:$0x16C00] =	vst v63  }
0x175: {  	s26 =	sadd.s32 $0x40, s0;
	s25 =	sadd.s32 $0x220, s20  }
0x176: {  	[hbm4b:s26+s24] =	stream.linear.scatter [tilespmem:s25], [sflag:$0x2], $0x80, $0x38;
	[tilespmem:$0x16C00] =	vst v63  }
0x177: {  	s28 =	sadd.s32 $0x2A8, s20;
	s29 =	sadd.s32 $0x50, s0  }
0x178: {  	[hbm4b:s29+s24] =	stream.linear.scatter [tilespmem:s28], [sflag:$0x2], $0x80, $0x38;
	[tilespmem:$0x16C00] =	vst v63  }
0x179: {  	s30 =	sadd.s32 $0x330, s20;
	s31 =	sadd.s32 $0x60, s0  }
0x17a: {  	[hbm4b:s31+s24] =	stream.linear.scatter [tilespmem:s30], [sflag:$0x2], $0x80, $0x38;
	[tilespmem:$0x16C00] =	vst v63  }
0x17b: {  	s23 =	sand.u32 $0x1FFFBF80, s17;
	s20 =	sadd.s32 $0x3B8, s20;
	s0 =	sadd.s32 $0x70, s0  }
0x17c: {  	[hbm4b:s0+s24] =	stream.linear.scatter [tilespmem:s20], [sflag:$0x2], $0x80, $0x38;
	[tilespmem:$0x16C00] =	vst v63  }
0x17d: {  	s20 =	simm.s32 $0x0;
	s0 =	sadd.s32 s23, s6;
	s24 =	sadd.s32 $0x440, s22  }
0x17e: {  	[hbm4b:s0+s20] =	stream.linear.scatter [tilespmem:s24], [sflag:$0x2], $0x80, $0x38;
	[tilespmem:$0x16C00] =	vst v63  }
0x17f: {  	s25 =	sadd.s32 $0x4C8, s22;
	s26 =	sadd.s32 $0x10, s0  }
0x180: {  	[hbm4b:s26+s20] =	stream.linear.scatter [tilespmem:s25], [sflag:$0x2], $0x80, $0x38;
	[tilespmem:$0x16C00] =	vst v63  }
0x181: {  	s28 =	sadd.s32 $0x550, s22;
	s30 =	sadd.s32 $0x5D8, s22;
	s29 =	sadd.s32 $0x20, s0  }
0x182: {  	[hbm4b:s29+s20] =	stream.linear.scatter [tilespmem:s28], [sflag:$0x2], $0x80, $0x38;
	[tilespmem:$0x16C00] =	vst v63  }
0x183: {  	s23 =	simm.s32 $0x1100;
	s31 =	sadd.s32 $0x30, s0;
	s24 =	simm.s32 $0x8800  }
0x184: {  	[hbm4b:s31+s20] =	stream.linear.scatter [tilespmem:s30], [sflag:$0x2], $0x80, $0x38;
	[tilespmem:$0x16C00] =	vst v63  }
0x185: {  	s25 =	sadd.s32 $0x660, s22;
	s26 =	sadd.s32 $0x40, s0;
	s28 =	sadd.s32 $0x6E8, s22  }
0x186: {  	[hbm4b:s26+s20] =	stream.linear.scatter [tilespmem:s25], [sflag:$0x2], $0x80, $0x38;
	[tilespmem:$0x16C00] =	vst v63  }
0x187: {  	s29 =	sadd.s32 $0x50, s0;
	s30 =	sadd.s32 $0x770, s22;
	s31 =	sadd.s32 $0x60, s0  }
0x188: {  	[hbm4b:s29+s20] =	stream.linear.scatter [tilespmem:s28], [sflag:$0x2], $0x80, $0x38;
	[tilespmem:$0x16C00] =	vst v63  }
0x189: {  	s25 =	sadd.s32 $0x7F8, s22;
	s26 =	sadd.s32 $0x70, s0;
	s22 =	simm.s32 $0x0  }
0x18a: {  	[hbm4b:s31+s20] =	stream.linear.scatter [tilespmem:s30], [sflag:$0x2], $0x80, $0x38;
	[tilespmem:$0x16C00] =	vst v63  }
.LBB2_10:
0x18b: {  	[hbm4b:s26+s22] =	stream.linear.scatter [tilespmem:s25], [sflag:$0x2], $0x80, $0x38;
	[tilespmem:$0x16C00] =	vst v63  }
0x18c: {  	s0 =	smov.u32 s24;
	s22 =	smov.u32 s20  }
0x18d: {  	s25 =	sadd.s32 s23, s19;
	s23 =	sshra.s32 s24, $0x2;
	s0 =	sand.u32 $0x1FFFBF80, s21  }
0x18e: {  	s28 =	sadd.s32 $0x4400, s24;
	s26 =	sadd.s32 $0x440, s25;
	s0 =	sadd.s32 s0, s6  }
0x18f: {  	[hbm4b:s0+s22] =	stream.linear.scatter [tilespmem:s26], [sflag:$0x2], $0x80, $0x38;
	[tilespmem:$0x16C00] =	vst v63  }
0x190: {  	p1 =	sne.s32 s24, $0xCC00;
	s24 =	sadd.s32 $0x4C8, s25;
	s26 =	sadd.s32 $0x10, s0  }
0x191: {  	[hbm4b:s26+s22] =	stream.linear.scatter [tilespmem:s24], [sflag:$0x2], $0x80, $0x38;
	[tilespmem:$0x16C00] =	vst v63  }
0x192: {  	s24 =	sadd.s32 $0x550, s25;
	s26 =	sadd.s32 $0x20, s0  }
0x193: {  	[hbm4b:s26+s22] =	stream.linear.scatter [tilespmem:s24], [sflag:$0x2], $0x80, $0x38;
	[tilespmem:$0x16C00] =	vst v63  }
0x194: {  	s24 =	sadd.s32 $0x5D8, s25;
	s26 =	sadd.s32 $0x30, s0  }
0x195: {  	[hbm4b:s26+s22] =	stream.linear.scatter [tilespmem:s24], [sflag:$0x2], $0x80, $0x38;
	[tilespmem:$0x16C00] =	vst v63  }
0x196: {  	s24 =	sadd.s32 $0x660, s25;
	s26 =	sadd.s32 $0x40, s0  }
0x197: {  	[hbm4b:s26+s22] =	stream.linear.scatter [tilespmem:s24], [sflag:$0x2], $0x80, $0x38;
	[tilespmem:$0x16C00] =	vst v63  }
.Ltmp8:
0x198: {  	s24 =	sadd.s32 $0x6E8, s25;
	s26 =	sadd.s32 $0x50, s0;
	(pc) =	sbr.rel @p1 .LBB2_10-.Ltmp8, $4  }
0x199: {  	[hbm4b:s26+s22] =	stream.linear.scatter [tilespmem:s24], [sflag:$0x2], $0x80, $0x38;
	[tilespmem:$0x16C00] =	vst v63  }
0x19a: {  	s21 =	sadd.s32 $0x80, s21;
	s24 =	sadd.s32 $0x770, s25;
	s26 =	sadd.s32 $0x60, s0  }
0x19b: {  	[hbm4b:s26+s22] =	stream.linear.scatter [tilespmem:s24], [sflag:$0x2], $0x80, $0x38;
	[tilespmem:$0x16C00] =	vst v63  }
0x19c: {  	s25 =	sadd.s32 $0x7F8, s25;
	s26 =	sadd.s32 $0x70, s0;
	s24 =	smov.u32 s28  }
0x19d: {  	[hbm4b:s26+s22] =	stream.linear.scatter [tilespmem:s25], [sflag:$0x2], $0x80, $0x38;
	[tilespmem:$0x16C00] =	vst v63  }
0x19e: {  	s0 =	sand.u32 $0x1FFFBF80, s21;
	s21 =	sadd.s32 s23, s19  }
0x19f: {  	s0 =	sadd.s32 s0, s6;
	s29 =	sadd.s32 $0x440, s21  }
0x1a0: {  	[hbm4b:s0+s20] =	stream.linear.scatter [tilespmem:s29], [sflag:$0x2], $0x80, $0x38;
	[tilespmem:$0x16C00] =	vst v63  }
0x1a1: {  	s30 =	sadd.s32 $0x4C8, s21;
	s31 =	sadd.s32 $0x10, s0  }
0x1a2: {  	[hbm4b:s31+s20] =	stream.linear.scatter [tilespmem:s30], [sflag:$0x2], $0x80, $0x38;
	[tilespmem:$0x16C00] =	vst v63  }
0x1a3: {  	s23 =	sadd.s32 $0x550, s21;
	s24 =	sadd.s32 $0x20, s0  }
0x1a4: {  	[hbm4b:s24+s20] =	stream.linear.scatter [tilespmem:s23], [sflag:$0x2], $0x80, $0x38;
	[tilespmem:$0x16C00] =	vst v63  }
0x1a5: {  	s25 =	sadd.s32 $0x5D8, s21;
	s26 =	sadd.s32 $0x30, s0  }
0x1a6: {  	[hbm4b:s26+s20] =	stream.linear.scatter [tilespmem:s25], [sflag:$0x2], $0x80, $0x38;
	[tilespmem:$0x16C00] =	vst v63  }
0x1a7: {  	s28 =	sadd.s32 $0x660, s21;
	s29 =	sadd.s32 $0x40, s0  }
0x1a8: {  	[hbm4b:s29+s20] =	stream.linear.scatter [tilespmem:s28], [sflag:$0x2], $0x80, $0x38;
	[tilespmem:$0x16C00] =	vst v63  }
0x1a9: {  	s30 =	sadd.s32 $0x6E8, s21;
	s31 =	sadd.s32 $0x50, s0  }
0x1aa: {  	[hbm4b:s31+s20] =	stream.linear.scatter [tilespmem:s30], [sflag:$0x2], $0x80, $0x38;
	[tilespmem:$0x16C00] =	vst v63  }
0x1ab: {  	s23 =	sadd.s32 $0x770, s21;
	s24 =	sadd.s32 $0x60, s0  }
0x1ac: {  	[hbm4b:s24+s20] =	stream.linear.scatter [tilespmem:s23], [sflag:$0x2], $0x80, $0x38;
	[tilespmem:$0x16C00] =	vst v63  }
0x1ad: {  	s21 =	sadd.s32 $0x7F8, s21;
	s0 =	sadd.s32 $0x70, s0  }
0x1ae: {  	[hbm4b:s0+s20] =	stream.linear.scatter [tilespmem:s21], [sflag:$0x2], $0x80, $0x38;
	[tilespmem:$0x16C00] =	vst v63  }
0x1af: {  	s25 =	sand.u32 $0x1FFF7F80, s17;
	s21 =	sadd.s32 $0x0, s19  }
0x1b0: {  	s0 =	sadd.s32 s25, s7;
	s26 =	sadd.s32 $0x880, s21  }
0x1b1: {  	[hbm4b:s0+s20] =	stream.linear.scatter [tilespmem:s26], [sflag:$0x2], $0x80, $0x38;
	[tilespmem:$0x16C00] =	vst v63  }
0x1b2: {  	s28 =	sadd.s32 $0x908, s21;
	s29 =	sadd.s32 $0x10, s0  }
0x1b3: {  	[hbm4b:s29+s20] =	stream.linear.scatter [tilespmem:s28], [sflag:$0x2], $0x80, $0x38;
	[tilespmem:$0x16C00] =	vst v63  }
0x1b4: {  	s22 =	simm.s32 $0x1100;
	s30 =	sadd.s32 $0x990, s21;
	s31 =	sadd.s32 $0x20, s0  }
0x1b5: {  	[hbm4b:s31+s20] =	stream.linear.scatter [tilespmem:s30], [sflag:$0x2], $0x80, $0x38;
	[tilespmem:$0x16C00] =	vst v63  }
0x1b6: {  	s23 =	sadd.s32 $0xA18, s21;
	s24 =	sadd.s32 $0x30, s0;
	s25 =	sadd.s32 $0xAA0, s21  }
0x1b7: {  	[hbm4b:s24+s20] =	stream.linear.scatter [tilespmem:s23], [sflag:$0x2], $0x80, $0x38;
	[tilespmem:$0x16C00] =	vst v63  }
0x1b8: {  	s26 =	sadd.s32 $0x40, s0;
	s28 =	sadd.s32 $0xB28, s21;
	s29 =	sadd.s32 $0x50, s0  }
0x1b9: {  	[hbm4b:s26+s20] =	stream.linear.scatter [tilespmem:s25], [sflag:$0x2], $0x80, $0x38;
	[tilespmem:$0x16C00] =	vst v63  }
0x1ba: {  	s30 =	sadd.s32 $0xBB0, s21;
	s31 =	sadd.s32 $0x60, s0;
	s24 =	simm.s32 $0x8800  }
0x1bb: {  	[hbm4b:s29+s20] =	stream.linear.scatter [tilespmem:s28], [sflag:$0x2], $0x80, $0x38;
	[tilespmem:$0x16C00] =	vst v63  }
0x1bc: {  	s23 =	sadd.s32 $0x80, s17;
	s25 =	sadd.s32 $0xC38, s21;
	s26 =	sadd.s32 $0x70, s0  }
0x1bd: {  	[hbm4b:s31+s20] =	stream.linear.scatter [tilespmem:s30], [sflag:$0x2], $0x80, $0x38;
	[tilespmem:$0x16C00] =	vst v63  }
.LBB2_12:
0x1be: {  	[hbm4b:s26+s20] =	stream.linear.scatter [tilespmem:s25], [sflag:$0x2], $0x80, $0x38;
	[tilespmem:$0x16C00] =	vst v63  }
0x1bf: {  	s0 =	smov.u32 s24  }
0x1c0: {  	s25 =	sadd.s32 s22, s19;
	s22 =	sshra.s32 s24, $0x2;
	s0 =	sand.u32 $0x1FFF7F80, s23  }
0x1c1: {  	s28 =	sadd.s32 $0x4400, s24;
	s26 =	sadd.s32 $0x880, s25;
	s0 =	sadd.s32 s0, s7  }
0x1c2: {  	[hbm4b:s0+s20] =	stream.linear.scatter [tilespmem:s26], [sflag:$0x2], $0x80, $0x38;
	[tilespmem:$0x16C00] =	vst v63  }
0x1c3: {  	p1 =	sne.s32 s24, $0xCC00;
	s24 =	sadd.s32 $0x908, s25;
	s26 =	sadd.s32 $0x10, s0  }
0x1c4: {  	[hbm4b:s26+s20] =	stream.linear.scatter [tilespmem:s24], [sflag:$0x2], $0x80, $0x38;
	[tilespmem:$0x16C00] =	vst v63  }
0x1c5: {  	s24 =	sadd.s32 $0x990, s25;
	s26 =	sadd.s32 $0x20, s0  }
0x1c6: {  	[hbm4b:s26+s20] =	stream.linear.scatter [tilespmem:s24], [sflag:$0x2], $0x80, $0x38;
	[tilespmem:$0x16C00] =	vst v63  }
0x1c7: {  	s24 =	sadd.s32 $0xA18, s25;
	s26 =	sadd.s32 $0x30, s0  }
0x1c8: {  	[hbm4b:s26+s20] =	stream.linear.scatter [tilespmem:s24], [sflag:$0x2], $0x80, $0x38;
	[tilespmem:$0x16C00] =	vst v63  }
0x1c9: {  	s24 =	sadd.s32 $0xAA0, s25;
	s26 =	sadd.s32 $0x40, s0  }
0x1ca: {  	[hbm4b:s26+s20] =	stream.linear.scatter [tilespmem:s24], [sflag:$0x2], $0x80, $0x38;
	[tilespmem:$0x16C00] =	vst v63  }
.Ltmp9:
0x1cb: {  	s24 =	sadd.s32 $0xB28, s25;
	s26 =	sadd.s32 $0x50, s0;
	(pc) =	sbr.rel @p1 .LBB2_12-.Ltmp9, $4  }
0x1cc: {  	[hbm4b:s26+s20] =	stream.linear.scatter [tilespmem:s24], [sflag:$0x2], $0x80, $0x38;
	[tilespmem:$0x16C00] =	vst v63  }
0x1cd: {  	s23 =	sadd.s32 $0x80, s23;
	s24 =	sadd.s32 $0xBB0, s25;
	s26 =	sadd.s32 $0x60, s0  }
0x1ce: {  	[hbm4b:s26+s20] =	stream.linear.scatter [tilespmem:s24], [sflag:$0x2], $0x80, $0x38;
	[tilespmem:$0x16C00] =	vst v63  }
0x1cf: {  	s25 =	sadd.s32 $0xC38, s25;
	s26 =	sadd.s32 $0x70, s0;
	s24 =	smov.u32 s28  }
0x1d0: {  	[hbm4b:s26+s20] =	stream.linear.scatter [tilespmem:s25], [sflag:$0x2], $0x80, $0x38;
	[tilespmem:$0x16C00] =	vst v63  }
0x1d1: {  	s0 =	sand.u32 $0x1FFF7F80, s23;
	s22 =	sadd.s32 s22, s19  }
0x1d2: {  	s0 =	sadd.s32 s0, s7;
	s25 =	sadd.s32 $0x880, s22  }
0x1d3: {  	[hbm4b:s0+s20] =	stream.linear.scatter [tilespmem:s25], [sflag:$0x2], $0x80, $0x38;
	[tilespmem:$0x16C00] =	vst v63  }
0x1d4: {  	s26 =	sadd.s32 $0x908, s22;
	s24 =	sadd.s32 $0x10, s0  }
0x1d5: {  	[hbm4b:s24+s20] =	stream.linear.scatter [tilespmem:s26], [sflag:$0x2], $0x80, $0x38;
	[tilespmem:$0x16C00] =	vst v63  }
0x1d6: {  	s28 =	sadd.s32 $0x990, s22;
	s29 =	sadd.s32 $0x20, s0  }
0x1d7: {  	[hbm4b:s29+s20] =	stream.linear.scatter [tilespmem:s28], [sflag:$0x2], $0x80, $0x38;
	[tilespmem:$0x16C00] =	vst v63  }
0x1d8: {  	s30 =	sadd.s32 $0xA18, s22;
	s31 =	sadd.s32 $0x30, s0  }
0x1d9: {  	[hbm4b:s31+s20] =	stream.linear.scatter [tilespmem:s30], [sflag:$0x2], $0x80, $0x38;
	[tilespmem:$0x16C00] =	vst v63  }
0x1da: {  	s25 =	sadd.s32 $0xAA0, s22;
	s26 =	sadd.s32 $0x40, s0  }
0x1db: {  	[hbm4b:s26+s20] =	stream.linear.scatter [tilespmem:s25], [sflag:$0x2], $0x80, $0x38;
	[tilespmem:$0x16C00] =	vst v63  }
0x1dc: {  	s28 =	sadd.s32 $0xB28, s22;
	s29 =	sadd.s32 $0x50, s0  }
0x1dd: {  	[hbm4b:s29+s20] =	stream.linear.scatter [tilespmem:s28], [sflag:$0x2], $0x80, $0x38;
	[tilespmem:$0x16C00] =	vst v63  }
0x1de: {  	s30 =	sadd.s32 $0xBB0, s22;
	s31 =	sadd.s32 $0x60, s0  }
0x1df: {  	[hbm4b:s31+s20] =	stream.linear.scatter [tilespmem:s30], [sflag:$0x2], $0x80, $0x38;
	[tilespmem:$0x16C00] =	vst v63  }
0x1e0: {  	s22 =	sadd.s32 $0xC38, s22;
	s0 =	sadd.s32 $0x70, s0;
	s25 =	sand.u32 $0x1FFF3F80, s17  }
0x1e1: {  	[hbm4b:s0+s20] =	stream.linear.scatter [tilespmem:s22], [sflag:$0x2], $0x80, $0x38;
	[tilespmem:$0x16C00] =	vst v63  }
0x1e2: {  	s26 =	sadd.s32 $0xCC0, s21;
	s0 =	sadd.s32 s25, s8  }
0x1e3: {  	[hbm4b:s0+s3] =	stream.linear.scatter [tilespmem:s26], [sflag:$0x2], $0x80, $0x38;
	[tilespmem:$0x16C00] =	vst v63  }
0x1e4: {  	s28 =	sadd.s32 $0xD48, s21;
	s29 =	sadd.s32 $0x10, s0  }
0x1e5: {  	[hbm4b:s29+s3] =	stream.linear.scatter [tilespmem:s28], [sflag:$0x2], $0x80, $0x38;
	[tilespmem:$0x16C00] =	vst v63  }
0x1e6: {  	s23 =	sadd.s32 $0xE58, s21;
	s30 =	sadd.s32 $0xDD0, s21;
	s31 =	sadd.s32 $0x20, s0  }
0x1e7: {  	[hbm4b:s31+s3] =	stream.linear.scatter [tilespmem:s30], [sflag:$0x2], $0x80, $0x38;
	[tilespmem:$0x16C00] =	vst v63  }
0x1e8: {  	s25 =	sadd.s32 $0xEE0, s21;
	s20 =	simm.s32 $0x1100;
	s24 =	sadd.s32 $0x30, s0  }
0x1e9: {  	[hbm4b:s24+s3] =	stream.linear.scatter [tilespmem:s23], [sflag:$0x2], $0x80, $0x38;
	[tilespmem:$0x16C00] =	vst v63  }
0x1ea: {  	s22 =	simm.s32 $0x8800;
	s26 =	sadd.s32 $0x40, s0;
	s28 =	sadd.s32 $0xF68, s21  }
0x1eb: {  	[hbm4b:s26+s3] =	stream.linear.scatter [tilespmem:s25], [sflag:$0x2], $0x80, $0x38;
	[tilespmem:$0x16C00] =	vst v63  }
0x1ec: {  	s29 =	sadd.s32 $0x50, s0;
	s30 =	sadd.s32 $0xFF0, s21;
	s31 =	sadd.s32 $0x60, s0  }
0x1ed: {  	[hbm4b:s29+s3] =	stream.linear.scatter [tilespmem:s28], [sflag:$0x2], $0x80, $0x38;
	[tilespmem:$0x16C00] =	vst v63  }
0x1ee: {  	s23 =	sadd.s32 $0x1078, s21;
	s24 =	sadd.s32 $0x70, s0;
	s21 =	sadd.s32 $0x80, s17  }
0x1ef: {  	[hbm4b:s31+s3] =	stream.linear.scatter [tilespmem:s30], [sflag:$0x2], $0x80, $0x38;
	[tilespmem:$0x16C00] =	vst v63  }
.LBB2_14:
0x1f0: {  	[hbm4b:s24+s3] =	stream.linear.scatter [tilespmem:s23], [sflag:$0x2], $0x80, $0x38;
	[tilespmem:$0x16C00] =	vst v63  }
0x1f1: {  	s0 =	smov.u32 s22  }
0x1f2: {  	s23 =	sadd.s32 s20, s19;
	s20 =	sshra.s32 s22, $0x2;
	s0 =	sand.u32 $0x1FFF3F80, s21  }
0x1f3: {  	s25 =	sadd.s32 $0x4400, s22;
	s24 =	sadd.s32 $0xCC0, s23;
	s0 =	sadd.s32 s0, s8  }
0x1f4: {  	[hbm4b:s0+s3] =	stream.linear.scatter [tilespmem:s24], [sflag:$0x2], $0x80, $0x38;
	[tilespmem:$0x16C00] =	vst v63  }
0x1f5: {  	p1 =	sne.s32 s22, $0xCC00;
	s22 =	sadd.s32 $0xD48, s23;
	s24 =	sadd.s32 $0x10, s0  }
0x1f6: {  	[hbm4b:s24+s3] =	stream.linear.scatter [tilespmem:s22], [sflag:$0x2], $0x80, $0x38;
	[tilespmem:$0x16C00] =	vst v63  }
0x1f7: {  	s22 =	sadd.s32 $0xDD0, s23;
	s24 =	sadd.s32 $0x20, s0  }
0x1f8: {  	[hbm4b:s24+s3] =	stream.linear.scatter [tilespmem:s22], [sflag:$0x2], $0x80, $0x38;
	[tilespmem:$0x16C00] =	vst v63  }
0x1f9: {  	s22 =	sadd.s32 $0xE58, s23;
	s24 =	sadd.s32 $0x30, s0  }
0x1fa: {  	[hbm4b:s24+s3] =	stream.linear.scatter [tilespmem:s22], [sflag:$0x2], $0x80, $0x38;
	[tilespmem:$0x16C00] =	vst v63  }
0x1fb: {  	s22 =	sadd.s32 $0xEE0, s23;
	s24 =	sadd.s32 $0x40, s0  }
0x1fc: {  	[hbm4b:s24+s3] =	stream.linear.scatter [tilespmem:s22], [sflag:$0x2], $0x80, $0x38;
	[tilespmem:$0x16C00] =	vst v63  }
.Ltmp10:
0x1fd: {  	s22 =	sadd.s32 $0xF68, s23;
	s24 =	sadd.s32 $0x50, s0;
	(pc) =	sbr.rel @p1 .LBB2_14-.Ltmp10, $4  }
0x1fe: {  	[hbm4b:s24+s3] =	stream.linear.scatter [tilespmem:s22], [sflag:$0x2], $0x80, $0x38;
	[tilespmem:$0x16C00] =	vst v63  }
0x1ff: {  	s21 =	sadd.s32 $0x80, s21;
	s22 =	sadd.s32 $0xFF0, s23;
	s24 =	sadd.s32 $0x60, s0  }
0x200: {  	[hbm4b:s24+s3] =	stream.linear.scatter [tilespmem:s22], [sflag:$0x2], $0x80, $0x38;
	[tilespmem:$0x16C00] =	vst v63  }
0x201: {  	s23 =	sadd.s32 $0x1078, s23;
	s24 =	sadd.s32 $0x70, s0;
	s22 =	smov.u32 s25  }
0x202: {  	[hbm4b:s24+s3] =	stream.linear.scatter [tilespmem:s23], [sflag:$0x2], $0x80, $0x38;
	[tilespmem:$0x16C00] =	vst v63  }
0x203: {  	s0 =	sand.u32 $0x1FFF3F80, s21;
	s19 =	sadd.s32 s20, s19  }
0x204: {  	s0 =	sadd.s32 s0, s8;
	s20 =	sadd.s32 $0xCC0, s19  }
0x205: {  	[hbm4b:s0+s3] =	stream.linear.scatter [tilespmem:s20], [sflag:$0x2], $0x80, $0x38;
	[tilespmem:$0x16C00] =	vst v63  }
0x206: {  	s30 =	sadd.s32 $0xD48, s19;
	s31 =	sadd.s32 $0x10, s0  }
0x207: {  	[hbm4b:s31+s3] =	stream.linear.scatter [tilespmem:s30], [sflag:$0x2], $0x80, $0x38;
	[tilespmem:$0x16C00] =	vst v63  }
0x208: {  	s21 =	sadd.s32 $0xDD0, s19;
	s22 =	sadd.s32 $0x20, s0  }
0x209: {  	[hbm4b:s22+s3] =	stream.linear.scatter [tilespmem:s21], [sflag:$0x2], $0x80, $0x38;
	[tilespmem:$0x16C00] =	vst v63  }
0x20a: {  	s23 =	sadd.s32 $0xE58, s19;
	s24 =	sadd.s32 $0x30, s0  }
0x20b: {  	[hbm4b:s24+s3] =	stream.linear.scatter [tilespmem:s23], [sflag:$0x2], $0x80, $0x38;
	[tilespmem:$0x16C00] =	vst v63  }
0x20c: {  	s25 =	sadd.s32 $0xEE0, s19;
	s26 =	sadd.s32 $0x40, s0  }
0x20d: {  	[hbm4b:s26+s3] =	stream.linear.scatter [tilespmem:s25], [sflag:$0x2], $0x80, $0x38;
	[tilespmem:$0x16C00] =	vst v63  }
0x20e: {  	s28 =	sadd.s32 $0xF68, s19;
	s29 =	sadd.s32 $0x50, s0  }
0x20f: {  	[hbm4b:s29+s3] =	stream.linear.scatter [tilespmem:s28], [sflag:$0x2], $0x80, $0x38;
	[tilespmem:$0x16C00] =	vst v63  }
.Ltmp11:
0x210: {  	_ = 	snop;
	(pc) =	sbr.rel .LBB2_16-.Ltmp11, $4  }
0x211: {  	s30 =	sadd.s32 $0xFF0, s19;
	s31 =	sadd.s32 $0x60, s0  }
0x212: {  	[hbm4b:s31+s3] =	stream.linear.scatter [tilespmem:s30], [sflag:$0x2], $0x80, $0x38;
	[tilespmem:$0x16C00] =	vst v63  }
0x213: {  	s19 =	sadd.s32 $0x1078, s19;
	s0 =	sadd.s32 $0x70, s0  }
0x214: {  	[hbm4b:s0+s3] =	stream.linear.scatter [tilespmem:s19], [sflag:$0x2], $0x80, $0x38;
	[tilespmem:$0x16C00] =	vst v63  }
.LBB2_18:
0x215: {  	_ =	sfence.sel $0x180000  }
0x216: {  	[bflag:$0x0] =	sbarrier.arrive $0xFFFF  }
0x217: {  	_ =	strace $0x9000004A  }
0x218: {  	[bflag:$0x2] =	sbarrier.arrive $0xFFFF  }
0x219: {  	p0 =	sne.s32 s1, $0x0;
	s0 =	rddreg [dreg:$0x2]  }
0x21a: {  	s0 =	sadd.s32 @!p0 $0x100000, s0  }
0x21b: {  	[sflag:s0] =	ssyncadd.tile.s32 @!p0 $0x1;
	_ =	shalt  }
.Lfunc_end2:
_tile_overlayer_lowered:
.L_overlay_start_2:
0x21c: {  	(tag) =	ssettag $0x2  }
0x21d: {  	s0 =	rddreg [dreg:$0x0];
	s2 =	stileid.u32  }
0x21e: {  	s1 =	rddreg [dreg:$0x1];
	p0 =	sne.s32 s2, $0x0  }
0x21f: {  	s3 =	rddreg [dreg:$0x2];
	[bflag:$0x3] =	sbarrier.arrive $0xFFFF;
	s2 =	simm.s32 @!p0 $0x1C03  }
0x220: {  	[timem:s3], [sflag:s2] =	dma.local @!p0 [hbm:s0], s1  }
0x221: {  	s0 =	simm.s32 @!p0 $0x3  }
0x222: {  	_ =	swait.ge @!p0 [sflag:s0], s1  }
0x223: {  	s1 =	ssub.s32 @!p0 $0x0, s1;
	[sflag:s0] =	ssyncset.done @!p0 $0x0  }
0x224: {  	[sflag:s0] =	ssyncadd.s32 @!p0 s1  }
0x225: {  	[bflag:$0x3] =	sbarrier.arrive $0xFFFF  }
0x226: {  	_ =	shalt  }

// kernel: sparse-core-data-format-call.cloned.1.call-start
scs
called_computation_lowered:
.L_overlay_start_0:
0x0: {  	s2 =	sld [smem:$0x3FD9]  }
0x1: {  	s3 =	sld [smem:$0x3FFE];
	_ =	sdelay $0x1  }
0x2: {  	s1 =	srdreg.scid  }
0x3: {  	s0 =	sand.u32 $0x1, s1  }
0x4: {  	s18 =	sshll.u32 s0, $0xA;
	s2 =	sadd.s32 s3, s2  }
0x5: {  	s2 =	sadd.s32 s2, s18  }
0x6: {  	[smem:$0x3FC6] =	sst s2  }
0x7: {  	_ = 	snop  }
0x8: {  	s2 =	sld [smem:$0x3FC8];
	(tm) =	ssettm $0x1  }
0x9: {  	s19 =	sld [smem:$0x3FFB];
	_ =	sdelay $0x3  }
0xa: {  	_ =	strace s19  }
0xb: {  	s3 =	sld [smem:$0x3FFC];
	_ =	sdelay $0x3  }
0xc: {  	_ =	strace s3  }
0xd: {  	s3 =	sld [smem:$0x3FFD];
	_ =	sdelay $0x3  }
0xe: {  	_ =	strace s3  }
0xf: {  	_ =	strace $0x8FFFFFFF  }
0x10: {  	s20 =	sld [smem:$0x3FDB];
	_ =	sdelay $0x1  }
0x11: {  	s4 =	simm.s32 $_scs_section_size  }
0x12: {  	s5 =	simm.s32 $_size__tile_overlayer_lowered;
	s6 =	simm.s32 $_tile_overlayer_lowered  }
0x13: {  	s23 =	simm.s32 $0x1BFF;
	s22 =	sshll.u32 s6, $0x1;
	s3 =	sadd.s32 s4, s20  }
0x14: {  	s7 =	simm.s32 $0x0;
	s21 =	sshll.u32 s5, $0x1;
	s5 =	sadd.s32 s22, s3  }
0x15: {  	[timem:s7], [sflag:s23] =	dma.local [hbm:s5], s21  }
0x16: {  	_ =	swait.ge [sflag:s23], s21  }
0x17: {  	s4 =	ssub.s32 $0x0, s21;
	[sflag:s23] =	ssyncset.done $0x0  }
0x18: {  	[sflag:s23] =	ssyncadd.s32 s4;
	_ =	sdelay $0x1  }
0x19: {  	s24 =	simm.s32 $0x1B8B  }
0x1a: {  	_ =	swait.ge [sflag:s24], $0x1  }
0x1b: {  	[sflag:s24] =	ssyncset.done $0x0  }
0x1c: {  	s26 =	simm.s32 $0x1B8E;
	s25 =	sld [smem:$0x3FFE];
	[sflag:s24] =	ssyncadd.s32 $0xFFFFFFFF  }
0x1d: {  	s27 =	simm.s32 $execute0_lowered;
	[smem:$0x3FD2] =	sst s26  }
0x1e: {  	s5 =	sshll.u32 s27, $0x1;
	_ =	strace $0x80000046;
	[dreg:$0x1] =	wrdreg $0xFFFFFFFF  }
0x1f: {  	s28 =	simm.s32 $_size_execute0_lowered;
	s3 =	sadd.s32 s3, s5;
	[dreg:$0x0] =	wrdreg $0x0  }
0x20: {  	s5 =	sshll.u32 s28, $0x1;
	[dreg:$0x2] =	wrdreg s3  }
0x21: {  	[dreg:$0x3] =	wrdreg s5  }
0x22: {  	[dreg:$0x4] =	wrdreg $0xC0  }
0x23: {  	_ =	task [dreg:s7], $0x5FFFF  }
0x24: {  	[dreg:$0x1] =	wrdreg $0xFFFFFFFF  }
0x25: {  	[dreg:$0x0] =	wrdreg $0x60  }
0x26: {  	[dreg:$0x2] =	wrdreg s2  }
0x27: {  	[dreg:$0x3] =	wrdreg s25  }
0x28: {  	[dreg:$0x4] =	wrdreg $0x9  }
0x29: {  	_ =	task.clear_ibuf [dreg:s7], $0x5FFFF;
	_ =	strace $0x90000046  }
0x2a: {  	s29 =	simm.s32 $0x9;
	_ =	strace $0x80000048  }
0x2b: {  	_ =	swait.ge [sflag:s29], $0x1  }
0x2c: {  	[sflag:s29] =	ssyncadd.s32 $0xFFFFFFFF  }
0x2d: {  	_ =	strace $0x90000048  }
0x2e: {  	_ =	sfence  }
0x2f: {  	s30 =	sld [smem:$0x0];
	_ =	sdelay $0x2  }
0x30: {  	s31 =	sshll.u32 s1, $0xD;
	s1 =	sshrl.u32 s1, $0x2  }
0x31: {  	s3 =	sand.u32 $0x4000, s31;
	s1 =	sadd.s32 s1, s30  }
0x32: {  	s0 =	sor.u32 s3, s0;
	s1 =	sshll.u32 s1, $0x11  }
0x33: {  	s0 =	sor.u32 s1, s0  }
0x34: {  	s0 =	sadd.s32 $0x8F2B, s0  }
0x35: {  	[sflag:s0] =	ssyncadd.remote.s32 $0x1  }
0x36: {  	_ =	sfence.sel $0xFFFF  }
0x37: {  	[dreg:$0x0] =	wrdreg $0xFFFFFFFF;
	(pc) =	sbr.abs _section_cstart, $3  }
0x38: {  	[dreg:$0x1] =	wrdreg $0xFFFFFFFF  }
0x39: {  	_ =	task.clear_ibuf [dreg:s7], $0x2FFFF;
	_ =	strace $0x9FFFFFFF  }
0x3a: {  	(tm) =	ssettm $0x7FFFFFFF  }
0x3b: {  	_ =	shalt  }
tec
execute0_lowered:
.L_overlay_start_1:
0x0: {  	(tag) =	ssettag $0x1  }
0x1: {  	s0 =	srdreg.scid;
	s2 =	rddreg [dreg:$0x0]  }
0x2: {  	s5 =	rddreg [dreg:$0x1];
	s1 =	stileid.u32  }
0x3: {  	s4 =	simm.s32 $0x1;
	s6 =	simm.s32 $0x2;
	s15 =	simm.s32 $0x0  }
0x4: {  	p0 =	por $0x0, $0x0;
	s8 =	simm.s32 $0x80;
	s0 =	sshll.u32 s0, $0x4  }
0x5: {  	s14 =	simm.s32 $0x0;
	s9 =	simm.s32 $0x0;
	s3 =	sand.u32 $0x10, s0  }
.Ltmp0:
0x6: {  	s10 =	simm.s32 $0x0;
	s3 =	sor.u32 s1, s3;
	(pc) =	sbr.rel .LBB1_1-.Ltmp0, $4  }
0x7: {  	s0 =	rddreg [dreg:$0x2];
	_ =	strace $0x80000047;
	s3 =	sshll.u32 s3, $0x7  }
0x8: {  	s12 =	simm.s32 $0x0;
	[sflag:s4] =	ssyncpa.u1 $0x0;
	s7 =	ssub.s32 $0xF4200, s3  }
0x9: {  	s13 =	simm.s32 $0x0;
	[sflag:s6] =	ssyncpa.u1 $0x0;
	s6 =	sshrl.u32 s7, $0xC  }
0xa: {  	s5 =	sadd.s32 $0xA00, s5;
	s11 =	smov.u32 s3;
	s7 =	sadd.s32 $0x2, s6  }
.LBB1_5:
0xb: {  	p1 =	slt.u32 s13, $0x2  }
0xc: {  	s17 =	smov.u32 s15;
	p2 =	sgt.s32 @!p1 s15, $0xF41C0;
	s16 =	sshra.s32 @!p1 s15, $0x1F  }
0xd: {  	p3 =	sgt.s32 @!p1 s14, $0x60;
	s18 =	sshra.s32 @!p1 s14, $0x1F;
	p2 =	por !p2, p1  }
0xe: {  	s15 =	sand.u32 @!p1 s16, s15;
	p3 =	por !p3, p1;
	s16 =	smov.u32 s14  }
0xf: {  	s14 =	sand.u32 @!p1 s18, s14;
	s17 =	simm.s32 @p2 $0xF41C0;
	s16 =	simm.s32 @p3 $0x60  }
0x10: {  	s15 =	ssub.s32 @!p1 s17, s15;
	s14 =	ssub.s32 @!p1 s16, s14  }
0x11: {  	s18 =	smov.u32 s12;
	s16 =	sadd.s32 @!p1 $0xFFF0BE40, s15;
	s17 =	sadd.s32 @!p1 $0xFFFFFFA0, s14  }
0x12: {  	s15 =	ssub.s32 @!p1 $0xF4240, s15;
	p2 =	sgt.s32 @!p1 s16, $0x7F;
	p3 =	sgt.s32 @!p1 s17, $0x1F  }
0x13: {  	s14 =	ssub.s32 @!p1 $0x80, s14;
	p2 =	por !p2, p1;
	p3 =	por !p3, p1  }
0x14: {  	s16 =	sadd.s32 $0x1000, s11;
	s15 =	simm.s32 @!p2 $0x0;
	s14 =	simm.s32 @!p3 $0x0  }
0x15: {  	p2 =	sgt.s32 s16, $0xF423F;
	s14 =	smul.u32 @!p1 s14, s15;
	s15 =	sadd.s32 $0x20, s12  }
0x16: {  	s18 =	smov.u32 @p2 s15  }
0x17: {  	s16 =	smov.u32 @p2 s3;
	p2 =	sgt.s32 s18, $0x1F  }
0x18: {  	s18 =	simm.s32 @p2 $0x0;
	p2 =	sne.s32 s13, s7  }
.Ltmp1:
0x19: {  	p0 =	por !p0, !p0;
	s17 =	simm.s32 @!p1 $0x2;
	(pc) =	sbr.rel @!p2 .LBB1_6-.Ltmp1, $4  }
0x1a: {  	s15 =	smov.u32 s9;
	s9 =	smov.u32 s11;
	s14 =	sand.u32 @!p1 $0x3FFFFFFF, s14  }
0x1b: {  	s11 =	smov.u32 s16;
	_ =	swait.ge @!p1 [sflag:s17], s14;
	s19 =	ssub.s32 @!p1 $0x0, s14  }
0x1c: {  	s14 =	smov.u32 s10;
	s13 =	sadd.s32 $0x1, s13;
	[sflag:s17] =	ssyncset.done @!p1 $0x0  }
0x1d: {  	s10 =	smov.u32 s12;
	s12 =	smov.u32 s18;
	[sflag:s17] =	ssyncadd.s32 @!p1 s19  }
.LBB1_1:
0x1e: {  	p1 =	sgt.u32 s13, s6  }
0x1f: {  	s16 =	sshrl.u32 @!p1 s12, $0x3  }
0x20: {  	s17 =	sshll.u32 @!p1 s11, $0x3;
	s16 =	smul.u32 @!p1 $0x7A1400, s16  }
0x21: {  	s18 =	sshll.u32 @!p1 s12, $0x7;
	s17 =	sand.u32 @!p1 $0xFFFFFC00, s17  }
0x22: {  	s16 =	sadd.s32 @!p1 s16, s17;
	s17 =	sand.u32 @!p1 $0x380, s18  }
0x23: {  	s18 =	sand.u32 @!p1 $0x7F, s11;
	s16 =	sor.u32 @!p1 s17, s16  }
0x24: {  	s17 =	sor.u32 @!p1 s18, s16  }
0x25: {  	s18 =	smulhi.u32 @!p1 $0x218D6287, s17;
	_ =	sdelay $0x1  }
0x26: {  	s16 =	smulhi.u32 @!p1 $0x218D6287, s16;
	s18 =	sshrl.u32 @!p1 s18, $0x11  }
0x27: {  	s18 =	smul.u32 @!p1 $0xF4280, s18  }
0x28: {  	s19 =	sxor.u32 @!p1 $0xFFFFFFFF, s13;
	s16 =	sshrl.u32 @!p1 s16, $0x11  }
0x29: {  	s19 =	sshll.u32 @!p1 s19, $0xC;
	s16 =	sand.u32 @!p1 $0x1F, s16;
	s17 =	ssub.s32 @!p1 s17, s18  }
0x2a: {  	s16 =	smul.u32 @!p1 $0x1E850, s16;
	s18 =	sshrl.u32 @!p1 s17, $0x3;
	s17 =	sand.u32 @!p1 $0x7, s17  }
0x2b: {  	s19 =	sand.u32 @!p1 $0x1000, s19;
	s18 =	sadd.s32 @!p1 s2, s18;
	s17 =	sshll.u32 @!p1 s17, $0x12  }
0x2c: {  	s16 =	sadd.s32 @!p1 s16, s18;
	s17 =	sor.u32 @!p1 $0x400, s17;
	s18 =	simm.s32 @!p1 $0x7A1400  }
0x2d: {  	[tilespmem:s19], [sflag:$0x1] =	stream.strided.gather @!p1 [hbm4b:s16+s17], $0x1000, s18, s17, $0x38;
	[tilespmem:$0x4100] =	vst v63  }
0x2e: {  	p1 =	seq.s32 s13, $0x0  }
0x2f: {  	p2 =	sge.u32 @!p1 s13, s7  }
0x30: {  	p1 =	por p1, p2  }
.Ltmp2:
0x31: {  	_ = 	snop;
	(pc) =	sbr.rel @p1 .LBB1_5-.Ltmp2, $1  }
0x32: {  	_ =	sdelay $0x3  }
0x33: {  	s16 =	simm.s32 $0x1  }
0x34: {  	_ =	swait.ge [sflag:s4], $0x1000;
	s16 =	simm.s32 @!p0 $0x0  }
0x35: {  	[sflag:s4] =	ssyncset.done $0x0;
	s17 =	sshll.u32 s16, $0xC  }
0x36: {  	[sflag:s4] =	ssyncadd.s32 $0xFFFFF000;
	s17 =	sor.u32 $0x40, s17  }
0x37: {  	s16 =	smul.u32 $0x4200, s16;
	v0 =	vld [tilespmem:s17+$0x30]  }
0x38: {  	v1 =	vld [tilespmem:s17+$0xFFFFFFD0]  }
0x39: {  	s16 =	sshrl.u32 s16, $0x2;
	v5 =	vld [tilespmem:s17+$0xFFFFFFE0]  }
0x3a: {  	v6 =	vld [tilespmem:s17+$0xFFFFFFF0];
	s19 =	sor.u32 $0x2000, s16  }
0x3b: {  	s31 =	sand.u32 $0x1, s13;
	v4 =	vld [tilespmem:s17+$0x0];
	s18 =	sadd.s32 $0x0, s19  }
0x3c: {  	v3 =	vld [tilespmem:s17+$0x10];
	s16 =	smul.u32 $0x4200, s31;
	[tilespmem:s18+$0xE70 ss:$0x21] =	vst.msk $0xffff, v0  }
0x3d: {  	v2 =	vld [tilespmem:s17+$0x20];
	[tilespmem:s18+$0x210 ss:$0x21] =	vst.msk $0xffff, v1  }
0x3e: {  	s16 =	sshrl.u32 s16, $0x2;
	v1 =	vld [tilespmem:s17+$0xFFFFFFC0];
	[tilespmem:s18+$0x420 ss:$0x21] =	vst.msk $0xffff, v5;
	s17 =	sadd.s32 $0x80, s17  }
0x3f: {  	s20 =	simm.s32 $0x4;
	s21 =	simm.s32 $0x8;
	s16 =	sor.u32 $0x2000, s16;
	[tilespmem:s18+$0x630 ss:$0x21] =	vst.msk $0xffff, v6;
	v0 =	vld [tilespmem:s17+$0x30]  }
.LBB1_3:
0x40: {  	p1 =	sne.s32 s21, $0x7C;
	v5 =	vld [tilespmem:s17+$0xFFFFFFD0];
	[tilespmem:s18+$0x840 ss:$0x21] =	vst.msk $0xffff, v4  }
0x41: {  	v6 =	vld [tilespmem:s17+$0xFFFFFFE0];
	[tilespmem:s18+$0xA50 ss:$0x21] =	vst.msk $0xffff, v3  }
0x42: {  	s22 =	sshra.s32 s20, $0x2;
	s20 =	smov.u32 s21;
	v7 =	vld [tilespmem:s17+$0xFFFFFFF0];
	[tilespmem:s18+$0xC60 ss:$0x21] =	vst.msk $0xffff, v2  }
.Ltmp3:
0x43: {  	v4 =	vld [tilespmem:s17+$0x0];
	[tilespmem:s18+$0x0 ss:$0x21] =	vst.msk $0xffff, v1;
	s18 =	sadd.s32 s22, s19;
	(pc) =	sbr.rel @p1 .LBB1_3-.Ltmp3, $4  }
0x44: {  	v3 =	vld [tilespmem:s17+$0x10];
	[tilespmem:s18+$0xE70 ss:$0x21] =	vst.msk $0xffff, v0  }
0x45: {  	[tilespmem:s18+$0x210 ss:$0x21] =	vst.msk $0xffff, v5;
	v2 =	vld [tilespmem:s17+$0x20]  }
0x46: {  	v1 =	vld [tilespmem:s17+$0xFFFFFFC0];
	[tilespmem:s18+$0x420 ss:$0x21] =	vst.msk $0xffff, v6;
	s17 =	sadd.s32 $0x80, s17  }
0x47: {  	s21 =	sadd.s32 $0x4, s21;
	v0 =	vld [tilespmem:s17+$0x30];
	[tilespmem:s18+$0x630 ss:$0x21] =	vst.msk $0xffff, v7  }
0x48: {  	s21 =	sshll.u32 s9, $0x7;
	s22 =	sshll.u32 s10, $0x3;
	s20 =	sshra.s32 s20, $0x2  }
0x49: {  	p1 =	sgt.s32 s9, $0xF41C0;
	s30 =	sshra.s32 s9, $0x1F;
	s25 =	sshra.s32 s10, $0x1F  }
0x4a: {  	v5 =	vld [tilespmem:s17+$0xFFFFFFD0];
	s28 =	sshrl.u32 s10, $0x3;
	s23 =	sand.u32 $0xFFFFFC00, s21;
	s22 =	sand.u32 $0xFFFFFC00, s22  }
0x4b: {  	[tilespmem:s18+$0x840 ss:$0x21] =	vst.msk $0xffff, v4;
	v58 =	vld [tilespmem:s17+$0xFFFFFFE0];
	s21 =	sand.u32 $0x380, s21;
	s19 =	sadd.s32 s20, s19;
	s22 =	sadd.s32 s22, s23  }
0x4c: {  	v59 =	vld [tilespmem:s17+$0xFFFFFFF0];
	[tilespmem:s18+$0xA50 ss:$0x21] =	vst.msk $0xffff, v3;
	s29 =	sor.u32 s21, s22;
	s21 =	smov.u32 s9;
	s22 =	sand.u32 s30, s9  }
0x4d: {  	v60 =	vld [tilespmem:s17+$0x0];
	[tilespmem:s18+$0xC60 ss:$0x21] =	vst.msk $0xffff, v2;
	s30 =	sand.u32 $0x7, s10;
	s20 =	sshrl.u32 s29, $0x7;
	s21 =	simm.s32 @!p1 $0xF41C0  }
0x4e: {  	v61 =	vld [tilespmem:s17+$0x10];
	[tilespmem:s18+$0x0 ss:$0x21] =	vst.msk $0xffff, v1;
	p1 =	sgt.s32 s10, $0x60;
	s24 =	ssub.s32 s21, s22;
	s21 =	smov.u32 s10  }
0x4f: {  	v62 =	vld [tilespmem:s17+$0x20];
	[tilespmem:s19+$0xE70 ss:$0x21] =	vst.msk $0xffff, v0;
	s31 =	smulhi.u32 $0x218DEF5, s20;
	s22 =	sand.u32 s25, s10;
	s21 =	simm.s32 @!p1 $0x60  }
0x50: {  	v63 =	vld [tilespmem:s17+$0xFFFFFFC0];
	[tilespmem:s19+$0x210 ss:$0x21] =	vst.msk $0xffff, v5;
	s26 =	sadd.s32 $0xFFF0BE40, s24;
	s17 =	ssub.s32 $0xF4240, s24;
	s21 =	ssub.s32 s21, s22  }
0x51: {  	[tilespmem:s19+$0x420 ss:$0x21] =	vst.msk $0xffff, v58;
	s23 =	sshrl.u32 s31, $0xD;
	p1 =	sgt.s32 s26, $0x7F;
	s27 =	sadd.s32 $0xFFFFFFA0, s21  }
0x52: {  	[tilespmem:s19+$0x630 ss:$0x21] =	vst.msk $0xffff, v59;
	s23 =	smul.u32 $0xF4240, s23;
	s18 =	ssub.s32 $0x80, s21;
	p2 =	sgt.s32 s27, $0x1F  }
.Ltmp4:
0x53: {  	[tilespmem:s19+$0x840 ss:$0x21] =	vst.msk $0xffff, v60;
	s17 =	simm.s32 @p1 $0x0;
	s18 =	simm.s32 @p2 $0x0;
	(pc) =	sbr.rel .LBB1_5-.Ltmp4, $4  }
0x54: {  	s29 =	sand.u32 $0xF, s28;
	[tilespmem:s19+$0xA50 ss:$0x21] =	vst.msk $0xffff, v61;
	s20 =	ssub.s32 s20, s23;
	s17 =	smul.u32 s18, s17  }
0x55: {  	[tilespmem:s19+$0xC60 ss:$0x21] =	vst.msk $0xffff, v62;
	s21 =	sshll.u32 s30, $0x12;
	s20 =	sshll.u32 s20, $0x4;
	s18 =	sadd.s32 s5, s29  }
0x56: {  	[tilespmem:s19+$0x0 ss:$0x21] =	vst.msk $0xffff, v63;
	s31 =	sor.u32 $0x20, s21;
	s18 =	sadd.s32 s20, s18;
	s17 =	sand.u32 $0x3FFFFFFF, s17  }
0x57: {  	[hbm4b:s18+s31] =	stream.strided.scatter [tilespmem:s16], [sflag:$0x2], s17, s8, s31, $0x10;
	[tilespmem:$0x4100] =	vst v63  }
.LBB1_6:
0x58: {  	_ =	sfence.sel $0x180000  }
0x59: {  	s2 =	simm.s32 $0x1;
	[bflag:$0x0] =	sbarrier.arrive $0xFFFF  }
0x5a: {  	s31 =	simm.s32 $0x2;
	[sflag:s2] =	ssyncpa.u1 $0x1  }
0x5b: {  	[sflag:s31] =	ssyncpa.u1 $0x1  }
0x5c: {  	p0 =	sne.s32 s1, $0x0;
	_ =	strace $0x90000047  }
0x5d: {  	s0 =	sadd.s32 @!p0 $0x100000, s0;
	[bflag:$0x2] =	sbarrier.arrive $0xFFFF  }
0x5e: {  	[sflag:s0] =	ssyncadd.tile.s32 @!p0 $0x1;
	_ =	shalt  }
.Lfunc_end1:
_tile_overlayer_lowered:
.L_overlay_start_2:
0x5f: {  	(tag) =	ssettag $0x2  }
0x60: {  	s0 =	rddreg [dreg:$0x0];
	s2 =	stileid.u32  }
0x61: {  	s1 =	rddreg [dreg:$0x1];
	p0 =	sne.s32 s2, $0x0  }
0x62: {  	s3 =	rddreg [dreg:$0x2];
	[bflag:$0x3] =	sbarrier.arrive $0xFFFF;
	s2 =	simm.s32 @!p0 $0x1C01  }
0x63: {  	[timem:s3], [sflag:s2] =	dma.local @!p0 [hbm:s0], s1  }
0x64: {  	s0 =	simm.s32 @!p0 $0x1  }
0x65: {  	_ =	swait.ge @!p0 [sflag:s0], s1  }
0x66: {  	s1 =	ssub.s32 @!p0 $0x0, s1;
	[sflag:s0] =	ssyncset.done @!p0 $0x0  }
0x67: {  	[sflag:s0] =	ssyncadd.s32 @!p0 s1  }
0x68: {  	[bflag:$0x3] =	sbarrier.arrive $0xFFFF  }
0x69: {  	_ =	shalt  }

</sc_bundles>
